<compile_context>
chip_gen: v7x
topology: tpu7x:2x2x1
jax: 0.10.2.dev20260603
libtpu: 0.0.44.dev20260713+nightly
codegen_flags: <defaults>
</compile_context>

<pallas_src>
import functools

import jax
import jax.numpy as jnp
import numpy as np
from jax import lax
from jax.experimental import pallas as pl
from jax.experimental.pallas import tpu as pltpu
from jax.experimental.pallas import tpu_sc as plsc

PAD = 100000
D = 128
L = 200
LP = 208
UNIT = 26
UPS = LP // UNIT
BATCH = 4096
NOUT = 100
NCORES = 2
NSUB = 16
NW = NCORES * NSUB
RPW = BATCH // NW
UNITS = UPS * RPW
NSLOTS = 16
LANES = 16
NCH = D // LANES
NBH = D // 32

_PERM = np.concatenate(
    [np.concatenate([np.arange(32 * g, 32 * (g + 1), 2),
                     np.arange(32 * g + 1, 32 * (g + 1), 2)])
     for g in range(NBH)])


def _sc_rowsum(xh, table):
    mesh = plsc.VectorSubcoreMesh(
        core_axis_name="c", subcore_axis_name="s",
        num_cores=NCORES, num_subcores=NSUB)

    @functools.partial(
        pl.kernel,
        out_type=jax.ShapeDtypeStruct((BATCH, D), jnp.float32),
        mesh=mesh,
        compiler_params=pltpu.CompilerParams(
            use_tc_tiling_on_sc=False, needs_layout_passes=False),
        scratch_types=[
            pltpu.VMEM((UNITS, UNIT), jnp.int32),
            pltpu.VMEM((NSLOTS, UNIT, D), jnp.bfloat16),
            pltpu.VMEM((RPW, D), jnp.float32),
            [pltpu.SemaphoreType.DMA] * NSLOTS,
        ],
    )
    def k(x_hbm, table_hbm, out_hbm, idx_v, rows_v, out_v, sems):
        wid = lax.axis_index("s") * NCORES + lax.axis_index("c")
        base = wid * UNITS

        pltpu.sync_copy(x_hbm.at[pl.ds(base, UNITS)], idx_v)

        def gather(slot, u):
            return pltpu.make_async_copy(
                table_hbm.at[idx_v.at[u]], rows_v.at[slot], sems[slot])

        for s in range(NSLOTS):
            gather(s, s).start()

        def accum_unit(slot, accs):
            def body(t, accs):
                new = []
                for c in range(NBH):
                    v = rows_v[slot, t, pl.ds(c * 32, 32)]
                    lo, hi = plsc.unpack(
                        v, format=plsc.PackFormat.INTERLEAVED,
                        preferred_element_type=jnp.float32)
                    new.append(accs[2 * c] + lo)
                    new.append(accs[2 * c + 1] + hi)
                return tuple(new)
            return plsc.parallel_loop(0, UNIT, carry=accs, unroll=2)(body)

        def loop_body(j, carry):
            for s in range(NSLOTS):
                u = NSLOTS * j + s
                gather(s, u).wait()
                if s % UPS == 0:
                    accs = tuple(
                        jnp.zeros((LANES,), jnp.float32) for _ in range(NCH))
                accs = accum_unit(s, accs)
                if s % UPS == UPS - 1:
                    row = (NSLOTS // UPS) * j + s // UPS
                    for c in range(NCH):
                        out_v[row, pl.ds(c * LANES, LANES)] = accs[c]

                @pl.when(u + NSLOTS < UNITS)
                def _():
                    gather(s, u + NSLOTS).start()
            return carry

        lax.fori_loop(0, UNITS // NSLOTS, loop_body, 0)
        pltpu.sync_copy(out_v, out_hbm.at[pl.ds(wid * RPW, RPW)])

    return k(xh, table)


def _tc_head(x, summed, W, b):
    blk = 512
    grid = BATCH // blk

    def body(x_ref, s_ref, w_ref, b_ref, o_ref):
        cnt = jnp.sum((x_ref[...] != PAD).astype(jnp.float32),
                      axis=1, keepdims=True)
        mean = s_ref[...] / jnp.maximum(cnt, 1e-6)
        o_ref[...] = jnp.dot(mean, w_ref[...],
                             preferred_element_type=jnp.float32) + b_ref[...]

    return pl.pallas_call(
        body,
        grid=(grid,),
        in_specs=[
            pl.BlockSpec((blk, L), lambda i: (i, 0)),
            pl.BlockSpec((blk, D), lambda i: (i, 0)),
            pl.BlockSpec((D, NOUT), lambda i: (0, 0)),
            pl.BlockSpec((1, NOUT), lambda i: (0, 0)),
        ],
        out_specs=pl.BlockSpec((blk, NOUT), lambda i: (i, 0)),
        out_shape=jax.ShapeDtypeStruct((BATCH, NOUT), jnp.float32),
    )(x, summed, W, b.reshape(1, NOUT))


def kernel(x, table, W, b):
    xp = jnp.pad(x, ((0, 0), (0, LP - L)), constant_values=PAD)
    xh = xp.reshape(UPS * BATCH, UNIT)
    summed = _sc_rowsum(xh, table.astype(jnp.bfloat16))
    return _tc_head(x, summed, W[_PERM, :], b)

# --- scband reference (transcript-rebuilt; emitter-appended) ---
"""Pipeline reference for scband-mean-embed-classifier-88648124990600 (READ-ONLY COPY).

The authoritative reference and input builder live on the scoring server;
editing this copy changes nothing except your own understanding.
"""

import jax, jax.numpy as jnp
import numpy as np

PAD_IDX = 100000
N_TOKENS = 100001
EMB_DIM = 128
N_OUT = 100
B = 4096
L = 200

def setup_inputs(seed: int = 0) -> dict:
    key = jax.random.key(seed)
    k1, k2, k3, k4 = jax.random.split(key, 4)
    x = jax.random.randint(k1, (B, L), 0, 100000, dtype=jnp.int32)
    table = jax.random.normal(k2, (N_TOKENS, EMB_DIM), dtype=jnp.float32) * 0.02
    table = table.at[PAD_IDX].set(0.0)  # padding_idx row is zero
    W = jax.random.normal(k3, (EMB_DIM, N_OUT), dtype=jnp.float32) * (1.0 / np.sqrt(EMB_DIM))
    b = jax.random.normal(k4, (N_OUT,), dtype=jnp.float32) * 0.01
    return {"x": x, "table": table, "W": W, "b": b}

def reference(x, table, W, b):
    emb = jnp.take(table, x, axis=0)                      # [B, L, D] gather
    mask = (x != PAD_IDX)[..., None]                      # [B, L, 1]
    summed = (emb * mask.astype(emb.dtype)).sum(axis=1)   # [B, D]
    length = jnp.clip(mask.sum(axis=1).astype(jnp.float32), 1e-06, None)  # [B, 1]
    mean = summed / length                                # [B, D]
    return mean @ W + b                                   # [B, N_OUT]

if __name__ == "__main__":
    import jax
    _d = setup_inputs()
    print(jax.jit(kernel)(*tuple(_d.values())))

</pallas_src>

<mosaic_0001>
#map = affine_map<(d0, d1) -> (0, 0)>
module attributes {stable_mosaic.version = 14 : i64} {
  func.func @k(%arg0: i32, %arg1: i32, %arg2: memref<32768x26xi32, #tpu.memory_space<hbm>>, %arg3: memref<100001x128xbf16, #tpu.memory_space<hbm>>, %arg4: memref<4096x128xf32, #tpu.memory_space<hbm>>, %arg5: memref<1024x26xi32, #tpu.memory_space<vmem>>, %arg6: memref<16x26x128xbf16, #tpu.memory_space<vmem>>, %arg7: memref<128x128xf32, #tpu.memory_space<vmem>>, %arg8: memref<!tpu.dma_semaphore, #tpu.memory_space<semaphore_mem>>, %arg9: memref<!tpu.dma_semaphore, #tpu.memory_space<semaphore_mem>>, %arg10: memref<!tpu.dma_semaphore, #tpu.memory_space<semaphore_mem>>, %arg11: memref<!tpu.dma_semaphore, #tpu.memory_space<semaphore_mem>>, %arg12: memref<!tpu.dma_semaphore, #tpu.memory_space<semaphore_mem>>, %arg13: memref<!tpu.dma_semaphore, #tpu.memory_space<semaphore_mem>>, %arg14: memref<!tpu.dma_semaphore, #tpu.memory_space<semaphore_mem>>, %arg15: memref<!tpu.dma_semaphore, #tpu.memory_space<semaphore_mem>>, %arg16: memref<!tpu.dma_semaphore, #tpu.memory_space<semaphore_mem>>, %arg17: memref<!tpu.dma_semaphore, #tpu.memory_space<semaphore_mem>>, %arg18: memref<!tpu.dma_semaphore, #tpu.memory_space<semaphore_mem>>, %arg19: memref<!tpu.dma_semaphore, #tpu.memory_space<semaphore_mem>>, %arg20: memref<!tpu.dma_semaphore, #tpu.memory_space<semaphore_mem>>, %arg21: memref<!tpu.dma_semaphore, #tpu.memory_space<semaphore_mem>>, %arg22: memref<!tpu.dma_semaphore, #tpu.memory_space<semaphore_mem>>, %arg23: memref<!tpu.dma_semaphore, #tpu.memory_space<semaphore_mem>>) attributes {dimension_semantics = [#tpu.dimension_semantics<core_parallel>, #tpu.dimension_semantics<subcore_parallel>], iteration_bounds = array<i64: 2, 16>, scalar_prefetch = 0 : i64, scratch_operands = 19 : i64, tpu.core_type = #tpu.core_type<sc_vector_subcore>, window_params = [{transform_indices = #map}, {transform_indices = #map}, {transform_indices = #map}]} {
    %mul3A = arith.constant 2 : i32
    %mul3A_0 = arith.muli %arg1, %mul3A : i32
    %add3A = arith.addi %mul3A_0, %arg0 : i32
    %mul3A_1 = arith.constant 1024 : i32
    %mul3A_2 = arith.muli %add3A, %mul3A_1 : i32
    "tpu.region"() ({
      %run_scoped3A = tpu.sem_alloc : memref<!tpu.dma_semaphore, #tpu.memory_space<semaphore_mem>>
      %dma_start3A_201 = arith.constant 0 : i32
      %dma_start3A_202 = tpu.memref_slice %arg2[%mul3A_2, %dma_start3A_201] : memref<32768x26xi32, #tpu.memory_space<hbm>> -> memref<1024x26xi32, #tpu.memory_space<hbm>>
      %dma_start3A_203 = arith.constant 0 : i32
      %dma_start3A_204 = tpu.memref_slice %arg2[%mul3A_2, %dma_start3A_203] : memref<32768x26xi32, #tpu.memory_space<hbm>> -> memref<1024x26xi32, #tpu.memory_space<hbm>>
      tpu.enqueue_dma source(%dma_start3A_204 : memref<1024x26xi32, #tpu.memory_space<hbm>>) target(%arg5 : memref<1024x26xi32, #tpu.memory_space<vmem>>) target_semaphore(%run_scoped3A : memref<!tpu.dma_semaphore, #tpu.memory_space<semaphore_mem>>)
      %dma_wait3A = arith.constant 0 : i32
      %dma_wait3A_205 = tpu.memref_slice %arg2[%mul3A_2, %dma_wait3A] : memref<32768x26xi32, #tpu.memory_space<hbm>> -> memref<1024x26xi32, #tpu.memory_space<hbm>>
      %dma_wait3A_206 = arith.constant 0 : i32
      %dma_wait3A_207 = tpu.memref_slice %arg2[%mul3A_2, %dma_wait3A_206] : memref<32768x26xi32, #tpu.memory_space<hbm>> -> memref<1024x26xi32, #tpu.memory_space<hbm>>
      tpu.wait_dma2 semaphore(%run_scoped3A : memref<!tpu.dma_semaphore, #tpu.memory_space<semaphore_mem>>) src(%dma_wait3A_207 : memref<1024x26xi32, #tpu.memory_space<hbm>>) dst(%arg5 : memref<1024x26xi32, #tpu.memory_space<vmem>>)
      tpu.yield
    }) : () -> ()
    %dma_start3A = arith.constant 0 : i32
    %dma_start3A_3 = arith.constant 0 : i32
    %dma_start3A_4 = arith.constant 0 : i32
    %dma_start3A_5 = arith.constant 0 : i32
    %dma_start3A_6 = tpu.memref_slice %arg6[%dma_start3A_3, %dma_start3A_4, %dma_start3A_5] : memref<16x26x128xbf16, #tpu.memory_space<vmem>> -> memref<1x26x128xbf16, #tpu.memory_space<vmem>>
    %dma_start3A_7 = tpu.memref_squeeze %dma_start3A_6 : memref<1x26x128xbf16, #tpu.memory_space<vmem>> -> memref<26x128xbf16, #tpu.memory_space<vmem>>
    %dma_start3A_8 = arith.constant 0 : i32
    %dma_start3A_9 = tpu.memref_slice %arg5[%dma_start3A, %dma_start3A_8] : memref<1024x26xi32, #tpu.memory_space<vmem>> -> memref<1x26xi32, #tpu.memory_space<vmem>>
    %dma_start3A_10 = tpu.memref_squeeze %dma_start3A_9 : memref<1x26xi32, #tpu.memory_space<vmem>> -> memref<26xi32, #tpu.memory_space<vmem>>
    %dma_start3A_11 = arith.constant 0 : i32
    %dma_start3A_12 = arith.constant 0 : i32
    %dma_start3A_13 = tpu.memref_slice %arg3[%dma_start3A_11, %dma_start3A_12] : memref<100001x128xbf16, #tpu.memory_space<hbm>> -> memref<100001x128xbf16, #tpu.memory_space<hbm>>
    tpu.enqueue_indirect_dma source(%dma_start3A_13 : memref<100001x128xbf16, #tpu.memory_space<hbm>>) target(%dma_start3A_7 : memref<26x128xbf16, #tpu.memory_space<vmem>>) offsets(%dma_start3A_10 : memref<26xi32, #tpu.memory_space<vmem>>) semaphore(%arg8 : memref<!tpu.dma_semaphore, #tpu.memory_space<semaphore_mem>>)
    %dma_start3A_14 = arith.constant 1 : i32
    %dma_start3A_15 = arith.constant 1 : i32
    %dma_start3A_16 = arith.constant 0 : i32
    %dma_start3A_17 = arith.constant 0 : i32
    %dma_start3A_18 = tpu.memref_slice %arg6[%dma_start3A_15, %dma_start3A_16, %dma_start3A_17] : memref<16x26x128xbf16, #tpu.memory_space<vmem>> -> memref<1x26x128xbf16, #tpu.memory_space<vmem>>
    %dma_start3A_19 = tpu.memref_squeeze %dma_start3A_18 : memref<1x26x128xbf16, #tpu.memory_space<vmem>> -> memref<26x128xbf16, #tpu.memory_space<vmem>>
    %dma_start3A_20 = arith.constant 0 : i32
    %dma_start3A_21 = tpu.memref_slice %arg5[%dma_start3A_14, %dma_start3A_20] : memref<1024x26xi32, #tpu.memory_space<vmem>> -> memref<1x26xi32, #tpu.memory_space<vmem>>
    %dma_start3A_22 = tpu.memref_squeeze %dma_start3A_21 : memref<1x26xi32, #tpu.memory_space<vmem>> -> memref<26xi32, #tpu.memory_space<vmem>>
    %dma_start3A_23 = arith.constant 0 : i32
    %dma_start3A_24 = arith.constant 0 : i32
    %dma_start3A_25 = tpu.memref_slice %arg3[%dma_start3A_23, %dma_start3A_24] : memref<100001x128xbf16, #tpu.memory_space<hbm>> -> memref<100001x128xbf16, #tpu.memory_space<hbm>>
    tpu.enqueue_indirect_dma source(%dma_start3A_25 : memref<100001x128xbf16, #tpu.memory_space<hbm>>) target(%dma_start3A_19 : memref<26x128xbf16, #tpu.memory_space<vmem>>) offsets(%dma_start3A_22 : memref<26xi32, #tpu.memory_space<vmem>>) semaphore(%arg9 : memref<!tpu.dma_semaphore, #tpu.memory_space<semaphore_mem>>)
    %dma_start3A_26 = arith.constant 2 : i32
    %dma_start3A_27 = arith.constant 2 : i32
    %dma_start3A_28 = arith.constant 0 : i32
    %dma_start3A_29 = arith.constant 0 : i32
    %dma_start3A_30 = tpu.memref_slice %arg6[%dma_start3A_27, %dma_start3A_28, %dma_start3A_29] : memref<16x26x128xbf16, #tpu.memory_space<vmem>> -> memref<1x26x128xbf16, #tpu.memory_space<vmem>>
    %dma_start3A_31 = tpu.memref_squeeze %dma_start3A_30 : memref<1x26x128xbf16, #tpu.memory_space<vmem>> -> memref<26x128xbf16, #tpu.memory_space<vmem>>
    %dma_start3A_32 = arith.constant 0 : i32
    %dma_start3A_33 = tpu.memref_slice %arg5[%dma_start3A_26, %dma_start3A_32] : memref<1024x26xi32, #tpu.memory_space<vmem>> -> memref<1x26xi32, #tpu.memory_space<vmem>>
    %dma_start3A_34 = tpu.memref_squeeze %dma_start3A_33 : memref<1x26xi32, #tpu.memory_space<vmem>> -> memref<26xi32, #tpu.memory_space<vmem>>
    %dma_start3A_35 = arith.constant 0 : i32
    %dma_start3A_36 = arith.constant 0 : i32
    %dma_start3A_37 = tpu.memref_slice %arg3[%dma_start3A_35, %dma_start3A_36] : memref<100001x128xbf16, #tpu.memory_space<hbm>> -> memref<100001x128xbf16, #tpu.memory_space<hbm>>
    tpu.enqueue_indirect_dma source(%dma_start3A_37 : memref<100001x128xbf16, #tpu.memory_space<hbm>>) target(%dma_start3A_31 : memref<26x128xbf16, #tpu.memory_space<vmem>>) offsets(%dma_start3A_34 : memref<26xi32, #tpu.memory_space<vmem>>) semaphore(%arg10 : memref<!tpu.dma_semaphore, #tpu.memory_space<semaphore_mem>>)
    %dma_start3A_38 = arith.constant 3 : i32
    %dma_start3A_39 = arith.constant 3 : i32
    %dma_start3A_40 = arith.constant 0 : i32
    %dma_start3A_41 = arith.constant 0 : i32
    %dma_start3A_42 = tpu.memref_slice %arg6[%dma_start3A_39, %dma_start3A_40, %dma_start3A_41] : memref<16x26x128xbf16, #tpu.memory_space<vmem>> -> memref<1x26x128xbf16, #tpu.memory_space<vmem>>
    %dma_start3A_43 = tpu.memref_squeeze %dma_start3A_42 : memref<1x26x128xbf16, #tpu.memory_space<vmem>> -> memref<26x128xbf16, #tpu.memory_space<vmem>>
    %dma_start3A_44 = arith.constant 0 : i32
    %dma_start3A_45 = tpu.memref_slice %arg5[%dma_start3A_38, %dma_start3A_44] : memref<1024x26xi32, #tpu.memory_space<vmem>> -> memref<1x26xi32, #tpu.memory_space<vmem>>
    %dma_start3A_46 = tpu.memref_squeeze %dma_start3A_45 : memref<1x26xi32, #tpu.memory_space<vmem>> -> memref<26xi32, #tpu.memory_space<vmem>>
    %dma_start3A_47 = arith.constant 0 : i32
    %dma_start3A_48 = arith.constant 0 : i32
    %dma_start3A_49 = tpu.memref_slice %arg3[%dma_start3A_47, %dma_start3A_48] : memref<100001x128xbf16, #tpu.memory_space<hbm>> -> memref<100001x128xbf16, #tpu.memory_space<hbm>>
    tpu.enqueue_indirect_dma source(%dma_start3A_49 : memref<100001x128xbf16, #tpu.memory_space<hbm>>) target(%dma_start3A_43 : memref<26x128xbf16, #tpu.memory_space<vmem>>) offsets(%dma_start3A_46 : memref<26xi32, #tpu.memory_space<vmem>>) semaphore(%arg11 : memref<!tpu.dma_semaphore, #tpu.memory_space<semaphore_mem>>)
    %dma_start3A_50 = arith.constant 4 : i32
    %dma_start3A_51 = arith.constant 4 : i32
    %dma_start3A_52 = arith.constant 0 : i32
    %dma_start3A_53 = arith.constant 0 : i32
    %dma_start3A_54 = tpu.memref_slice %arg6[%dma_start3A_51, %dma_start3A_52, %dma_start3A_53] : memref<16x26x128xbf16, #tpu.memory_space<vmem>> -> memref<1x26x128xbf16, #tpu.memory_space<vmem>>
    %dma_start3A_55 = tpu.memref_squeeze %dma_start3A_54 : memref<1x26x128xbf16, #tpu.memory_space<vmem>> -> memref<26x128xbf16, #tpu.memory_space<vmem>>
    %dma_start3A_56 = arith.constant 0 : i32
    %dma_start3A_57 = tpu.memref_slice %arg5[%dma_start3A_50, %dma_start3A_56] : memref<1024x26xi32, #tpu.memory_space<vmem>> -> memref<1x26xi32, #tpu.memory_space<vmem>>
    %dma_start3A_58 = tpu.memref_squeeze %dma_start3A_57 : memref<1x26xi32, #tpu.memory_space<vmem>> -> memref<26xi32, #tpu.memory_space<vmem>>
    %dma_start3A_59 = arith.constant 0 : i32
    %dma_start3A_60 = arith.constant 0 : i32
    %dma_start3A_61 = tpu.memref_slice %arg3[%dma_start3A_59, %dma_start3A_60] : memref<100001x128xbf16, #tpu.memory_space<hbm>> -> memref<100001x128xbf16, #tpu.memory_space<hbm>>
    tpu.enqueue_indirect_dma source(%dma_start3A_61 : memref<100001x128xbf16, #tpu.memory_space<hbm>>) target(%dma_start3A_55 : memref<26x128xbf16, #tpu.memory_space<vmem>>) offsets(%dma_start3A_58 : memref<26xi32, #tpu.memory_space<vmem>>) semaphore(%arg12 : memref<!tpu.dma_semaphore, #tpu.memory_space<semaphore_mem>>)
    %dma_start3A_62 = arith.constant 5 : i32
    %dma_start3A_63 = arith.constant 5 : i32
    %dma_start3A_64 = arith.constant 0 : i32
    %dma_start3A_65 = arith.constant 0 : i32
    %dma_start3A_66 = tpu.memref_slice %arg6[%dma_start3A_63, %dma_start3A_64, %dma_start3A_65] : memref<16x26x128xbf16, #tpu.memory_space<vmem>> -> memref<1x26x128xbf16, #tpu.memory_space<vmem>>
    %dma_start3A_67 = tpu.memref_squeeze %dma_start3A_66 : memref<1x26x128xbf16, #tpu.memory_space<vmem>> -> memref<26x128xbf16, #tpu.memory_space<vmem>>
    %dma_start3A_68 = arith.constant 0 : i32
    %dma_start3A_69 = tpu.memref_slice %arg5[%dma_start3A_62, %dma_start3A_68] : memref<1024x26xi32, #tpu.memory_space<vmem>> -> memref<1x26xi32, #tpu.memory_space<vmem>>
    %dma_start3A_70 = tpu.memref_squeeze %dma_start3A_69 : memref<1x26xi32, #tpu.memory_space<vmem>> -> memref<26xi32, #tpu.memory_space<vmem>>
    %dma_start3A_71 = arith.constant 0 : i32
    %dma_start3A_72 = arith.constant 0 : i32
    %dma_start3A_73 = tpu.memref_slice %arg3[%dma_start3A_71, %dma_start3A_72] : memref<100001x128xbf16, #tpu.memory_space<hbm>> -> memref<100001x128xbf16, #tpu.memory_space<hbm>>
    tpu.enqueue_indirect_dma source(%dma_start3A_73 : memref<100001x128xbf16, #tpu.memory_space<hbm>>) target(%dma_start3A_67 : memref<26x128xbf16, #tpu.memory_space<vmem>>) offsets(%dma_start3A_70 : memref<26xi32, #tpu.memory_space<vmem>>) semaphore(%arg13 : memref<!tpu.dma_semaphore, #tpu.memory_space<semaphore_mem>>)
    %dma_start3A_74 = arith.constant 6 : i32
    %dma_start3A_75 = arith.constant 6 : i32
    %dma_start3A_76 = arith.constant 0 : i32
    %dma_start3A_77 = arith.constant 0 : i32
    %dma_start3A_78 = tpu.memref_slice %arg6[%dma_start3A_75, %dma_start3A_76, %dma_start3A_77] : memref<16x26x128xbf16, #tpu.memory_space<vmem>> -> memref<1x26x128xbf16, #tpu.memory_space<vmem>>
    %dma_start3A_79 = tpu.memref_squeeze %dma_start3A_78 : memref<1x26x128xbf16, #tpu.memory_space<vmem>> -> memref<26x128xbf16, #tpu.memory_space<vmem>>
    %dma_start3A_80 = arith.constant 0 : i32
    %dma_start3A_81 = tpu.memref_slice %arg5[%dma_start3A_74, %dma_start3A_80] : memref<1024x26xi32, #tpu.memory_space<vmem>> -> memref<1x26xi32, #tpu.memory_space<vmem>>
    %dma_start3A_82 = tpu.memref_squeeze %dma_start3A_81 : memref<1x26xi32, #tpu.memory_space<vmem>> -> memref<26xi32, #tpu.memory_space<vmem>>
    %dma_start3A_83 = arith.constant 0 : i32
    %dma_start3A_84 = arith.constant 0 : i32
    %dma_start3A_85 = tpu.memref_slice %arg3[%dma_start3A_83, %dma_start3A_84] : memref<100001x128xbf16, #tpu.memory_space<hbm>> -> memref<100001x128xbf16, #tpu.memory_space<hbm>>
    tpu.enqueue_indirect_dma source(%dma_start3A_85 : memref<100001x128xbf16, #tpu.memory_space<hbm>>) target(%dma_start3A_79 : memref<26x128xbf16, #tpu.memory_space<vmem>>) offsets(%dma_start3A_82 : memref<26xi32, #tpu.memory_space<vmem>>) semaphore(%arg14 : memref<!tpu.dma_semaphore, #tpu.memory_space<semaphore_mem>>)
    %dma_start3A_86 = arith.constant 7 : i32
    %dma_start3A_87 = arith.constant 7 : i32
    %dma_start3A_88 = arith.constant 0 : i32
    %dma_start3A_89 = arith.constant 0 : i32
    %dma_start3A_90 = tpu.memref_slice %arg6[%dma_start3A_87, %dma_start3A_88, %dma_start3A_89] : memref<16x26x128xbf16, #tpu.memory_space<vmem>> -> memref<1x26x128xbf16, #tpu.memory_space<vmem>>
    %dma_start3A_91 = tpu.memref_squeeze %dma_start3A_90 : memref<1x26x128xbf16, #tpu.memory_space<vmem>> -> memref<26x128xbf16, #tpu.memory_space<vmem>>
    %dma_start3A_92 = arith.constant 0 : i32
    %dma_start3A_93 = tpu.memref_slice %arg5[%dma_start3A_86, %dma_start3A_92] : memref<1024x26xi32, #tpu.memory_space<vmem>> -> memref<1x26xi32, #tpu.memory_space<vmem>>
    %dma_start3A_94 = tpu.memref_squeeze %dma_start3A_93 : memref<1x26xi32, #tpu.memory_space<vmem>> -> memref<26xi32, #tpu.memory_space<vmem>>
    %dma_start3A_95 = arith.constant 0 : i32
    %dma_start3A_96 = arith.constant 0 : i32
    %dma_start3A_97 = tpu.memref_slice %arg3[%dma_start3A_95, %dma_start3A_96] : memref<100001x128xbf16, #tpu.memory_space<hbm>> -> memref<100001x128xbf16, #tpu.memory_space<hbm>>
    tpu.enqueue_indirect_dma source(%dma_start3A_97 : memref<100001x128xbf16, #tpu.memory_space<hbm>>) target(%dma_start3A_91 : memref<26x128xbf16, #tpu.memory_space<vmem>>) offsets(%dma_start3A_94 : memref<26xi32, #tpu.memory_space<vmem>>) semaphore(%arg15 : memref<!tpu.dma_semaphore, #tpu.memory_space<semaphore_mem>>)
    %dma_start3A_98 = arith.constant 8 : i32
    %dma_start3A_99 = arith.constant 8 : i32
    %dma_start3A_100 = arith.constant 0 : i32
    %dma_start3A_101 = arith.constant 0 : i32
    %dma_start3A_102 = tpu.memref_slice %arg6[%dma_start3A_99, %dma_start3A_100, %dma_start3A_101] : memref<16x26x128xbf16, #tpu.memory_space<vmem>> -> memref<1x26x128xbf16, #tpu.memory_space<vmem>>
    %dma_start3A_103 = tpu.memref_squeeze %dma_start3A_102 : memref<1x26x128xbf16, #tpu.memory_space<vmem>> -> memref<26x128xbf16, #tpu.memory_space<vmem>>
    %dma_start3A_104 = arith.constant 0 : i32
    %dma_start3A_105 = tpu.memref_slice %arg5[%dma_start3A_98, %dma_start3A_104] : memref<1024x26xi32, #tpu.memory_space<vmem>> -> memref<1x26xi32, #tpu.memory_space<vmem>>
    %dma_start3A_106 = tpu.memref_squeeze %dma_start3A_105 : memref<1x26xi32, #tpu.memory_space<vmem>> -> memref<26xi32, #tpu.memory_space<vmem>>
    %dma_start3A_107 = arith.constant 0 : i32
    %dma_start3A_108 = arith.constant 0 : i32
    %dma_start3A_109 = tpu.memref_slice %arg3[%dma_start3A_107, %dma_start3A_108] : memref<100001x128xbf16, #tpu.memory_space<hbm>> -> memref<100001x128xbf16, #tpu.memory_space<hbm>>
    tpu.enqueue_indirect_dma source(%dma_start3A_109 : memref<100001x128xbf16, #tpu.memory_space<hbm>>) target(%dma_start3A_103 : memref<26x128xbf16, #tpu.memory_space<vmem>>) offsets(%dma_start3A_106 : memref<26xi32, #tpu.memory_space<vmem>>) semaphore(%arg16 : memref<!tpu.dma_semaphore, #tpu.memory_space<semaphore_mem>>)
    %dma_start3A_110 = arith.constant 9 : i32
    %dma_start3A_111 = arith.constant 9 : i32
    %dma_start3A_112 = arith.constant 0 : i32
    %dma_start3A_113 = arith.constant 0 : i32
    %dma_start3A_114 = tpu.memref_slice %arg6[%dma_start3A_111, %dma_start3A_112, %dma_start3A_113] : memref<16x26x128xbf16, #tpu.memory_space<vmem>> -> memref<1x26x128xbf16, #tpu.memory_space<vmem>>
    %dma_start3A_115 = tpu.memref_squeeze %dma_start3A_114 : memref<1x26x128xbf16, #tpu.memory_space<vmem>> -> memref<26x128xbf16, #tpu.memory_space<vmem>>
    %dma_start3A_116 = arith.constant 0 : i32
    %dma_start3A_117 = tpu.memref_slice %arg5[%dma_start3A_110, %dma_start3A_116] : memref<1024x26xi32, #tpu.memory_space<vmem>> -> memref<1x26xi32, #tpu.memory_space<vmem>>
    %dma_start3A_118 = tpu.memref_squeeze %dma_start3A_117 : memref<1x26xi32, #tpu.memory_space<vmem>> -> memref<26xi32, #tpu.memory_space<vmem>>
    %dma_start3A_119 = arith.constant 0 : i32
    %dma_start3A_120 = arith.constant 0 : i32
    %dma_start3A_121 = tpu.memref_slice %arg3[%dma_start3A_119, %dma_start3A_120] : memref<100001x128xbf16, #tpu.memory_space<hbm>> -> memref<100001x128xbf16, #tpu.memory_space<hbm>>
    tpu.enqueue_indirect_dma source(%dma_start3A_121 : memref<100001x128xbf16, #tpu.memory_space<hbm>>) target(%dma_start3A_115 : memref<26x128xbf16, #tpu.memory_space<vmem>>) offsets(%dma_start3A_118 : memref<26xi32, #tpu.memory_space<vmem>>) semaphore(%arg17 : memref<!tpu.dma_semaphore, #tpu.memory_space<semaphore_mem>>)
    %dma_start3A_122 = arith.constant 10 : i32
    %dma_start3A_123 = arith.constant 10 : i32
    %dma_start3A_124 = arith.constant 0 : i32
    %dma_start3A_125 = arith.constant 0 : i32
    %dma_start3A_126 = tpu.memref_slice %arg6[%dma_start3A_123, %dma_start3A_124, %dma_start3A_125] : memref<16x26x128xbf16, #tpu.memory_space<vmem>> -> memref<1x26x128xbf16, #tpu.memory_space<vmem>>
    %dma_start3A_127 = tpu.memref_squeeze %dma_start3A_126 : memref<1x26x128xbf16, #tpu.memory_space<vmem>> -> memref<26x128xbf16, #tpu.memory_space<vmem>>
    %dma_start3A_128 = arith.constant 0 : i32
    %dma_start3A_129 = tpu.memref_slice %arg5[%dma_start3A_122, %dma_start3A_128] : memref<1024x26xi32, #tpu.memory_space<vmem>> -> memref<1x26xi32, #tpu.memory_space<vmem>>
    %dma_start3A_130 = tpu.memref_squeeze %dma_start3A_129 : memref<1x26xi32, #tpu.memory_space<vmem>> -> memref<26xi32, #tpu.memory_space<vmem>>
    %dma_start3A_131 = arith.constant 0 : i32
    %dma_start3A_132 = arith.constant 0 : i32
    %dma_start3A_133 = tpu.memref_slice %arg3[%dma_start3A_131, %dma_start3A_132] : memref<100001x128xbf16, #tpu.memory_space<hbm>> -> memref<100001x128xbf16, #tpu.memory_space<hbm>>
    tpu.enqueue_indirect_dma source(%dma_start3A_133 : memref<100001x128xbf16, #tpu.memory_space<hbm>>) target(%dma_start3A_127 : memref<26x128xbf16, #tpu.memory_space<vmem>>) offsets(%dma_start3A_130 : memref<26xi32, #tpu.memory_space<vmem>>) semaphore(%arg18 : memref<!tpu.dma_semaphore, #tpu.memory_space<semaphore_mem>>)
    %dma_start3A_134 = arith.constant 11 : i32
    %dma_start3A_135 = arith.constant 11 : i32
    %dma_start3A_136 = arith.constant 0 : i32
    %dma_start3A_137 = arith.constant 0 : i32
    %dma_start3A_138 = tpu.memref_slice %arg6[%dma_start3A_135, %dma_start3A_136, %dma_start3A_137] : memref<16x26x128xbf16, #tpu.memory_space<vmem>> -> memref<1x26x128xbf16, #tpu.memory_space<vmem>>
    %dma_start3A_139 = tpu.memref_squeeze %dma_start3A_138 : memref<1x26x128xbf16, #tpu.memory_space<vmem>> -> memref<26x128xbf16, #tpu.memory_space<vmem>>
    %dma_start3A_140 = arith.constant 0 : i32
    %dma_start3A_141 = tpu.memref_slice %arg5[%dma_start3A_134, %dma_start3A_140] : memref<1024x26xi32, #tpu.memory_space<vmem>> -> memref<1x26xi32, #tpu.memory_space<vmem>>
    %dma_start3A_142 = tpu.memref_squeeze %dma_start3A_141 : memref<1x26xi32, #tpu.memory_space<vmem>> -> memref<26xi32, #tpu.memory_space<vmem>>
    %dma_start3A_143 = arith.constant 0 : i32
    %dma_start3A_144 = arith.constant 0 : i32
    %dma_start3A_145 = tpu.memref_slice %arg3[%dma_start3A_143, %dma_start3A_144] : memref<100001x128xbf16, #tpu.memory_space<hbm>> -> memref<100001x128xbf16, #tpu.memory_space<hbm>>
    tpu.enqueue_indirect_dma source(%dma_start3A_145 : memref<100001x128xbf16, #tpu.memory_space<hbm>>) target(%dma_start3A_139 : memref<26x128xbf16, #tpu.memory_space<vmem>>) offsets(%dma_start3A_142 : memref<26xi32, #tpu.memory_space<vmem>>) semaphore(%arg19 : memref<!tpu.dma_semaphore, #tpu.memory_space<semaphore_mem>>)
    %dma_start3A_146 = arith.constant 12 : i32
    %dma_start3A_147 = arith.constant 12 : i32
    %dma_start3A_148 = arith.constant 0 : i32
    %dma_start3A_149 = arith.constant 0 : i32
    %dma_start3A_150 = tpu.memref_slice %arg6[%dma_start3A_147, %dma_start3A_148, %dma_start3A_149] : memref<16x26x128xbf16, #tpu.memory_space<vmem>> -> memref<1x26x128xbf16, #tpu.memory_space<vmem>>
    %dma_start3A_151 = tpu.memref_squeeze %dma_start3A_150 : memref<1x26x128xbf16, #tpu.memory_space<vmem>> -> memref<26x128xbf16, #tpu.memory_space<vmem>>
    %dma_start3A_152 = arith.constant 0 : i32
    %dma_start3A_153 = tpu.memref_slice %arg5[%dma_start3A_146, %dma_start3A_152] : memref<1024x26xi32, #tpu.memory_space<vmem>> -> memref<1x26xi32, #tpu.memory_space<vmem>>
    %dma_start3A_154 = tpu.memref_squeeze %dma_start3A_153 : memref<1x26xi32, #tpu.memory_space<vmem>> -> memref<26xi32, #tpu.memory_space<vmem>>
    %dma_start3A_155 = arith.constant 0 : i32
    %dma_start3A_156 = arith.constant 0 : i32
    %dma_start3A_157 = tpu.memref_slice %arg3[%dma_start3A_155, %dma_start3A_156] : memref<100001x128xbf16, #tpu.memory_space<hbm>> -> memref<100001x128xbf16, #tpu.memory_space<hbm>>
    tpu.enqueue_indirect_dma source(%dma_start3A_157 : memref<100001x128xbf16, #tpu.memory_space<hbm>>) target(%dma_start3A_151 : memref<26x128xbf16, #tpu.memory_space<vmem>>) offsets(%dma_start3A_154 : memref<26xi32, #tpu.memory_space<vmem>>) semaphore(%arg20 : memref<!tpu.dma_semaphore, #tpu.memory_space<semaphore_mem>>)
    %dma_start3A_158 = arith.constant 13 : i32
    %dma_start3A_159 = arith.constant 13 : i32
    %dma_start3A_160 = arith.constant 0 : i32
    %dma_start3A_161 = arith.constant 0 : i32
    %dma_start3A_162 = tpu.memref_slice %arg6[%dma_start3A_159, %dma_start3A_160, %dma_start3A_161] : memref<16x26x128xbf16, #tpu.memory_space<vmem>> -> memref<1x26x128xbf16, #tpu.memory_space<vmem>>
    %dma_start3A_163 = tpu.memref_squeeze %dma_start3A_162 : memref<1x26x128xbf16, #tpu.memory_space<vmem>> -> memref<26x128xbf16, #tpu.memory_space<vmem>>
    %dma_start3A_164 = arith.constant 0 : i32
    %dma_start3A_165 = tpu.memref_slice %arg5[%dma_start3A_158, %dma_start3A_164] : memref<1024x26xi32, #tpu.memory_space<vmem>> -> memref<1x26xi32, #tpu.memory_space<vmem>>
    %dma_start3A_166 = tpu.memref_squeeze %dma_start3A_165 : memref<1x26xi32, #tpu.memory_space<vmem>> -> memref<26xi32, #tpu.memory_space<vmem>>
    %dma_start3A_167 = arith.constant 0 : i32
    %dma_start3A_168 = arith.constant 0 : i32
    %dma_start3A_169 = tpu.memref_slice %arg3[%dma_start3A_167, %dma_start3A_168] : memref<100001x128xbf16, #tpu.memory_space<hbm>> -> memref<100001x128xbf16, #tpu.memory_space<hbm>>
    tpu.enqueue_indirect_dma source(%dma_start3A_169 : memref<100001x128xbf16, #tpu.memory_space<hbm>>) target(%dma_start3A_163 : memref<26x128xbf16, #tpu.memory_space<vmem>>) offsets(%dma_start3A_166 : memref<26xi32, #tpu.memory_space<vmem>>) semaphore(%arg21 : memref<!tpu.dma_semaphore, #tpu.memory_space<semaphore_mem>>)
    %dma_start3A_170 = arith.constant 14 : i32
    %dma_start3A_171 = arith.constant 14 : i32
    %dma_start3A_172 = arith.constant 0 : i32
    %dma_start3A_173 = arith.constant 0 : i32
    %dma_start3A_174 = tpu.memref_slice %arg6[%dma_start3A_171, %dma_start3A_172, %dma_start3A_173] : memref<16x26x128xbf16, #tpu.memory_space<vmem>> -> memref<1x26x128xbf16, #tpu.memory_space<vmem>>
    %dma_start3A_175 = tpu.memref_squeeze %dma_start3A_174 : memref<1x26x128xbf16, #tpu.memory_space<vmem>> -> memref<26x128xbf16, #tpu.memory_space<vmem>>
    %dma_start3A_176 = arith.constant 0 : i32
    %dma_start3A_177 = tpu.memref_slice %arg5[%dma_start3A_170, %dma_start3A_176] : memref<1024x26xi32, #tpu.memory_space<vmem>> -> memref<1x26xi32, #tpu.memory_space<vmem>>
    %dma_start3A_178 = tpu.memref_squeeze %dma_start3A_177 : memref<1x26xi32, #tpu.memory_space<vmem>> -> memref<26xi32, #tpu.memory_space<vmem>>
    %dma_start3A_179 = arith.constant 0 : i32
    %dma_start3A_180 = arith.constant 0 : i32
    %dma_start3A_181 = tpu.memref_slice %arg3[%dma_start3A_179, %dma_start3A_180] : memref<100001x128xbf16, #tpu.memory_space<hbm>> -> memref<100001x128xbf16, #tpu.memory_space<hbm>>
    tpu.enqueue_indirect_dma source(%dma_start3A_181 : memref<100001x128xbf16, #tpu.memory_space<hbm>>) target(%dma_start3A_175 : memref<26x128xbf16, #tpu.memory_space<vmem>>) offsets(%dma_start3A_178 : memref<26xi32, #tpu.memory_space<vmem>>) semaphore(%arg22 : memref<!tpu.dma_semaphore, #tpu.memory_space<semaphore_mem>>)
    %dma_start3A_182 = arith.constant 15 : i32
    %dma_start3A_183 = arith.constant 15 : i32
    %dma_start3A_184 = arith.constant 0 : i32
    %dma_start3A_185 = arith.constant 0 : i32
    %dma_start3A_186 = tpu.memref_slice %arg6[%dma_start3A_183, %dma_start3A_184, %dma_start3A_185] : memref<16x26x128xbf16, #tpu.memory_space<vmem>> -> memref<1x26x128xbf16, #tpu.memory_space<vmem>>
    %dma_start3A_187 = tpu.memref_squeeze %dma_start3A_186 : memref<1x26x128xbf16, #tpu.memory_space<vmem>> -> memref<26x128xbf16, #tpu.memory_space<vmem>>
    %dma_start3A_188 = arith.constant 0 : i32
    %dma_start3A_189 = tpu.memref_slice %arg5[%dma_start3A_182, %dma_start3A_188] : memref<1024x26xi32, #tpu.memory_space<vmem>> -> memref<1x26xi32, #tpu.memory_space<vmem>>
    %dma_start3A_190 = tpu.memref_squeeze %dma_start3A_189 : memref<1x26xi32, #tpu.memory_space<vmem>> -> memref<26xi32, #tpu.memory_space<vmem>>
    %dma_start3A_191 = arith.constant 0 : i32
    %dma_start3A_192 = arith.constant 0 : i32
    %dma_start3A_193 = tpu.memref_slice %arg3[%dma_start3A_191, %dma_start3A_192] : memref<100001x128xbf16, #tpu.memory_space<hbm>> -> memref<100001x128xbf16, #tpu.memory_space<hbm>>
    tpu.enqueue_indirect_dma source(%dma_start3A_193 : memref<100001x128xbf16, #tpu.memory_space<hbm>>) target(%dma_start3A_187 : memref<26x128xbf16, #tpu.memory_space<vmem>>) offsets(%dma_start3A_190 : memref<26xi32, #tpu.memory_space<vmem>>) semaphore(%arg23 : memref<!tpu.dma_semaphore, #tpu.memory_space<semaphore_mem>>)
    %scan3A = arith.constant 0 : i32
    %scan3A_194 = arith.constant 0 : i32
    %scan3A_195 = arith.constant 64 : i32
    %scan3A_196 = arith.addi %scan3A_194, %scan3A_195 : i32
    %scan3A_197 = arith.constant 1 : i32
    scf.for %scan3A_201 = %scan3A_194 to %scan3A_196 step %scan3A_197  : i32 {
      %mul3A_202 = arith.constant 16 : i32
      %mul3A_203 = arith.muli %mul3A_202, %scan3A_201 : i32
      %add3A_204 = arith.constant 0 : i32
      %add3A_205 = arith.addi %mul3A_203, %add3A_204 : i32
      %dma_wait3A = arith.constant 0 : i32
      %dma_wait3A_206 = arith.constant 0 : i32
      %dma_wait3A_207 = arith.constant 0 : i32
      %dma_wait3A_208 = tpu.memref_slice %arg6[%dma_wait3A, %dma_wait3A_206, %dma_wait3A_207] : memref<16x26x128xbf16, #tpu.memory_space<vmem>> -> memref<1x26x128xbf16, #tpu.memory_space<vmem>>
      %dma_wait3A_209 = tpu.memref_squeeze %dma_wait3A_208 : memref<1x26x128xbf16, #tpu.memory_space<vmem>> -> memref<26x128xbf16, #tpu.memory_space<vmem>>
      %dma_wait3A_210 = arith.constant 0 : i32
      %dma_wait3A_211 = tpu.memref_slice %arg5[%add3A_205, %dma_wait3A_210] : memref<1024x26xi32, #tpu.memory_space<vmem>> -> memref<1x26xi32, #tpu.memory_space<vmem>>
      %dma_wait3A_212 = tpu.memref_squeeze %dma_wait3A_211 : memref<1x26xi32, #tpu.memory_space<vmem>> -> memref<26xi32, #tpu.memory_space<vmem>>
      %dma_wait3A_213 = arith.constant 0 : i32
      %dma_wait3A_214 = arith.constant 0 : i32
      %dma_wait3A_215 = tpu.memref_slice %arg3[%dma_wait3A_213, %dma_wait3A_214] : memref<100001x128xbf16, #tpu.memory_space<hbm>> -> memref<100001x128xbf16, #tpu.memory_space<hbm>>
      tpu.wait_indirect_dma semaphore(%arg8 : memref<!tpu.dma_semaphore, #tpu.memory_space<semaphore_mem>>) src(%dma_wait3A_215 : memref<100001x128xbf16, #tpu.memory_space<hbm>>) dst(%dma_wait3A_209 : memref<26x128xbf16, #tpu.memory_space<vmem>>)
      %broadcast_in_dim3A = arith.constant 0.000000e+00 : f32
      %broadcast_in_dim3A_216 = vector.broadcast %broadcast_in_dim3A : f32 to vector<16xf32>
      %broadcast_in_dim3A_217 = arith.constant 0.000000e+00 : f32
      %broadcast_in_dim3A_218 = vector.broadcast %broadcast_in_dim3A_217 : f32 to vector<16xf32>
      %broadcast_in_dim3A_219 = arith.constant 0.000000e+00 : f32
      %broadcast_in_dim3A_220 = vector.broadcast %broadcast_in_dim3A_219 : f32 to vector<16xf32>
      %broadcast_in_dim3A_221 = arith.constant 0.000000e+00 : f32
      %broadcast_in_dim3A_222 = vector.broadcast %broadcast_in_dim3A_221 : f32 to vector<16xf32>
      %broadcast_in_dim3A_223 = arith.constant 0.000000e+00 : f32
      %broadcast_in_dim3A_224 = vector.broadcast %broadcast_in_dim3A_223 : f32 to vector<16xf32>
      %broadcast_in_dim3A_225 = arith.constant 0.000000e+00 : f32
      %broadcast_in_dim3A_226 = vector.broadcast %broadcast_in_dim3A_225 : f32 to vector<16xf32>
      %broadcast_in_dim3A_227 = arith.constant 0.000000e+00 : f32
      %broadcast_in_dim3A_228 = vector.broadcast %broadcast_in_dim3A_227 : f32 to vector<16xf32>
      %broadcast_in_dim3A_229 = arith.constant 0.000000e+00 : f32
      %broadcast_in_dim3A_230 = vector.broadcast %broadcast_in_dim3A_229 : f32 to vector<16xf32>
      %parallel_loop3A = arith.constant 0 : i32
      %parallel_loop3A_231 = arith.constant 26 : i32
      %parallel_loop3A_232 = arith.constant 1 : i32
      %parallel_loop3A_233:8 = scf.for %parallel_loop3A_699 = %parallel_loop3A to %parallel_loop3A_231 step %parallel_loop3A_232 iter_args(%parallel_loop3A_700 = %broadcast_in_dim3A_216, %parallel_loop3A_701 = %broadcast_in_dim3A_218, %parallel_loop3A_702 = %broadcast_in_dim3A_220, %parallel_loop3A_703 = %broadcast_in_dim3A_222, %parallel_loop3A_704 = %broadcast_in_dim3A_224, %parallel_loop3A_705 = %broadcast_in_dim3A_226, %parallel_loop3A_706 = %broadcast_in_dim3A_228, %parallel_loop3A_707 = %broadcast_in_dim3A_230) -> (vector<16xf32>, vector<16xf32>, vector<16xf32>, vector<16xf32>, vector<16xf32>, vector<16xf32>, vector<16xf32>, vector<16xf32>)  : i32 {
        %parallel_loop3A_708 = arith.constant 0 : i32
        %parallel_loop3A_709 = arith.index_cast %parallel_loop3A_708 : i32 to index
        %parallel_loop3A_710 = arith.index_cast %parallel_loop3A_699 : i32 to index
        %parallel_loop3A_711 = arith.constant 0 : index
        %parallel_loop3A_712 = tpu.vector_load %arg6[%parallel_loop3A_709, %parallel_loop3A_710, %parallel_loop3A_711] {strides = array<i32>} : memref<16x26x128xbf16, #tpu.memory_space<vmem>>, vector<32xbf16>,
        %parallel_loop3A_713 = tpu.unpack_subelements %parallel_loop3A_712, 0 {pack_format = #tpu.pack_format<interleaved>} : vector<32xbf16> -> vector<16xf32>
        %parallel_loop3A_714 = tpu.unpack_subelements %parallel_loop3A_712, 1 {pack_format = #tpu.pack_format<interleaved>} : vector<32xbf16> -> vector<16xf32>
        %parallel_loop3A_715 = arith.addf %parallel_loop3A_700, %parallel_loop3A_713 : vector<16xf32>
        %parallel_loop3A_716 = arith.addf %parallel_loop3A_701, %parallel_loop3A_714 : vector<16xf32>
        %parallel_loop3A_717 = arith.constant 0 : i32
        %parallel_loop3A_718 = arith.index_cast %parallel_loop3A_717 : i32 to index
        %parallel_loop3A_719 = arith.index_cast %parallel_loop3A_699 : i32 to index
        %parallel_loop3A_720 = arith.constant 32 : index
        %parallel_loop3A_721 = tpu.vector_load %arg6[%parallel_loop3A_718, %parallel_loop3A_719, %parallel_loop3A_720] {strides = array<i32>} : memref<16x26x128xbf16, #tpu.memory_space<vmem>>, vector<32xbf16>,
        %parallel_loop3A_722 = tpu.unpack_subelements %parallel_loop3A_721, 0 {pack_format = #tpu.pack_format<interleaved>} : vector<32xbf16> -> vector<16xf32>
        %parallel_loop3A_723 = tpu.unpack_subelements %parallel_loop3A_721, 1 {pack_format = #tpu.pack_format<interleaved>} : vector<32xbf16> -> vector<16xf32>
        %parallel_loop3A_724 = arith.addf %parallel_loop3A_702, %parallel_loop3A_722 : vector<16xf32>
        %parallel_loop3A_725 = arith.addf %parallel_loop3A_703, %parallel_loop3A_723 : vector<16xf32>
        %parallel_loop3A_726 = arith.constant 0 : i32
        %parallel_loop3A_727 = arith.index_cast %parallel_loop3A_726 : i32 to index
        %parallel_loop3A_728 = arith.index_cast %parallel_loop3A_699 : i32 to index
        %parallel_loop3A_729 = arith.constant 64 : index
        %parallel_loop3A_730 = tpu.vector_load %arg6[%parallel_loop3A_727, %parallel_loop3A_728, %parallel_loop3A_729] {strides = array<i32>} : memref<16x26x128xbf16, #tpu.memory_space<vmem>>, vector<32xbf16>,
        %parallel_loop3A_731 = tpu.unpack_subelements %parallel_loop3A_730, 0 {pack_format = #tpu.pack_format<interleaved>} : vector<32xbf16> -> vector<16xf32>
        %parallel_loop3A_732 = tpu.unpack_subelements %parallel_loop3A_730, 1 {pack_format = #tpu.pack_format<interleaved>} : vector<32xbf16> -> vector<16xf32>
        %parallel_loop3A_733 = arith.addf %parallel_loop3A_704, %parallel_loop3A_731 : vector<16xf32>
        %parallel_loop3A_734 = arith.addf %parallel_loop3A_705, %parallel_loop3A_732 : vector<16xf32>
        %parallel_loop3A_735 = arith.constant 0 : i32
        %parallel_loop3A_736 = arith.index_cast %parallel_loop3A_735 : i32 to index
        %parallel_loop3A_737 = arith.index_cast %parallel_loop3A_699 : i32 to index
        %parallel_loop3A_738 = arith.constant 96 : index
        %parallel_loop3A_739 = tpu.vector_load %arg6[%parallel_loop3A_736, %parallel_loop3A_737, %parallel_loop3A_738] {strides = array<i32>} : memref<16x26x128xbf16, #tpu.memory_space<vmem>>, vector<32xbf16>,
        %parallel_loop3A_740 = tpu.unpack_subelements %parallel_loop3A_739, 0 {pack_format = #tpu.pack_format<interleaved>} : vector<32xbf16> -> vector<16xf32>
        %parallel_loop3A_741 = tpu.unpack_subelements %parallel_loop3A_739, 1 {pack_format = #tpu.pack_format<interleaved>} : vector<32xbf16> -> vector<16xf32>
        %parallel_loop3A_742 = arith.addf %parallel_loop3A_706, %parallel_loop3A_740 : vector<16xf32>
        %parallel_loop3A_743 = arith.addf %parallel_loop3A_707, %parallel_loop3A_741 : vector<16xf32>
        scf.yield %parallel_loop3A_715, %parallel_loop3A_716, %parallel_loop3A_724, %parallel_loop3A_725, %parallel_loop3A_733, %parallel_loop3A_734, %parallel_loop3A_742, %parallel_loop3A_743 : vector<16xf32>, vector<16xf32>, vector<16xf32>, vector<16xf32>, vector<16xf32>, vector<16xf32>, vector<16xf32>, vector<16xf32>
      } {sc.loop_unroll_factor = 2 : i64, sc.parallel_access}
      %add3A_234 = arith.constant 16 : i32
      %add3A_235 = arith.addi %add3A_205, %add3A_234 : i32
      %lt3A = arith.constant 1024 : i32
      %lt3A_236 = arith.cmpi slt, %add3A_235, %lt3A : i32
      %convert_element_type3A = arith.extui %lt3A_236 : i1 to i32
      %cond3A = arith.constant 0 : i32
      %cond3A_237 = arith.cmpi ne, %convert_element_type3A, %cond3A : i32
      scf.if %cond3A_237 {
        %add3A_699 = arith.constant 16 : i32
        %add3A_700 = arith.addi %add3A_205, %add3A_699 : i32
        %dma_start3A_701 = arith.constant 0 : i32
        %dma_start3A_702 = arith.constant 0 : i32
        %dma_start3A_703 = arith.constant 0 : i32
        %dma_start3A_704 = tpu.memref_slice %arg6[%dma_start3A_701, %dma_start3A_702, %dma_start3A_703] : memref<16x26x128xbf16, #tpu.memory_space<vmem>> -> memref<1x26x128xbf16, #tpu.memory_space<vmem>>
        %dma_start3A_705 = tpu.memref_squeeze %dma_start3A_704 : memref<1x26x128xbf16, #tpu.memory_space<vmem>> -> memref<26x128xbf16, #tpu.memory_space<vmem>>
        %dma_start3A_706 = arith.constant 0 : i32
        %dma_start3A_707 = tpu.memref_slice %arg5[%add3A_700, %dma_start3A_706] : memref<1024x26xi32, #tpu.memory_space<vmem>> -> memref<1x26xi32, #tpu.memory_space<vmem>>
        %dma_start3A_708 = tpu.memref_squeeze %dma_start3A_707 : memref<1x26xi32, #tpu.memory_space<vmem>> -> memref<26xi32, #tpu.memory_space<vmem>>
        %dma_start3A_709 = arith.constant 0 : i32
        %dma_start3A_710 = arith.constant 0 : i32
        %dma_start3A_711 = tpu.memref_slice %arg3[%dma_start3A_709, %dma_start3A_710] : memref<100001x128xbf16, #tpu.memory_space<hbm>> -> memref<100001x128xbf16, #tpu.memory_space<hbm>>
        tpu.enqueue_indirect_dma source(%dma_start3A_711 : memref<100001x128xbf16, #tpu.memory_space<hbm>>) target(%dma_start3A_705 : memref<26x128xbf16, #tpu.memory_space<vmem>>) offsets(%dma_start3A_708 : memref<26xi32, #tpu.memory_space<vmem>>) semaphore(%arg8 : memref<!tpu.dma_semaphore, #tpu.memory_space<semaphore_mem>>)
      } else {
      }
      %mul3A_238 = arith.constant 16 : i32
      %mul3A_239 = arith.muli %mul3A_238, %scan3A_201 : i32
      %add3A_240 = arith.constant 1 : i32
      %add3A_241 = arith.addi %mul3A_239, %add3A_240 : i32
      %dma_wait3A_242 = arith.constant 1 : i32
      %dma_wait3A_243 = arith.constant 0 : i32
      %dma_wait3A_244 = arith.constant 0 : i32
      %dma_wait3A_245 = tpu.memref_slice %arg6[%dma_wait3A_242, %dma_wait3A_243, %dma_wait3A_244] : memref<16x26x128xbf16, #tpu.memory_space<vmem>> -> memref<1x26x128xbf16, #tpu.memory_space<vmem>>
      %dma_wait3A_246 = tpu.memref_squeeze %dma_wait3A_245 : memref<1x26x128xbf16, #tpu.memory_space<vmem>> -> memref<26x128xbf16, #tpu.memory_space<vmem>>
      %dma_wait3A_247 = arith.constant 0 : i32
      %dma_wait3A_248 = tpu.memref_slice %arg5[%add3A_241, %dma_wait3A_247] : memref<1024x26xi32, #tpu.memory_space<vmem>> -> memref<1x26xi32, #tpu.memory_space<vmem>>
      %dma_wait3A_249 = tpu.memref_squeeze %dma_wait3A_248 : memref<1x26xi32, #tpu.memory_space<vmem>> -> memref<26xi32, #tpu.memory_space<vmem>>
      %dma_wait3A_250 = arith.constant 0 : i32
      %dma_wait3A_251 = arith.constant 0 : i32
      %dma_wait3A_252 = tpu.memref_slice %arg3[%dma_wait3A_250, %dma_wait3A_251] : memref<100001x128xbf16, #tpu.memory_space<hbm>> -> memref<100001x128xbf16, #tpu.memory_space<hbm>>
      tpu.wait_indirect_dma semaphore(%arg9 : memref<!tpu.dma_semaphore, #tpu.memory_space<semaphore_mem>>) src(%dma_wait3A_252 : memref<100001x128xbf16, #tpu.memory_space<hbm>>) dst(%dma_wait3A_246 : memref<26x128xbf16, #tpu.memory_space<vmem>>)
      %parallel_loop3A_253 = arith.constant 0 : i32
      %parallel_loop3A_254 = arith.constant 26 : i32
      %parallel_loop3A_255 = arith.constant 1 : i32
      %parallel_loop3A_256:8 = scf.for %parallel_loop3A_699 = %parallel_loop3A_253 to %parallel_loop3A_254 step %parallel_loop3A_255 iter_args(%parallel_loop3A_700 = %parallel_loop3A_233#0, %parallel_loop3A_701 = %parallel_loop3A_233#1, %parallel_loop3A_702 = %parallel_loop3A_233#2, %parallel_loop3A_703 = %parallel_loop3A_233#3, %parallel_loop3A_704 = %parallel_loop3A_233#4, %parallel_loop3A_705 = %parallel_loop3A_233#5, %parallel_loop3A_706 = %parallel_loop3A_233#6, %parallel_loop3A_707 = %parallel_loop3A_233#7) -> (vector<16xf32>, vector<16xf32>, vector<16xf32>, vector<16xf32>, vector<16xf32>, vector<16xf32>, vector<16xf32>, vector<16xf32>)  : i32 {
        %parallel_loop3A_708 = arith.constant 1 : i32
        %parallel_loop3A_709 = arith.index_cast %parallel_loop3A_708 : i32 to index
        %parallel_loop3A_710 = arith.index_cast %parallel_loop3A_699 : i32 to index
        %parallel_loop3A_711 = arith.constant 0 : index
        %parallel_loop3A_712 = tpu.vector_load %arg6[%parallel_loop3A_709, %parallel_loop3A_710, %parallel_loop3A_711] {strides = array<i32>} : memref<16x26x128xbf16, #tpu.memory_space<vmem>>, vector<32xbf16>,
        %parallel_loop3A_713 = tpu.unpack_subelements %parallel_loop3A_712, 0 {pack_format = #tpu.pack_format<interleaved>} : vector<32xbf16> -> vector<16xf32>
        %parallel_loop3A_714 = tpu.unpack_subelements %parallel_loop3A_712, 1 {pack_format = #tpu.pack_format<interleaved>} : vector<32xbf16> -> vector<16xf32>
        %parallel_loop3A_715 = arith.addf %parallel_loop3A_700, %parallel_loop3A_713 : vector<16xf32>
        %parallel_loop3A_716 = arith.addf %parallel_loop3A_701, %parallel_loop3A_714 : vector<16xf32>
        %parallel_loop3A_717 = arith.constant 1 : i32
        %parallel_loop3A_718 = arith.index_cast %parallel_loop3A_717 : i32 to index
        %parallel_loop3A_719 = arith.index_cast %parallel_loop3A_699 : i32 to index
        %parallel_loop3A_720 = arith.constant 32 : index
        %parallel_loop3A_721 = tpu.vector_load %arg6[%parallel_loop3A_718, %parallel_loop3A_719, %parallel_loop3A_720] {strides = array<i32>} : memref<16x26x128xbf16, #tpu.memory_space<vmem>>, vector<32xbf16>,
        %parallel_loop3A_722 = tpu.unpack_subelements %parallel_loop3A_721, 0 {pack_format = #tpu.pack_format<interleaved>} : vector<32xbf16> -> vector<16xf32>
        %parallel_loop3A_723 = tpu.unpack_subelements %parallel_loop3A_721, 1 {pack_format = #tpu.pack_format<interleaved>} : vector<32xbf16> -> vector<16xf32>
        %parallel_loop3A_724 = arith.addf %parallel_loop3A_702, %parallel_loop3A_722 : vector<16xf32>
        %parallel_loop3A_725 = arith.addf %parallel_loop3A_703, %parallel_loop3A_723 : vector<16xf32>
        %parallel_loop3A_726 = arith.constant 1 : i32
        %parallel_loop3A_727 = arith.index_cast %parallel_loop3A_726 : i32 to index
        %parallel_loop3A_728 = arith.index_cast %parallel_loop3A_699 : i32 to index
        %parallel_loop3A_729 = arith.constant 64 : index
        %parallel_loop3A_730 = tpu.vector_load %arg6[%parallel_loop3A_727, %parallel_loop3A_728, %parallel_loop3A_729] {strides = array<i32>} : memref<16x26x128xbf16, #tpu.memory_space<vmem>>, vector<32xbf16>,
        %parallel_loop3A_731 = tpu.unpack_subelements %parallel_loop3A_730, 0 {pack_format = #tpu.pack_format<interleaved>} : vector<32xbf16> -> vector<16xf32>
        %parallel_loop3A_732 = tpu.unpack_subelements %parallel_loop3A_730, 1 {pack_format = #tpu.pack_format<interleaved>} : vector<32xbf16> -> vector<16xf32>
        %parallel_loop3A_733 = arith.addf %parallel_loop3A_704, %parallel_loop3A_731 : vector<16xf32>
        %parallel_loop3A_734 = arith.addf %parallel_loop3A_705, %parallel_loop3A_732 : vector<16xf32>
        %parallel_loop3A_735 = arith.constant 1 : i32
        %parallel_loop3A_736 = arith.index_cast %parallel_loop3A_735 : i32 to index
        %parallel_loop3A_737 = arith.index_cast %parallel_loop3A_699 : i32 to index
        %parallel_loop3A_738 = arith.constant 96 : index
        %parallel_loop3A_739 = tpu.vector_load %arg6[%parallel_loop3A_736, %parallel_loop3A_737, %parallel_loop3A_738] {strides = array<i32>} : memref<16x26x128xbf16, #tpu.memory_space<vmem>>, vector<32xbf16>,
        %parallel_loop3A_740 = tpu.unpack_subelements %parallel_loop3A_739, 0 {pack_format = #tpu.pack_format<interleaved>} : vector<32xbf16> -> vector<16xf32>
        %parallel_loop3A_741 = tpu.unpack_subelements %parallel_loop3A_739, 1 {pack_format = #tpu.pack_format<interleaved>} : vector<32xbf16> -> vector<16xf32>
        %parallel_loop3A_742 = arith.addf %parallel_loop3A_706, %parallel_loop3A_740 : vector<16xf32>
        %parallel_loop3A_743 = arith.addf %parallel_loop3A_707, %parallel_loop3A_741 : vector<16xf32>
        scf.yield %parallel_loop3A_715, %parallel_loop3A_716, %parallel_loop3A_724, %parallel_loop3A_725, %parallel_loop3A_733, %parallel_loop3A_734, %parallel_loop3A_742, %parallel_loop3A_743 : vector<16xf32>, vector<16xf32>, vector<16xf32>, vector<16xf32>, vector<16xf32>, vector<16xf32>, vector<16xf32>, vector<16xf32>
      } {sc.loop_unroll_factor = 2 : i64, sc.parallel_access}
      %add3A_257 = arith.constant 16 : i32
      %add3A_258 = arith.addi %add3A_241, %add3A_257 : i32
      %lt3A_259 = arith.constant 1024 : i32
      %lt3A_260 = arith.cmpi slt, %add3A_258, %lt3A_259 : i32
      %convert_element_type3A_261 = arith.extui %lt3A_260 : i1 to i32
      %cond3A_262 = arith.constant 0 : i32
      %cond3A_263 = arith.cmpi ne, %convert_element_type3A_261, %cond3A_262 : i32
      scf.if %cond3A_263 {
        %add3A_699 = arith.constant 16 : i32
        %add3A_700 = arith.addi %add3A_241, %add3A_699 : i32
        %dma_start3A_701 = arith.constant 1 : i32
        %dma_start3A_702 = arith.constant 0 : i32
        %dma_start3A_703 = arith.constant 0 : i32
        %dma_start3A_704 = tpu.memref_slice %arg6[%dma_start3A_701, %dma_start3A_702, %dma_start3A_703] : memref<16x26x128xbf16, #tpu.memory_space<vmem>> -> memref<1x26x128xbf16, #tpu.memory_space<vmem>>
        %dma_start3A_705 = tpu.memref_squeeze %dma_start3A_704 : memref<1x26x128xbf16, #tpu.memory_space<vmem>> -> memref<26x128xbf16, #tpu.memory_space<vmem>>
        %dma_start3A_706 = arith.constant 0 : i32
        %dma_start3A_707 = tpu.memref_slice %arg5[%add3A_700, %dma_start3A_706] : memref<1024x26xi32, #tpu.memory_space<vmem>> -> memref<1x26xi32, #tpu.memory_space<vmem>>
        %dma_start3A_708 = tpu.memref_squeeze %dma_start3A_707 : memref<1x26xi32, #tpu.memory_space<vmem>> -> memref<26xi32, #tpu.memory_space<vmem>>
        %dma_start3A_709 = arith.constant 0 : i32
        %dma_start3A_710 = arith.constant 0 : i32
        %dma_start3A_711 = tpu.memref_slice %arg3[%dma_start3A_709, %dma_start3A_710] : memref<100001x128xbf16, #tpu.memory_space<hbm>> -> memref<100001x128xbf16, #tpu.memory_space<hbm>>
        tpu.enqueue_indirect_dma source(%dma_start3A_711 : memref<100001x128xbf16, #tpu.memory_space<hbm>>) target(%dma_start3A_705 : memref<26x128xbf16, #tpu.memory_space<vmem>>) offsets(%dma_start3A_708 : memref<26xi32, #tpu.memory_space<vmem>>) semaphore(%arg9 : memref<!tpu.dma_semaphore, #tpu.memory_space<semaphore_mem>>)
      } else {
      }
      %mul3A_264 = arith.constant 16 : i32
      %mul3A_265 = arith.muli %mul3A_264, %scan3A_201 : i32
      %add3A_266 = arith.constant 2 : i32
      %add3A_267 = arith.addi %mul3A_265, %add3A_266 : i32
      %dma_wait3A_268 = arith.constant 2 : i32
      %dma_wait3A_269 = arith.constant 0 : i32
      %dma_wait3A_270 = arith.constant 0 : i32
      %dma_wait3A_271 = tpu.memref_slice %arg6[%dma_wait3A_268, %dma_wait3A_269, %dma_wait3A_270] : memref<16x26x128xbf16, #tpu.memory_space<vmem>> -> memref<1x26x128xbf16, #tpu.memory_space<vmem>>
      %dma_wait3A_272 = tpu.memref_squeeze %dma_wait3A_271 : memref<1x26x128xbf16, #tpu.memory_space<vmem>> -> memref<26x128xbf16, #tpu.memory_space<vmem>>
      %dma_wait3A_273 = arith.constant 0 : i32
      %dma_wait3A_274 = tpu.memref_slice %arg5[%add3A_267, %dma_wait3A_273] : memref<1024x26xi32, #tpu.memory_space<vmem>> -> memref<1x26xi32, #tpu.memory_space<vmem>>
      %dma_wait3A_275 = tpu.memref_squeeze %dma_wait3A_274 : memref<1x26xi32, #tpu.memory_space<vmem>> -> memref<26xi32, #tpu.memory_space<vmem>>
      %dma_wait3A_276 = arith.constant 0 : i32
      %dma_wait3A_277 = arith.constant 0 : i32
      %dma_wait3A_278 = tpu.memref_slice %arg3[%dma_wait3A_276, %dma_wait3A_277] : memref<100001x128xbf16, #tpu.memory_space<hbm>> -> memref<100001x128xbf16, #tpu.memory_space<hbm>>
      tpu.wait_indirect_dma semaphore(%arg10 : memref<!tpu.dma_semaphore, #tpu.memory_space<semaphore_mem>>) src(%dma_wait3A_278 : memref<100001x128xbf16, #tpu.memory_space<hbm>>) dst(%dma_wait3A_272 : memref<26x128xbf16, #tpu.memory_space<vmem>>)
      %parallel_loop3A_279 = arith.constant 0 : i32
      %parallel_loop3A_280 = arith.constant 26 : i32
      %parallel_loop3A_281 = arith.constant 1 : i32
      %parallel_loop3A_282:8 = scf.for %parallel_loop3A_699 = %parallel_loop3A_279 to %parallel_loop3A_280 step %parallel_loop3A_281 iter_args(%parallel_loop3A_700 = %parallel_loop3A_256#0, %parallel_loop3A_701 = %parallel_loop3A_256#1, %parallel_loop3A_702 = %parallel_loop3A_256#2, %parallel_loop3A_703 = %parallel_loop3A_256#3, %parallel_loop3A_704 = %parallel_loop3A_256#4, %parallel_loop3A_705 = %parallel_loop3A_256#5, %parallel_loop3A_706 = %parallel_loop3A_256#6, %parallel_loop3A_707 = %parallel_loop3A_256#7) -> (vector<16xf32>, vector<16xf32>, vector<16xf32>, vector<16xf32>, vector<16xf32>, vector<16xf32>, vector<16xf32>, vector<16xf32>)  : i32 {
        %parallel_loop3A_708 = arith.constant 2 : i32
        %parallel_loop3A_709 = arith.index_cast %parallel_loop3A_708 : i32 to index
        %parallel_loop3A_710 = arith.index_cast %parallel_loop3A_699 : i32 to index
        %parallel_loop3A_711 = arith.constant 0 : index
        %parallel_loop3A_712 = tpu.vector_load %arg6[%parallel_loop3A_709, %parallel_loop3A_710, %parallel_loop3A_711] {strides = array<i32>} : memref<16x26x128xbf16, #tpu.memory_space<vmem>>, vector<32xbf16>,
        %parallel_loop3A_713 = tpu.unpack_subelements %parallel_loop3A_712, 0 {pack_format = #tpu.pack_format<interleaved>} : vector<32xbf16> -> vector<16xf32>
        %parallel_loop3A_714 = tpu.unpack_subelements %parallel_loop3A_712, 1 {pack_format = #tpu.pack_format<interleaved>} : vector<32xbf16> -> vector<16xf32>
        %parallel_loop3A_715 = arith.addf %parallel_loop3A_700, %parallel_loop3A_713 : vector<16xf32>
        %parallel_loop3A_716 = arith.addf %parallel_loop3A_701, %parallel_loop3A_714 : vector<16xf32>
        %parallel_loop3A_717 = arith.constant 2 : i32
        %parallel_loop3A_718 = arith.index_cast %parallel_loop3A_717 : i32 to index
        %parallel_loop3A_719 = arith.index_cast %parallel_loop3A_699 : i32 to index
        %parallel_loop3A_720 = arith.constant 32 : index
        %parallel_loop3A_721 = tpu.vector_load %arg6[%parallel_loop3A_718, %parallel_loop3A_719, %parallel_loop3A_720] {strides = array<i32>} : memref<16x26x128xbf16, #tpu.memory_space<vmem>>, vector<32xbf16>,
        %parallel_loop3A_722 = tpu.unpack_subelements %parallel_loop3A_721, 0 {pack_format = #tpu.pack_format<interleaved>} : vector<32xbf16> -> vector<16xf32>
        %parallel_loop3A_723 = tpu.unpack_subelements %parallel_loop3A_721, 1 {pack_format = #tpu.pack_format<interleaved>} : vector<32xbf16> -> vector<16xf32>
        %parallel_loop3A_724 = arith.addf %parallel_loop3A_702, %parallel_loop3A_722 : vector<16xf32>
        %parallel_loop3A_725 = arith.addf %parallel_loop3A_703, %parallel_loop3A_723 : vector<16xf32>
        %parallel_loop3A_726 = arith.constant 2 : i32
        %parallel_loop3A_727 = arith.index_cast %parallel_loop3A_726 : i32 to index
        %parallel_loop3A_728 = arith.index_cast %parallel_loop3A_699 : i32 to index
        %parallel_loop3A_729 = arith.constant 64 : index
        %parallel_loop3A_730 = tpu.vector_load %arg6[%parallel_loop3A_727, %parallel_loop3A_728, %parallel_loop3A_729] {strides = array<i32>} : memref<16x26x128xbf16, #tpu.memory_space<vmem>>, vector<32xbf16>,
        %parallel_loop3A_731 = tpu.unpack_subelements %parallel_loop3A_730, 0 {pack_format = #tpu.pack_format<interleaved>} : vector<32xbf16> -> vector<16xf32>
        %parallel_loop3A_732 = tpu.unpack_subelements %parallel_loop3A_730, 1 {pack_format = #tpu.pack_format<interleaved>} : vector<32xbf16> -> vector<16xf32>
        %parallel_loop3A_733 = arith.addf %parallel_loop3A_704, %parallel_loop3A_731 : vector<16xf32>
        %parallel_loop3A_734 = arith.addf %parallel_loop3A_705, %parallel_loop3A_732 : vector<16xf32>
        %parallel_loop3A_735 = arith.constant 2 : i32
        %parallel_loop3A_736 = arith.index_cast %parallel_loop3A_735 : i32 to index
        %parallel_loop3A_737 = arith.index_cast %parallel_loop3A_699 : i32 to index
        %parallel_loop3A_738 = arith.constant 96 : index
        %parallel_loop3A_739 = tpu.vector_load %arg6[%parallel_loop3A_736, %parallel_loop3A_737, %parallel_loop3A_738] {strides = array<i32>} : memref<16x26x128xbf16, #tpu.memory_space<vmem>>, vector<32xbf16>,
        %parallel_loop3A_740 = tpu.unpack_subelements %parallel_loop3A_739, 0 {pack_format = #tpu.pack_format<interleaved>} : vector<32xbf16> -> vector<16xf32>
        %parallel_loop3A_741 = tpu.unpack_subelements %parallel_loop3A_739, 1 {pack_format = #tpu.pack_format<interleaved>} : vector<32xbf16> -> vector<16xf32>
        %parallel_loop3A_742 = arith.addf %parallel_loop3A_706, %parallel_loop3A_740 : vector<16xf32>
        %parallel_loop3A_743 = arith.addf %parallel_loop3A_707, %parallel_loop3A_741 : vector<16xf32>
        scf.yield %parallel_loop3A_715, %parallel_loop3A_716, %parallel_loop3A_724, %parallel_loop3A_725, %parallel_loop3A_733, %parallel_loop3A_734, %parallel_loop3A_742, %parallel_loop3A_743 : vector<16xf32>, vector<16xf32>, vector<16xf32>, vector<16xf32>, vector<16xf32>, vector<16xf32>, vector<16xf32>, vector<16xf32>
      } {sc.loop_unroll_factor = 2 : i64, sc.parallel_access}
      %add3A_283 = arith.constant 16 : i32
      %add3A_284 = arith.addi %add3A_267, %add3A_283 : i32
      %lt3A_285 = arith.constant 1024 : i32
      %lt3A_286 = arith.cmpi slt, %add3A_284, %lt3A_285 : i32
      %convert_element_type3A_287 = arith.extui %lt3A_286 : i1 to i32
      %cond3A_288 = arith.constant 0 : i32
      %cond3A_289 = arith.cmpi ne, %convert_element_type3A_287, %cond3A_288 : i32
      scf.if %cond3A_289 {
        %add3A_699 = arith.constant 16 : i32
        %add3A_700 = arith.addi %add3A_267, %add3A_699 : i32
        %dma_start3A_701 = arith.constant 2 : i32
        %dma_start3A_702 = arith.constant 0 : i32
        %dma_start3A_703 = arith.constant 0 : i32
        %dma_start3A_704 = tpu.memref_slice %arg6[%dma_start3A_701, %dma_start3A_702, %dma_start3A_703] : memref<16x26x128xbf16, #tpu.memory_space<vmem>> -> memref<1x26x128xbf16, #tpu.memory_space<vmem>>
        %dma_start3A_705 = tpu.memref_squeeze %dma_start3A_704 : memref<1x26x128xbf16, #tpu.memory_space<vmem>> -> memref<26x128xbf16, #tpu.memory_space<vmem>>
        %dma_start3A_706 = arith.constant 0 : i32
        %dma_start3A_707 = tpu.memref_slice %arg5[%add3A_700, %dma_start3A_706] : memref<1024x26xi32, #tpu.memory_space<vmem>> -> memref<1x26xi32, #tpu.memory_space<vmem>>
        %dma_start3A_708 = tpu.memref_squeeze %dma_start3A_707 : memref<1x26xi32, #tpu.memory_space<vmem>> -> memref<26xi32, #tpu.memory_space<vmem>>
        %dma_start3A_709 = arith.constant 0 : i32
        %dma_start3A_710 = arith.constant 0 : i32
        %dma_start3A_711 = tpu.memref_slice %arg3[%dma_start3A_709, %dma_start3A_710] : memref<100001x128xbf16, #tpu.memory_space<hbm>> -> memref<100001x128xbf16, #tpu.memory_space<hbm>>
        tpu.enqueue_indirect_dma source(%dma_start3A_711 : memref<100001x128xbf16, #tpu.memory_space<hbm>>) target(%dma_start3A_705 : memref<26x128xbf16, #tpu.memory_space<vmem>>) offsets(%dma_start3A_708 : memref<26xi32, #tpu.memory_space<vmem>>) semaphore(%arg10 : memref<!tpu.dma_semaphore, #tpu.memory_space<semaphore_mem>>)
      } else {
      }
      %mul3A_290 = arith.constant 16 : i32
      %mul3A_291 = arith.muli %mul3A_290, %scan3A_201 : i32
      %add3A_292 = arith.constant 3 : i32
      %add3A_293 = arith.addi %mul3A_291, %add3A_292 : i32
      %dma_wait3A_294 = arith.constant 3 : i32
      %dma_wait3A_295 = arith.constant 0 : i32
      %dma_wait3A_296 = arith.constant 0 : i32
      %dma_wait3A_297 = tpu.memref_slice %arg6[%dma_wait3A_294, %dma_wait3A_295, %dma_wait3A_296] : memref<16x26x128xbf16, #tpu.memory_space<vmem>> -> memref<1x26x128xbf16, #tpu.memory_space<vmem>>
      %dma_wait3A_298 = tpu.memref_squeeze %dma_wait3A_297 : memref<1x26x128xbf16, #tpu.memory_space<vmem>> -> memref<26x128xbf16, #tpu.memory_space<vmem>>
      %dma_wait3A_299 = arith.constant 0 : i32
      %dma_wait3A_300 = tpu.memref_slice %arg5[%add3A_293, %dma_wait3A_299] : memref<1024x26xi32, #tpu.memory_space<vmem>> -> memref<1x26xi32, #tpu.memory_space<vmem>>
      %dma_wait3A_301 = tpu.memref_squeeze %dma_wait3A_300 : memref<1x26xi32, #tpu.memory_space<vmem>> -> memref<26xi32, #tpu.memory_space<vmem>>
      %dma_wait3A_302 = arith.constant 0 : i32
      %dma_wait3A_303 = arith.constant 0 : i32
      %dma_wait3A_304 = tpu.memref_slice %arg3[%dma_wait3A_302, %dma_wait3A_303] : memref<100001x128xbf16, #tpu.memory_space<hbm>> -> memref<100001x128xbf16, #tpu.memory_space<hbm>>
      tpu.wait_indirect_dma semaphore(%arg11 : memref<!tpu.dma_semaphore, #tpu.memory_space<semaphore_mem>>) src(%dma_wait3A_304 : memref<100001x128xbf16, #tpu.memory_space<hbm>>) dst(%dma_wait3A_298 : memref<26x128xbf16, #tpu.memory_space<vmem>>)
      %parallel_loop3A_305 = arith.constant 0 : i32
      %parallel_loop3A_306 = arith.constant 26 : i32
      %parallel_loop3A_307 = arith.constant 1 : i32
      %parallel_loop3A_308:8 = scf.for %parallel_loop3A_699 = %parallel_loop3A_305 to %parallel_loop3A_306 step %parallel_loop3A_307 iter_args(%parallel_loop3A_700 = %parallel_loop3A_282#0, %parallel_loop3A_701 = %parallel_loop3A_282#1, %parallel_loop3A_702 = %parallel_loop3A_282#2, %parallel_loop3A_703 = %parallel_loop3A_282#3, %parallel_loop3A_704 = %parallel_loop3A_282#4, %parallel_loop3A_705 = %parallel_loop3A_282#5, %parallel_loop3A_706 = %parallel_loop3A_282#6, %parallel_loop3A_707 = %parallel_loop3A_282#7) -> (vector<16xf32>, vector<16xf32>, vector<16xf32>, vector<16xf32>, vector<16xf32>, vector<16xf32>, vector<16xf32>, vector<16xf32>)  : i32 {
        %parallel_loop3A_708 = arith.constant 3 : i32
        %parallel_loop3A_709 = arith.index_cast %parallel_loop3A_708 : i32 to index
        %parallel_loop3A_710 = arith.index_cast %parallel_loop3A_699 : i32 to index
        %parallel_loop3A_711 = arith.constant 0 : index
        %parallel_loop3A_712 = tpu.vector_load %arg6[%parallel_loop3A_709, %parallel_loop3A_710, %parallel_loop3A_711] {strides = array<i32>} : memref<16x26x128xbf16, #tpu.memory_space<vmem>>, vector<32xbf16>,
        %parallel_loop3A_713 = tpu.unpack_subelements %parallel_loop3A_712, 0 {pack_format = #tpu.pack_format<interleaved>} : vector<32xbf16> -> vector<16xf32>
        %parallel_loop3A_714 = tpu.unpack_subelements %parallel_loop3A_712, 1 {pack_format = #tpu.pack_format<interleaved>} : vector<32xbf16> -> vector<16xf32>
        %parallel_loop3A_715 = arith.addf %parallel_loop3A_700, %parallel_loop3A_713 : vector<16xf32>
        %parallel_loop3A_716 = arith.addf %parallel_loop3A_701, %parallel_loop3A_714 : vector<16xf32>
        %parallel_loop3A_717 = arith.constant 3 : i32
        %parallel_loop3A_718 = arith.index_cast %parallel_loop3A_717 : i32 to index
        %parallel_loop3A_719 = arith.index_cast %parallel_loop3A_699 : i32 to index
        %parallel_loop3A_720 = arith.constant 32 : index
        %parallel_loop3A_721 = tpu.vector_load %arg6[%parallel_loop3A_718, %parallel_loop3A_719, %parallel_loop3A_720] {strides = array<i32>} : memref<16x26x128xbf16, #tpu.memory_space<vmem>>, vector<32xbf16>,
        %parallel_loop3A_722 = tpu.unpack_subelements %parallel_loop3A_721, 0 {pack_format = #tpu.pack_format<interleaved>} : vector<32xbf16> -> vector<16xf32>
        %parallel_loop3A_723 = tpu.unpack_subelements %parallel_loop3A_721, 1 {pack_format = #tpu.pack_format<interleaved>} : vector<32xbf16> -> vector<16xf32>
        %parallel_loop3A_724 = arith.addf %parallel_loop3A_702, %parallel_loop3A_722 : vector<16xf32>
        %parallel_loop3A_725 = arith.addf %parallel_loop3A_703, %parallel_loop3A_723 : vector<16xf32>
        %parallel_loop3A_726 = arith.constant 3 : i32
        %parallel_loop3A_727 = arith.index_cast %parallel_loop3A_726 : i32 to index
        %parallel_loop3A_728 = arith.index_cast %parallel_loop3A_699 : i32 to index
        %parallel_loop3A_729 = arith.constant 64 : index
        %parallel_loop3A_730 = tpu.vector_load %arg6[%parallel_loop3A_727, %parallel_loop3A_728, %parallel_loop3A_729] {strides = array<i32>} : memref<16x26x128xbf16, #tpu.memory_space<vmem>>, vector<32xbf16>,
        %parallel_loop3A_731 = tpu.unpack_subelements %parallel_loop3A_730, 0 {pack_format = #tpu.pack_format<interleaved>} : vector<32xbf16> -> vector<16xf32>
        %parallel_loop3A_732 = tpu.unpack_subelements %parallel_loop3A_730, 1 {pack_format = #tpu.pack_format<interleaved>} : vector<32xbf16> -> vector<16xf32>
        %parallel_loop3A_733 = arith.addf %parallel_loop3A_704, %parallel_loop3A_731 : vector<16xf32>
        %parallel_loop3A_734 = arith.addf %parallel_loop3A_705, %parallel_loop3A_732 : vector<16xf32>
        %parallel_loop3A_735 = arith.constant 3 : i32
        %parallel_loop3A_736 = arith.index_cast %parallel_loop3A_735 : i32 to index
        %parallel_loop3A_737 = arith.index_cast %parallel_loop3A_699 : i32 to index
        %parallel_loop3A_738 = arith.constant 96 : index
        %parallel_loop3A_739 = tpu.vector_load %arg6[%parallel_loop3A_736, %parallel_loop3A_737, %parallel_loop3A_738] {strides = array<i32>} : memref<16x26x128xbf16, #tpu.memory_space<vmem>>, vector<32xbf16>,
        %parallel_loop3A_740 = tpu.unpack_subelements %parallel_loop3A_739, 0 {pack_format = #tpu.pack_format<interleaved>} : vector<32xbf16> -> vector<16xf32>
        %parallel_loop3A_741 = tpu.unpack_subelements %parallel_loop3A_739, 1 {pack_format = #tpu.pack_format<interleaved>} : vector<32xbf16> -> vector<16xf32>
        %parallel_loop3A_742 = arith.addf %parallel_loop3A_706, %parallel_loop3A_740 : vector<16xf32>
        %parallel_loop3A_743 = arith.addf %parallel_loop3A_707, %parallel_loop3A_741 : vector<16xf32>
        scf.yield %parallel_loop3A_715, %parallel_loop3A_716, %parallel_loop3A_724, %parallel_loop3A_725, %parallel_loop3A_733, %parallel_loop3A_734, %parallel_loop3A_742, %parallel_loop3A_743 : vector<16xf32>, vector<16xf32>, vector<16xf32>, vector<16xf32>, vector<16xf32>, vector<16xf32>, vector<16xf32>, vector<16xf32>
      } {sc.loop_unroll_factor = 2 : i64, sc.parallel_access}
      %add3A_309 = arith.constant 16 : i32
      %add3A_310 = arith.addi %add3A_293, %add3A_309 : i32
      %lt3A_311 = arith.constant 1024 : i32
      %lt3A_312 = arith.cmpi slt, %add3A_310, %lt3A_311 : i32
      %convert_element_type3A_313 = arith.extui %lt3A_312 : i1 to i32
      %cond3A_314 = arith.constant 0 : i32
      %cond3A_315 = arith.cmpi ne, %convert_element_type3A_313, %cond3A_314 : i32
      scf.if %cond3A_315 {
        %add3A_699 = arith.constant 16 : i32
        %add3A_700 = arith.addi %add3A_293, %add3A_699 : i32
        %dma_start3A_701 = arith.constant 3 : i32
        %dma_start3A_702 = arith.constant 0 : i32
        %dma_start3A_703 = arith.constant 0 : i32
        %dma_start3A_704 = tpu.memref_slice %arg6[%dma_start3A_701, %dma_start3A_702, %dma_start3A_703] : memref<16x26x128xbf16, #tpu.memory_space<vmem>> -> memref<1x26x128xbf16, #tpu.memory_space<vmem>>
        %dma_start3A_705 = tpu.memref_squeeze %dma_start3A_704 : memref<1x26x128xbf16, #tpu.memory_space<vmem>> -> memref<26x128xbf16, #tpu.memory_space<vmem>>
        %dma_start3A_706 = arith.constant 0 : i32
        %dma_start3A_707 = tpu.memref_slice %arg5[%add3A_700, %dma_start3A_706] : memref<1024x26xi32, #tpu.memory_space<vmem>> -> memref<1x26xi32, #tpu.memory_space<vmem>>
        %dma_start3A_708 = tpu.memref_squeeze %dma_start3A_707 : memref<1x26xi32, #tpu.memory_space<vmem>> -> memref<26xi32, #tpu.memory_space<vmem>>
        %dma_start3A_709 = arith.constant 0 : i32
        %dma_start3A_710 = arith.constant 0 : i32
        %dma_start3A_711 = tpu.memref_slice %arg3[%dma_start3A_709, %dma_start3A_710] : memref<100001x128xbf16, #tpu.memory_space<hbm>> -> memref<100001x128xbf16, #tpu.memory_space<hbm>>
        tpu.enqueue_indirect_dma source(%dma_start3A_711 : memref<100001x128xbf16, #tpu.memory_space<hbm>>) target(%dma_start3A_705 : memref<26x128xbf16, #tpu.memory_space<vmem>>) offsets(%dma_start3A_708 : memref<26xi32, #tpu.memory_space<vmem>>) semaphore(%arg11 : memref<!tpu.dma_semaphore, #tpu.memory_space<semaphore_mem>>)
      } else {
      }
      %mul3A_316 = arith.constant 16 : i32
      %mul3A_317 = arith.muli %mul3A_316, %scan3A_201 : i32
      %add3A_318 = arith.constant 4 : i32
      %add3A_319 = arith.addi %mul3A_317, %add3A_318 : i32
      %dma_wait3A_320 = arith.constant 4 : i32
      %dma_wait3A_321 = arith.constant 0 : i32
      %dma_wait3A_322 = arith.constant 0 : i32
      %dma_wait3A_323 = tpu.memref_slice %arg6[%dma_wait3A_320, %dma_wait3A_321, %dma_wait3A_322] : memref<16x26x128xbf16, #tpu.memory_space<vmem>> -> memref<1x26x128xbf16, #tpu.memory_space<vmem>>
      %dma_wait3A_324 = tpu.memref_squeeze %dma_wait3A_323 : memref<1x26x128xbf16, #tpu.memory_space<vmem>> -> memref<26x128xbf16, #tpu.memory_space<vmem>>
      %dma_wait3A_325 = arith.constant 0 : i32
      %dma_wait3A_326 = tpu.memref_slice %arg5[%add3A_319, %dma_wait3A_325] : memref<1024x26xi32, #tpu.memory_space<vmem>> -> memref<1x26xi32, #tpu.memory_space<vmem>>
      %dma_wait3A_327 = tpu.memref_squeeze %dma_wait3A_326 : memref<1x26xi32, #tpu.memory_space<vmem>> -> memref<26xi32, #tpu.memory_space<vmem>>
      %dma_wait3A_328 = arith.constant 0 : i32
      %dma_wait3A_329 = arith.constant 0 : i32
      %dma_wait3A_330 = tpu.memref_slice %arg3[%dma_wait3A_328, %dma_wait3A_329] : memref<100001x128xbf16, #tpu.memory_space<hbm>> -> memref<100001x128xbf16, #tpu.memory_space<hbm>>
      tpu.wait_indirect_dma semaphore(%arg12 : memref<!tpu.dma_semaphore, #tpu.memory_space<semaphore_mem>>) src(%dma_wait3A_330 : memref<100001x128xbf16, #tpu.memory_space<hbm>>) dst(%dma_wait3A_324 : memref<26x128xbf16, #tpu.memory_space<vmem>>)
      %parallel_loop3A_331 = arith.constant 0 : i32
      %parallel_loop3A_332 = arith.constant 26 : i32
      %parallel_loop3A_333 = arith.constant 1 : i32
      %parallel_loop3A_334:8 = scf.for %parallel_loop3A_699 = %parallel_loop3A_331 to %parallel_loop3A_332 step %parallel_loop3A_333 iter_args(%parallel_loop3A_700 = %parallel_loop3A_308#0, %parallel_loop3A_701 = %parallel_loop3A_308#1, %parallel_loop3A_702 = %parallel_loop3A_308#2, %parallel_loop3A_703 = %parallel_loop3A_308#3, %parallel_loop3A_704 = %parallel_loop3A_308#4, %parallel_loop3A_705 = %parallel_loop3A_308#5, %parallel_loop3A_706 = %parallel_loop3A_308#6, %parallel_loop3A_707 = %parallel_loop3A_308#7) -> (vector<16xf32>, vector<16xf32>, vector<16xf32>, vector<16xf32>, vector<16xf32>, vector<16xf32>, vector<16xf32>, vector<16xf32>)  : i32 {
        %parallel_loop3A_708 = arith.constant 4 : i32
        %parallel_loop3A_709 = arith.index_cast %parallel_loop3A_708 : i32 to index
        %parallel_loop3A_710 = arith.index_cast %parallel_loop3A_699 : i32 to index
        %parallel_loop3A_711 = arith.constant 0 : index
        %parallel_loop3A_712 = tpu.vector_load %arg6[%parallel_loop3A_709, %parallel_loop3A_710, %parallel_loop3A_711] {strides = array<i32>} : memref<16x26x128xbf16, #tpu.memory_space<vmem>>, vector<32xbf16>,
        %parallel_loop3A_713 = tpu.unpack_subelements %parallel_loop3A_712, 0 {pack_format = #tpu.pack_format<interleaved>} : vector<32xbf16> -> vector<16xf32>
        %parallel_loop3A_714 = tpu.unpack_subelements %parallel_loop3A_712, 1 {pack_format = #tpu.pack_format<interleaved>} : vector<32xbf16> -> vector<16xf32>
        %parallel_loop3A_715 = arith.addf %parallel_loop3A_700, %parallel_loop3A_713 : vector<16xf32>
        %parallel_loop3A_716 = arith.addf %parallel_loop3A_701, %parallel_loop3A_714 : vector<16xf32>
        %parallel_loop3A_717 = arith.constant 4 : i32
        %parallel_loop3A_718 = arith.index_cast %parallel_loop3A_717 : i32 to index
        %parallel_loop3A_719 = arith.index_cast %parallel_loop3A_699 : i32 to index
        %parallel_loop3A_720 = arith.constant 32 : index
        %parallel_loop3A_721 = tpu.vector_load %arg6[%parallel_loop3A_718, %parallel_loop3A_719, %parallel_loop3A_720] {strides = array<i32>} : memref<16x26x128xbf16, #tpu.memory_space<vmem>>, vector<32xbf16>,
        %parallel_loop3A_722 = tpu.unpack_subelements %parallel_loop3A_721, 0 {pack_format = #tpu.pack_format<interleaved>} : vector<32xbf16> -> vector<16xf32>
        %parallel_loop3A_723 = tpu.unpack_subelements %parallel_loop3A_721, 1 {pack_format = #tpu.pack_format<interleaved>} : vector<32xbf16> -> vector<16xf32>
        %parallel_loop3A_724 = arith.addf %parallel_loop3A_702, %parallel_loop3A_722 : vector<16xf32>
        %parallel_loop3A_725 = arith.addf %parallel_loop3A_703, %parallel_loop3A_723 : vector<16xf32>
        %parallel_loop3A_726 = arith.constant 4 : i32
        %parallel_loop3A_727 = arith.index_cast %parallel_loop3A_726 : i32 to index
        %parallel_loop3A_728 = arith.index_cast %parallel_loop3A_699 : i32 to index
        %parallel_loop3A_729 = arith.constant 64 : index
        %parallel_loop3A_730 = tpu.vector_load %arg6[%parallel_loop3A_727, %parallel_loop3A_728, %parallel_loop3A_729] {strides = array<i32>} : memref<16x26x128xbf16, #tpu.memory_space<vmem>>, vector<32xbf16>,
        %parallel_loop3A_731 = tpu.unpack_subelements %parallel_loop3A_730, 0 {pack_format = #tpu.pack_format<interleaved>} : vector<32xbf16> -> vector<16xf32>
        %parallel_loop3A_732 = tpu.unpack_subelements %parallel_loop3A_730, 1 {pack_format = #tpu.pack_format<interleaved>} : vector<32xbf16> -> vector<16xf32>
        %parallel_loop3A_733 = arith.addf %parallel_loop3A_704, %parallel_loop3A_731 : vector<16xf32>
        %parallel_loop3A_734 = arith.addf %parallel_loop3A_705, %parallel_loop3A_732 : vector<16xf32>
        %parallel_loop3A_735 = arith.constant 4 : i32
        %parallel_loop3A_736 = arith.index_cast %parallel_loop3A_735 : i32 to index
        %parallel_loop3A_737 = arith.index_cast %parallel_loop3A_699 : i32 to index
        %parallel_loop3A_738 = arith.constant 96 : index
        %parallel_loop3A_739 = tpu.vector_load %arg6[%parallel_loop3A_736, %parallel_loop3A_737, %parallel_loop3A_738] {strides = array<i32>} : memref<16x26x128xbf16, #tpu.memory_space<vmem>>, vector<32xbf16>,
        %parallel_loop3A_740 = tpu.unpack_subelements %parallel_loop3A_739, 0 {pack_format = #tpu.pack_format<interleaved>} : vector<32xbf16> -> vector<16xf32>
        %parallel_loop3A_741 = tpu.unpack_subelements %parallel_loop3A_739, 1 {pack_format = #tpu.pack_format<interleaved>} : vector<32xbf16> -> vector<16xf32>
        %parallel_loop3A_742 = arith.addf %parallel_loop3A_706, %parallel_loop3A_740 : vector<16xf32>
        %parallel_loop3A_743 = arith.addf %parallel_loop3A_707, %parallel_loop3A_741 : vector<16xf32>
        scf.yield %parallel_loop3A_715, %parallel_loop3A_716, %parallel_loop3A_724, %parallel_loop3A_725, %parallel_loop3A_733, %parallel_loop3A_734, %parallel_loop3A_742, %parallel_loop3A_743 : vector<16xf32>, vector<16xf32>, vector<16xf32>, vector<16xf32>, vector<16xf32>, vector<16xf32>, vector<16xf32>, vector<16xf32>
      } {sc.loop_unroll_factor = 2 : i64, sc.parallel_access}
      %add3A_335 = arith.constant 16 : i32
      %add3A_336 = arith.addi %add3A_319, %add3A_335 : i32
      %lt3A_337 = arith.constant 1024 : i32
      %lt3A_338 = arith.cmpi slt, %add3A_336, %lt3A_337 : i32
      %convert_element_type3A_339 = arith.extui %lt3A_338 : i1 to i32
      %cond3A_340 = arith.constant 0 : i32
      %cond3A_341 = arith.cmpi ne, %convert_element_type3A_339, %cond3A_340 : i32
      scf.if %cond3A_341 {
        %add3A_699 = arith.constant 16 : i32
        %add3A_700 = arith.addi %add3A_319, %add3A_699 : i32
        %dma_start3A_701 = arith.constant 4 : i32
        %dma_start3A_702 = arith.constant 0 : i32
        %dma_start3A_703 = arith.constant 0 : i32
        %dma_start3A_704 = tpu.memref_slice %arg6[%dma_start3A_701, %dma_start3A_702, %dma_start3A_703] : memref<16x26x128xbf16, #tpu.memory_space<vmem>> -> memref<1x26x128xbf16, #tpu.memory_space<vmem>>
        %dma_start3A_705 = tpu.memref_squeeze %dma_start3A_704 : memref<1x26x128xbf16, #tpu.memory_space<vmem>> -> memref<26x128xbf16, #tpu.memory_space<vmem>>
        %dma_start3A_706 = arith.constant 0 : i32
        %dma_start3A_707 = tpu.memref_slice %arg5[%add3A_700, %dma_start3A_706] : memref<1024x26xi32, #tpu.memory_space<vmem>> -> memref<1x26xi32, #tpu.memory_space<vmem>>
        %dma_start3A_708 = tpu.memref_squeeze %dma_start3A_707 : memref<1x26xi32, #tpu.memory_space<vmem>> -> memref<26xi32, #tpu.memory_space<vmem>>
        %dma_start3A_709 = arith.constant 0 : i32
        %dma_start3A_710 = arith.constant 0 : i32
        %dma_start3A_711 = tpu.memref_slice %arg3[%dma_start3A_709, %dma_start3A_710] : memref<100001x128xbf16, #tpu.memory_space<hbm>> -> memref<100001x128xbf16, #tpu.memory_space<hbm>>
        tpu.enqueue_indirect_dma source(%dma_start3A_711 : memref<100001x128xbf16, #tpu.memory_space<hbm>>) target(%dma_start3A_705 : memref<26x128xbf16, #tpu.memory_space<vmem>>) offsets(%dma_start3A_708 : memref<26xi32, #tpu.memory_space<vmem>>) semaphore(%arg12 : memref<!tpu.dma_semaphore, #tpu.memory_space<semaphore_mem>>)
      } else {
      }
      %mul3A_342 = arith.constant 16 : i32
      %mul3A_343 = arith.muli %mul3A_342, %scan3A_201 : i32
      %add3A_344 = arith.constant 5 : i32
      %add3A_345 = arith.addi %mul3A_343, %add3A_344 : i32
      %dma_wait3A_346 = arith.constant 5 : i32
      %dma_wait3A_347 = arith.constant 0 : i32
      %dma_wait3A_348 = arith.constant 0 : i32
      %dma_wait3A_349 = tpu.memref_slice %arg6[%dma_wait3A_346, %dma_wait3A_347, %dma_wait3A_348] : memref<16x26x128xbf16, #tpu.memory_space<vmem>> -> memref<1x26x128xbf16, #tpu.memory_space<vmem>>
      %dma_wait3A_350 = tpu.memref_squeeze %dma_wait3A_349 : memref<1x26x128xbf16, #tpu.memory_space<vmem>> -> memref<26x128xbf16, #tpu.memory_space<vmem>>
      %dma_wait3A_351 = arith.constant 0 : i32
      %dma_wait3A_352 = tpu.memref_slice %arg5[%add3A_345, %dma_wait3A_351] : memref<1024x26xi32, #tpu.memory_space<vmem>> -> memref<1x26xi32, #tpu.memory_space<vmem>>
      %dma_wait3A_353 = tpu.memref_squeeze %dma_wait3A_352 : memref<1x26xi32, #tpu.memory_space<vmem>> -> memref<26xi32, #tpu.memory_space<vmem>>
      %dma_wait3A_354 = arith.constant 0 : i32
      %dma_wait3A_355 = arith.constant 0 : i32
      %dma_wait3A_356 = tpu.memref_slice %arg3[%dma_wait3A_354, %dma_wait3A_355] : memref<100001x128xbf16, #tpu.memory_space<hbm>> -> memref<100001x128xbf16, #tpu.memory_space<hbm>>
      tpu.wait_indirect_dma semaphore(%arg13 : memref<!tpu.dma_semaphore, #tpu.memory_space<semaphore_mem>>) src(%dma_wait3A_356 : memref<100001x128xbf16, #tpu.memory_space<hbm>>) dst(%dma_wait3A_350 : memref<26x128xbf16, #tpu.memory_space<vmem>>)
      %parallel_loop3A_357 = arith.constant 0 : i32
      %parallel_loop3A_358 = arith.constant 26 : i32
      %parallel_loop3A_359 = arith.constant 1 : i32
      %parallel_loop3A_360:8 = scf.for %parallel_loop3A_699 = %parallel_loop3A_357 to %parallel_loop3A_358 step %parallel_loop3A_359 iter_args(%parallel_loop3A_700 = %parallel_loop3A_334#0, %parallel_loop3A_701 = %parallel_loop3A_334#1, %parallel_loop3A_702 = %parallel_loop3A_334#2, %parallel_loop3A_703 = %parallel_loop3A_334#3, %parallel_loop3A_704 = %parallel_loop3A_334#4, %parallel_loop3A_705 = %parallel_loop3A_334#5, %parallel_loop3A_706 = %parallel_loop3A_334#6, %parallel_loop3A_707 = %parallel_loop3A_334#7) -> (vector<16xf32>, vector<16xf32>, vector<16xf32>, vector<16xf32>, vector<16xf32>, vector<16xf32>, vector<16xf32>, vector<16xf32>)  : i32 {
        %parallel_loop3A_708 = arith.constant 5 : i32
        %parallel_loop3A_709 = arith.index_cast %parallel_loop3A_708 : i32 to index
        %parallel_loop3A_710 = arith.index_cast %parallel_loop3A_699 : i32 to index
        %parallel_loop3A_711 = arith.constant 0 : index
        %parallel_loop3A_712 = tpu.vector_load %arg6[%parallel_loop3A_709, %parallel_loop3A_710, %parallel_loop3A_711] {strides = array<i32>} : memref<16x26x128xbf16, #tpu.memory_space<vmem>>, vector<32xbf16>,
        %parallel_loop3A_713 = tpu.unpack_subelements %parallel_loop3A_712, 0 {pack_format = #tpu.pack_format<interleaved>} : vector<32xbf16> -> vector<16xf32>
        %parallel_loop3A_714 = tpu.unpack_subelements %parallel_loop3A_712, 1 {pack_format = #tpu.pack_format<interleaved>} : vector<32xbf16> -> vector<16xf32>
        %parallel_loop3A_715 = arith.addf %parallel_loop3A_700, %parallel_loop3A_713 : vector<16xf32>
        %parallel_loop3A_716 = arith.addf %parallel_loop3A_701, %parallel_loop3A_714 : vector<16xf32>
        %parallel_loop3A_717 = arith.constant 5 : i32
        %parallel_loop3A_718 = arith.index_cast %parallel_loop3A_717 : i32 to index
        %parallel_loop3A_719 = arith.index_cast %parallel_loop3A_699 : i32 to index
        %parallel_loop3A_720 = arith.constant 32 : index
        %parallel_loop3A_721 = tpu.vector_load %arg6[%parallel_loop3A_718, %parallel_loop3A_719, %parallel_loop3A_720] {strides = array<i32>} : memref<16x26x128xbf16, #tpu.memory_space<vmem>>, vector<32xbf16>,
        %parallel_loop3A_722 = tpu.unpack_subelements %parallel_loop3A_721, 0 {pack_format = #tpu.pack_format<interleaved>} : vector<32xbf16> -> vector<16xf32>
        %parallel_loop3A_723 = tpu.unpack_subelements %parallel_loop3A_721, 1 {pack_format = #tpu.pack_format<interleaved>} : vector<32xbf16> -> vector<16xf32>
        %parallel_loop3A_724 = arith.addf %parallel_loop3A_702, %parallel_loop3A_722 : vector<16xf32>
        %parallel_loop3A_725 = arith.addf %parallel_loop3A_703, %parallel_loop3A_723 : vector<16xf32>
        %parallel_loop3A_726 = arith.constant 5 : i32
        %parallel_loop3A_727 = arith.index_cast %parallel_loop3A_726 : i32 to index
        %parallel_loop3A_728 = arith.index_cast %parallel_loop3A_699 : i32 to index
        %parallel_loop3A_729 = arith.constant 64 : index
        %parallel_loop3A_730 = tpu.vector_load %arg6[%parallel_loop3A_727, %parallel_loop3A_728, %parallel_loop3A_729] {strides = array<i32>} : memref<16x26x128xbf16, #tpu.memory_space<vmem>>, vector<32xbf16>,
        %parallel_loop3A_731 = tpu.unpack_subelements %parallel_loop3A_730, 0 {pack_format = #tpu.pack_format<interleaved>} : vector<32xbf16> -> vector<16xf32>
        %parallel_loop3A_732 = tpu.unpack_subelements %parallel_loop3A_730, 1 {pack_format = #tpu.pack_format<interleaved>} : vector<32xbf16> -> vector<16xf32>
        %parallel_loop3A_733 = arith.addf %parallel_loop3A_704, %parallel_loop3A_731 : vector<16xf32>
        %parallel_loop3A_734 = arith.addf %parallel_loop3A_705, %parallel_loop3A_732 : vector<16xf32>
        %parallel_loop3A_735 = arith.constant 5 : i32
        %parallel_loop3A_736 = arith.index_cast %parallel_loop3A_735 : i32 to index
        %parallel_loop3A_737 = arith.index_cast %parallel_loop3A_699 : i32 to index
        %parallel_loop3A_738 = arith.constant 96 : index
        %parallel_loop3A_739 = tpu.vector_load %arg6[%parallel_loop3A_736, %parallel_loop3A_737, %parallel_loop3A_738] {strides = array<i32>} : memref<16x26x128xbf16, #tpu.memory_space<vmem>>, vector<32xbf16>,
        %parallel_loop3A_740 = tpu.unpack_subelements %parallel_loop3A_739, 0 {pack_format = #tpu.pack_format<interleaved>} : vector<32xbf16> -> vector<16xf32>
        %parallel_loop3A_741 = tpu.unpack_subelements %parallel_loop3A_739, 1 {pack_format = #tpu.pack_format<interleaved>} : vector<32xbf16> -> vector<16xf32>
        %parallel_loop3A_742 = arith.addf %parallel_loop3A_706, %parallel_loop3A_740 : vector<16xf32>
        %parallel_loop3A_743 = arith.addf %parallel_loop3A_707, %parallel_loop3A_741 : vector<16xf32>
        scf.yield %parallel_loop3A_715, %parallel_loop3A_716, %parallel_loop3A_724, %parallel_loop3A_725, %parallel_loop3A_733, %parallel_loop3A_734, %parallel_loop3A_742, %parallel_loop3A_743 : vector<16xf32>, vector<16xf32>, vector<16xf32>, vector<16xf32>, vector<16xf32>, vector<16xf32>, vector<16xf32>, vector<16xf32>
      } {sc.loop_unroll_factor = 2 : i64, sc.parallel_access}
      %add3A_361 = arith.constant 16 : i32
      %add3A_362 = arith.addi %add3A_345, %add3A_361 : i32
      %lt3A_363 = arith.constant 1024 : i32
      %lt3A_364 = arith.cmpi slt, %add3A_362, %lt3A_363 : i32
      %convert_element_type3A_365 = arith.extui %lt3A_364 : i1 to i32
      %cond3A_366 = arith.constant 0 : i32
      %cond3A_367 = arith.cmpi ne, %convert_element_type3A_365, %cond3A_366 : i32
      scf.if %cond3A_367 {
        %add3A_699 = arith.constant 16 : i32
        %add3A_700 = arith.addi %add3A_345, %add3A_699 : i32
        %dma_start3A_701 = arith.constant 5 : i32
        %dma_start3A_702 = arith.constant 0 : i32
        %dma_start3A_703 = arith.constant 0 : i32
        %dma_start3A_704 = tpu.memref_slice %arg6[%dma_start3A_701, %dma_start3A_702, %dma_start3A_703] : memref<16x26x128xbf16, #tpu.memory_space<vmem>> -> memref<1x26x128xbf16, #tpu.memory_space<vmem>>
        %dma_start3A_705 = tpu.memref_squeeze %dma_start3A_704 : memref<1x26x128xbf16, #tpu.memory_space<vmem>> -> memref<26x128xbf16, #tpu.memory_space<vmem>>
        %dma_start3A_706 = arith.constant 0 : i32
        %dma_start3A_707 = tpu.memref_slice %arg5[%add3A_700, %dma_start3A_706] : memref<1024x26xi32, #tpu.memory_space<vmem>> -> memref<1x26xi32, #tpu.memory_space<vmem>>
        %dma_start3A_708 = tpu.memref_squeeze %dma_start3A_707 : memref<1x26xi32, #tpu.memory_space<vmem>> -> memref<26xi32, #tpu.memory_space<vmem>>
        %dma_start3A_709 = arith.constant 0 : i32
        %dma_start3A_710 = arith.constant 0 : i32
        %dma_start3A_711 = tpu.memref_slice %arg3[%dma_start3A_709, %dma_start3A_710] : memref<100001x128xbf16, #tpu.memory_space<hbm>> -> memref<100001x128xbf16, #tpu.memory_space<hbm>>
        tpu.enqueue_indirect_dma source(%dma_start3A_711 : memref<100001x128xbf16, #tpu.memory_space<hbm>>) target(%dma_start3A_705 : memref<26x128xbf16, #tpu.memory_space<vmem>>) offsets(%dma_start3A_708 : memref<26xi32, #tpu.memory_space<vmem>>) semaphore(%arg13 : memref<!tpu.dma_semaphore, #tpu.memory_space<semaphore_mem>>)
      } else {
      }
      %mul3A_368 = arith.constant 16 : i32
      %mul3A_369 = arith.muli %mul3A_368, %scan3A_201 : i32
      %add3A_370 = arith.constant 6 : i32
      %add3A_371 = arith.addi %mul3A_369, %add3A_370 : i32
      %dma_wait3A_372 = arith.constant 6 : i32
      %dma_wait3A_373 = arith.constant 0 : i32
      %dma_wait3A_374 = arith.constant 0 : i32
      %dma_wait3A_375 = tpu.memref_slice %arg6[%dma_wait3A_372, %dma_wait3A_373, %dma_wait3A_374] : memref<16x26x128xbf16, #tpu.memory_space<vmem>> -> memref<1x26x128xbf16, #tpu.memory_space<vmem>>
      %dma_wait3A_376 = tpu.memref_squeeze %dma_wait3A_375 : memref<1x26x128xbf16, #tpu.memory_space<vmem>> -> memref<26x128xbf16, #tpu.memory_space<vmem>>
      %dma_wait3A_377 = arith.constant 0 : i32
      %dma_wait3A_378 = tpu.memref_slice %arg5[%add3A_371, %dma_wait3A_377] : memref<1024x26xi32, #tpu.memory_space<vmem>> -> memref<1x26xi32, #tpu.memory_space<vmem>>
      %dma_wait3A_379 = tpu.memref_squeeze %dma_wait3A_378 : memref<1x26xi32, #tpu.memory_space<vmem>> -> memref<26xi32, #tpu.memory_space<vmem>>
      %dma_wait3A_380 = arith.constant 0 : i32
      %dma_wait3A_381 = arith.constant 0 : i32
      %dma_wait3A_382 = tpu.memref_slice %arg3[%dma_wait3A_380, %dma_wait3A_381] : memref<100001x128xbf16, #tpu.memory_space<hbm>> -> memref<100001x128xbf16, #tpu.memory_space<hbm>>
      tpu.wait_indirect_dma semaphore(%arg14 : memref<!tpu.dma_semaphore, #tpu.memory_space<semaphore_mem>>) src(%dma_wait3A_382 : memref<100001x128xbf16, #tpu.memory_space<hbm>>) dst(%dma_wait3A_376 : memref<26x128xbf16, #tpu.memory_space<vmem>>)
      %parallel_loop3A_383 = arith.constant 0 : i32
      %parallel_loop3A_384 = arith.constant 26 : i32
      %parallel_loop3A_385 = arith.constant 1 : i32
      %parallel_loop3A_386:8 = scf.for %parallel_loop3A_699 = %parallel_loop3A_383 to %parallel_loop3A_384 step %parallel_loop3A_385 iter_args(%parallel_loop3A_700 = %parallel_loop3A_360#0, %parallel_loop3A_701 = %parallel_loop3A_360#1, %parallel_loop3A_702 = %parallel_loop3A_360#2, %parallel_loop3A_703 = %parallel_loop3A_360#3, %parallel_loop3A_704 = %parallel_loop3A_360#4, %parallel_loop3A_705 = %parallel_loop3A_360#5, %parallel_loop3A_706 = %parallel_loop3A_360#6, %parallel_loop3A_707 = %parallel_loop3A_360#7) -> (vector<16xf32>, vector<16xf32>, vector<16xf32>, vector<16xf32>, vector<16xf32>, vector<16xf32>, vector<16xf32>, vector<16xf32>)  : i32 {
        %parallel_loop3A_708 = arith.constant 6 : i32
        %parallel_loop3A_709 = arith.index_cast %parallel_loop3A_708 : i32 to index
        %parallel_loop3A_710 = arith.index_cast %parallel_loop3A_699 : i32 to index
        %parallel_loop3A_711 = arith.constant 0 : index
        %parallel_loop3A_712 = tpu.vector_load %arg6[%parallel_loop3A_709, %parallel_loop3A_710, %parallel_loop3A_711] {strides = array<i32>} : memref<16x26x128xbf16, #tpu.memory_space<vmem>>, vector<32xbf16>,
        %parallel_loop3A_713 = tpu.unpack_subelements %parallel_loop3A_712, 0 {pack_format = #tpu.pack_format<interleaved>} : vector<32xbf16> -> vector<16xf32>
        %parallel_loop3A_714 = tpu.unpack_subelements %parallel_loop3A_712, 1 {pack_format = #tpu.pack_format<interleaved>} : vector<32xbf16> -> vector<16xf32>
        %parallel_loop3A_715 = arith.addf %parallel_loop3A_700, %parallel_loop3A_713 : vector<16xf32>
        %parallel_loop3A_716 = arith.addf %parallel_loop3A_701, %parallel_loop3A_714 : vector<16xf32>
        %parallel_loop3A_717 = arith.constant 6 : i32
        %parallel_loop3A_718 = arith.index_cast %parallel_loop3A_717 : i32 to index
        %parallel_loop3A_719 = arith.index_cast %parallel_loop3A_699 : i32 to index
        %parallel_loop3A_720 = arith.constant 32 : index
        %parallel_loop3A_721 = tpu.vector_load %arg6[%parallel_loop3A_718, %parallel_loop3A_719, %parallel_loop3A_720] {strides = array<i32>} : memref<16x26x128xbf16, #tpu.memory_space<vmem>>, vector<32xbf16>,
        %parallel_loop3A_722 = tpu.unpack_subelements %parallel_loop3A_721, 0 {pack_format = #tpu.pack_format<interleaved>} : vector<32xbf16> -> vector<16xf32>
        %parallel_loop3A_723 = tpu.unpack_subelements %parallel_loop3A_721, 1 {pack_format = #tpu.pack_format<interleaved>} : vector<32xbf16> -> vector<16xf32>
        %parallel_loop3A_724 = arith.addf %parallel_loop3A_702, %parallel_loop3A_722 : vector<16xf32>
        %parallel_loop3A_725 = arith.addf %parallel_loop3A_703, %parallel_loop3A_723 : vector<16xf32>
        %parallel_loop3A_726 = arith.constant 6 : i32
        %parallel_loop3A_727 = arith.index_cast %parallel_loop3A_726 : i32 to index
        %parallel_loop3A_728 = arith.index_cast %parallel_loop3A_699 : i32 to index
        %parallel_loop3A_729 = arith.constant 64 : index
        %parallel_loop3A_730 = tpu.vector_load %arg6[%parallel_loop3A_727, %parallel_loop3A_728, %parallel_loop3A_729] {strides = array<i32>} : memref<16x26x128xbf16, #tpu.memory_space<vmem>>, vector<32xbf16>,
        %parallel_loop3A_731 = tpu.unpack_subelements %parallel_loop3A_730, 0 {pack_format = #tpu.pack_format<interleaved>} : vector<32xbf16> -> vector<16xf32>
        %parallel_loop3A_732 = tpu.unpack_subelements %parallel_loop3A_730, 1 {pack_format = #tpu.pack_format<interleaved>} : vector<32xbf16> -> vector<16xf32>
        %parallel_loop3A_733 = arith.addf %parallel_loop3A_704, %parallel_loop3A_731 : vector<16xf32>
        %parallel_loop3A_734 = arith.addf %parallel_loop3A_705, %parallel_loop3A_732 : vector<16xf32>
        %parallel_loop3A_735 = arith.constant 6 : i32
        %parallel_loop3A_736 = arith.index_cast %parallel_loop3A_735 : i32 to index
        %parallel_loop3A_737 = arith.index_cast %parallel_loop3A_699 : i32 to index
        %parallel_loop3A_738 = arith.constant 96 : index
        %parallel_loop3A_739 = tpu.vector_load %arg6[%parallel_loop3A_736, %parallel_loop3A_737, %parallel_loop3A_738] {strides = array<i32>} : memref<16x26x128xbf16, #tpu.memory_space<vmem>>, vector<32xbf16>,
        %parallel_loop3A_740 = tpu.unpack_subelements %parallel_loop3A_739, 0 {pack_format = #tpu.pack_format<interleaved>} : vector<32xbf16> -> vector<16xf32>
        %parallel_loop3A_741 = tpu.unpack_subelements %parallel_loop3A_739, 1 {pack_format = #tpu.pack_format<interleaved>} : vector<32xbf16> -> vector<16xf32>
        %parallel_loop3A_742 = arith.addf %parallel_loop3A_706, %parallel_loop3A_740 : vector<16xf32>
        %parallel_loop3A_743 = arith.addf %parallel_loop3A_707, %parallel_loop3A_741 : vector<16xf32>
        scf.yield %parallel_loop3A_715, %parallel_loop3A_716, %parallel_loop3A_724, %parallel_loop3A_725, %parallel_loop3A_733, %parallel_loop3A_734, %parallel_loop3A_742, %parallel_loop3A_743 : vector<16xf32>, vector<16xf32>, vector<16xf32>, vector<16xf32>, vector<16xf32>, vector<16xf32>, vector<16xf32>, vector<16xf32>
      } {sc.loop_unroll_factor = 2 : i64, sc.parallel_access}
      %add3A_387 = arith.constant 16 : i32
      %add3A_388 = arith.addi %add3A_371, %add3A_387 : i32
      %lt3A_389 = arith.constant 1024 : i32
      %lt3A_390 = arith.cmpi slt, %add3A_388, %lt3A_389 : i32
      %convert_element_type3A_391 = arith.extui %lt3A_390 : i1 to i32
      %cond3A_392 = arith.constant 0 : i32
      %cond3A_393 = arith.cmpi ne, %convert_element_type3A_391, %cond3A_392 : i32
      scf.if %cond3A_393 {
        %add3A_699 = arith.constant 16 : i32
        %add3A_700 = arith.addi %add3A_371, %add3A_699 : i32
        %dma_start3A_701 = arith.constant 6 : i32
        %dma_start3A_702 = arith.constant 0 : i32
        %dma_start3A_703 = arith.constant 0 : i32
        %dma_start3A_704 = tpu.memref_slice %arg6[%dma_start3A_701, %dma_start3A_702, %dma_start3A_703] : memref<16x26x128xbf16, #tpu.memory_space<vmem>> -> memref<1x26x128xbf16, #tpu.memory_space<vmem>>
        %dma_start3A_705 = tpu.memref_squeeze %dma_start3A_704 : memref<1x26x128xbf16, #tpu.memory_space<vmem>> -> memref<26x128xbf16, #tpu.memory_space<vmem>>
        %dma_start3A_706 = arith.constant 0 : i32
        %dma_start3A_707 = tpu.memref_slice %arg5[%add3A_700, %dma_start3A_706] : memref<1024x26xi32, #tpu.memory_space<vmem>> -> memref<1x26xi32, #tpu.memory_space<vmem>>
        %dma_start3A_708 = tpu.memref_squeeze %dma_start3A_707 : memref<1x26xi32, #tpu.memory_space<vmem>> -> memref<26xi32, #tpu.memory_space<vmem>>
        %dma_start3A_709 = arith.constant 0 : i32
        %dma_start3A_710 = arith.constant 0 : i32
        %dma_start3A_711 = tpu.memref_slice %arg3[%dma_start3A_709, %dma_start3A_710] : memref<100001x128xbf16, #tpu.memory_space<hbm>> -> memref<100001x128xbf16, #tpu.memory_space<hbm>>
        tpu.enqueue_indirect_dma source(%dma_start3A_711 : memref<100001x128xbf16, #tpu.memory_space<hbm>>) target(%dma_start3A_705 : memref<26x128xbf16, #tpu.memory_space<vmem>>) offsets(%dma_start3A_708 : memref<26xi32, #tpu.memory_space<vmem>>) semaphore(%arg14 : memref<!tpu.dma_semaphore, #tpu.memory_space<semaphore_mem>>)
      } else {
      }
      %mul3A_394 = arith.constant 16 : i32
      %mul3A_395 = arith.muli %mul3A_394, %scan3A_201 : i32
      %add3A_396 = arith.constant 7 : i32
      %add3A_397 = arith.addi %mul3A_395, %add3A_396 : i32
      %dma_wait3A_398 = arith.constant 7 : i32
      %dma_wait3A_399 = arith.constant 0 : i32
      %dma_wait3A_400 = arith.constant 0 : i32
      %dma_wait3A_401 = tpu.memref_slice %arg6[%dma_wait3A_398, %dma_wait3A_399, %dma_wait3A_400] : memref<16x26x128xbf16, #tpu.memory_space<vmem>> -> memref<1x26x128xbf16, #tpu.memory_space<vmem>>
      %dma_wait3A_402 = tpu.memref_squeeze %dma_wait3A_401 : memref<1x26x128xbf16, #tpu.memory_space<vmem>> -> memref<26x128xbf16, #tpu.memory_space<vmem>>
      %dma_wait3A_403 = arith.constant 0 : i32
      %dma_wait3A_404 = tpu.memref_slice %arg5[%add3A_397, %dma_wait3A_403] : memref<1024x26xi32, #tpu.memory_space<vmem>> -> memref<1x26xi32, #tpu.memory_space<vmem>>
      %dma_wait3A_405 = tpu.memref_squeeze %dma_wait3A_404 : memref<1x26xi32, #tpu.memory_space<vmem>> -> memref<26xi32, #tpu.memory_space<vmem>>
      %dma_wait3A_406 = arith.constant 0 : i32
      %dma_wait3A_407 = arith.constant 0 : i32
      %dma_wait3A_408 = tpu.memref_slice %arg3[%dma_wait3A_406, %dma_wait3A_407] : memref<100001x128xbf16, #tpu.memory_space<hbm>> -> memref<100001x128xbf16, #tpu.memory_space<hbm>>
      tpu.wait_indirect_dma semaphore(%arg15 : memref<!tpu.dma_semaphore, #tpu.memory_space<semaphore_mem>>) src(%dma_wait3A_408 : memref<100001x128xbf16, #tpu.memory_space<hbm>>) dst(%dma_wait3A_402 : memref<26x128xbf16, #tpu.memory_space<vmem>>)
      %parallel_loop3A_409 = arith.constant 0 : i32
      %parallel_loop3A_410 = arith.constant 26 : i32
      %parallel_loop3A_411 = arith.constant 1 : i32
      %parallel_loop3A_412:8 = scf.for %parallel_loop3A_699 = %parallel_loop3A_409 to %parallel_loop3A_410 step %parallel_loop3A_411 iter_args(%parallel_loop3A_700 = %parallel_loop3A_386#0, %parallel_loop3A_701 = %parallel_loop3A_386#1, %parallel_loop3A_702 = %parallel_loop3A_386#2, %parallel_loop3A_703 = %parallel_loop3A_386#3, %parallel_loop3A_704 = %parallel_loop3A_386#4, %parallel_loop3A_705 = %parallel_loop3A_386#5, %parallel_loop3A_706 = %parallel_loop3A_386#6, %parallel_loop3A_707 = %parallel_loop3A_386#7) -> (vector<16xf32>, vector<16xf32>, vector<16xf32>, vector<16xf32>, vector<16xf32>, vector<16xf32>, vector<16xf32>, vector<16xf32>)  : i32 {
        %parallel_loop3A_708 = arith.constant 7 : i32
        %parallel_loop3A_709 = arith.index_cast %parallel_loop3A_708 : i32 to index
        %parallel_loop3A_710 = arith.index_cast %parallel_loop3A_699 : i32 to index
        %parallel_loop3A_711 = arith.constant 0 : index
        %parallel_loop3A_712 = tpu.vector_load %arg6[%parallel_loop3A_709, %parallel_loop3A_710, %parallel_loop3A_711] {strides = array<i32>} : memref<16x26x128xbf16, #tpu.memory_space<vmem>>, vector<32xbf16>,
        %parallel_loop3A_713 = tpu.unpack_subelements %parallel_loop3A_712, 0 {pack_format = #tpu.pack_format<interleaved>} : vector<32xbf16> -> vector<16xf32>
        %parallel_loop3A_714 = tpu.unpack_subelements %parallel_loop3A_712, 1 {pack_format = #tpu.pack_format<interleaved>} : vector<32xbf16> -> vector<16xf32>
        %parallel_loop3A_715 = arith.addf %parallel_loop3A_700, %parallel_loop3A_713 : vector<16xf32>
        %parallel_loop3A_716 = arith.addf %parallel_loop3A_701, %parallel_loop3A_714 : vector<16xf32>
        %parallel_loop3A_717 = arith.constant 7 : i32
        %parallel_loop3A_718 = arith.index_cast %parallel_loop3A_717 : i32 to index
        %parallel_loop3A_719 = arith.index_cast %parallel_loop3A_699 : i32 to index
        %parallel_loop3A_720 = arith.constant 32 : index
        %parallel_loop3A_721 = tpu.vector_load %arg6[%parallel_loop3A_718, %parallel_loop3A_719, %parallel_loop3A_720] {strides = array<i32>} : memref<16x26x128xbf16, #tpu.memory_space<vmem>>, vector<32xbf16>,
        %parallel_loop3A_722 = tpu.unpack_subelements %parallel_loop3A_721, 0 {pack_format = #tpu.pack_format<interleaved>} : vector<32xbf16> -> vector<16xf32>
        %parallel_loop3A_723 = tpu.unpack_subelements %parallel_loop3A_721, 1 {pack_format = #tpu.pack_format<interleaved>} : vector<32xbf16> -> vector<16xf32>
        %parallel_loop3A_724 = arith.addf %parallel_loop3A_702, %parallel_loop3A_722 : vector<16xf32>
        %parallel_loop3A_725 = arith.addf %parallel_loop3A_703, %parallel_loop3A_723 : vector<16xf32>
        %parallel_loop3A_726 = arith.constant 7 : i32
        %parallel_loop3A_727 = arith.index_cast %parallel_loop3A_726 : i32 to index
        %parallel_loop3A_728 = arith.index_cast %parallel_loop3A_699 : i32 to index
        %parallel_loop3A_729 = arith.constant 64 : index
        %parallel_loop3A_730 = tpu.vector_load %arg6[%parallel_loop3A_727, %parallel_loop3A_728, %parallel_loop3A_729] {strides = array<i32>} : memref<16x26x128xbf16, #tpu.memory_space<vmem>>, vector<32xbf16>,
        %parallel_loop3A_731 = tpu.unpack_subelements %parallel_loop3A_730, 0 {pack_format = #tpu.pack_format<interleaved>} : vector<32xbf16> -> vector<16xf32>
        %parallel_loop3A_732 = tpu.unpack_subelements %parallel_loop3A_730, 1 {pack_format = #tpu.pack_format<interleaved>} : vector<32xbf16> -> vector<16xf32>
        %parallel_loop3A_733 = arith.addf %parallel_loop3A_704, %parallel_loop3A_731 : vector<16xf32>
        %parallel_loop3A_734 = arith.addf %parallel_loop3A_705, %parallel_loop3A_732 : vector<16xf32>
        %parallel_loop3A_735 = arith.constant 7 : i32
        %parallel_loop3A_736 = arith.index_cast %parallel_loop3A_735 : i32 to index
        %parallel_loop3A_737 = arith.index_cast %parallel_loop3A_699 : i32 to index
        %parallel_loop3A_738 = arith.constant 96 : index
        %parallel_loop3A_739 = tpu.vector_load %arg6[%parallel_loop3A_736, %parallel_loop3A_737, %parallel_loop3A_738] {strides = array<i32>} : memref<16x26x128xbf16, #tpu.memory_space<vmem>>, vector<32xbf16>,
        %parallel_loop3A_740 = tpu.unpack_subelements %parallel_loop3A_739, 0 {pack_format = #tpu.pack_format<interleaved>} : vector<32xbf16> -> vector<16xf32>
        %parallel_loop3A_741 = tpu.unpack_subelements %parallel_loop3A_739, 1 {pack_format = #tpu.pack_format<interleaved>} : vector<32xbf16> -> vector<16xf32>
        %parallel_loop3A_742 = arith.addf %parallel_loop3A_706, %parallel_loop3A_740 : vector<16xf32>
        %parallel_loop3A_743 = arith.addf %parallel_loop3A_707, %parallel_loop3A_741 : vector<16xf32>
        scf.yield %parallel_loop3A_715, %parallel_loop3A_716, %parallel_loop3A_724, %parallel_loop3A_725, %parallel_loop3A_733, %parallel_loop3A_734, %parallel_loop3A_742, %parallel_loop3A_743 : vector<16xf32>, vector<16xf32>, vector<16xf32>, vector<16xf32>, vector<16xf32>, vector<16xf32>, vector<16xf32>, vector<16xf32>
      } {sc.loop_unroll_factor = 2 : i64, sc.parallel_access}
      %mul3A_413 = arith.constant 2 : i32
      %mul3A_414 = arith.muli %mul3A_413, %scan3A_201 : i32
      %add3A_415 = arith.constant 0 : i32
      %add3A_416 = arith.addi %mul3A_414, %add3A_415 : i32
      %swap3A = arith.index_cast %add3A_416 : i32 to index
      %swap3A_417 = arith.constant 0 : index
      %swap3A_418 = tpu.vector_load %arg7[%swap3A, %swap3A_417] {strides = array<i32>} : memref<128x128xf32, #tpu.memory_space<vmem>>, vector<16xf32>,
      tpu.vector_store %arg7[%swap3A, %swap3A_417], %parallel_loop3A_412#0 {strides = array<i32>} : memref<128x128xf32, #tpu.memory_space<vmem>>, vector<16xf32>,
      %swap3A_419 = arith.index_cast %add3A_416 : i32 to index
      %swap3A_420 = arith.constant 16 : index
      %swap3A_421 = tpu.vector_load %arg7[%swap3A_419, %swap3A_420] {strides = array<i32>} : memref<128x128xf32, #tpu.memory_space<vmem>>, vector<16xf32>,
      tpu.vector_store %arg7[%swap3A_419, %swap3A_420], %parallel_loop3A_412#1 {strides = array<i32>} : memref<128x128xf32, #tpu.memory_space<vmem>>, vector<16xf32>,
      %swap3A_422 = arith.index_cast %add3A_416 : i32 to index
      %swap3A_423 = arith.constant 32 : index
      %swap3A_424 = tpu.vector_load %arg7[%swap3A_422, %swap3A_423] {strides = array<i32>} : memref<128x128xf32, #tpu.memory_space<vmem>>, vector<16xf32>,
      tpu.vector_store %arg7[%swap3A_422, %swap3A_423], %parallel_loop3A_412#2 {strides = array<i32>} : memref<128x128xf32, #tpu.memory_space<vmem>>, vector<16xf32>,
      %swap3A_425 = arith.index_cast %add3A_416 : i32 to index
      %swap3A_426 = arith.constant 48 : index
      %swap3A_427 = tpu.vector_load %arg7[%swap3A_425, %swap3A_426] {strides = array<i32>} : memref<128x128xf32, #tpu.memory_space<vmem>>, vector<16xf32>,
      tpu.vector_store %arg7[%swap3A_425, %swap3A_426], %parallel_loop3A_412#3 {strides = array<i32>} : memref<128x128xf32, #tpu.memory_space<vmem>>, vector<16xf32>,
      %swap3A_428 = arith.index_cast %add3A_416 : i32 to index
      %swap3A_429 = arith.constant 64 : index
      %swap3A_430 = tpu.vector_load %arg7[%swap3A_428, %swap3A_429] {strides = array<i32>} : memref<128x128xf32, #tpu.memory_space<vmem>>, vector<16xf32>,
      tpu.vector_store %arg7[%swap3A_428, %swap3A_429], %parallel_loop3A_412#4 {strides = array<i32>} : memref<128x128xf32, #tpu.memory_space<vmem>>, vector<16xf32>,
      %swap3A_431 = arith.index_cast %add3A_416 : i32 to index
      %swap3A_432 = arith.constant 80 : index
      %swap3A_433 = tpu.vector_load %arg7[%swap3A_431, %swap3A_432] {strides = array<i32>} : memref<128x128xf32, #tpu.memory_space<vmem>>, vector<16xf32>,
      tpu.vector_store %arg7[%swap3A_431, %swap3A_432], %parallel_loop3A_412#5 {strides = array<i32>} : memref<128x128xf32, #tpu.memory_space<vmem>>, vector<16xf32>,
      %swap3A_434 = arith.index_cast %add3A_416 : i32 to index
      %swap3A_435 = arith.constant 96 : index
      %swap3A_436 = tpu.vector_load %arg7[%swap3A_434, %swap3A_435] {strides = array<i32>} : memref<128x128xf32, #tpu.memory_space<vmem>>, vector<16xf32>,
      tpu.vector_store %arg7[%swap3A_434, %swap3A_435], %parallel_loop3A_412#6 {strides = array<i32>} : memref<128x128xf32, #tpu.memory_space<vmem>>, vector<16xf32>,
      %swap3A_437 = arith.index_cast %add3A_416 : i32 to index
      %swap3A_438 = arith.constant 112 : index
      %swap3A_439 = tpu.vector_load %arg7[%swap3A_437, %swap3A_438] {strides = array<i32>} : memref<128x128xf32, #tpu.memory_space<vmem>>, vector<16xf32>,
      tpu.vector_store %arg7[%swap3A_437, %swap3A_438], %parallel_loop3A_412#7 {strides = array<i32>} : memref<128x128xf32, #tpu.memory_space<vmem>>, vector<16xf32>,
      %add3A_440 = arith.constant 16 : i32
      %add3A_441 = arith.addi %add3A_397, %add3A_440 : i32
      %lt3A_442 = arith.constant 1024 : i32
      %lt3A_443 = arith.cmpi slt, %add3A_441, %lt3A_442 : i32
      %convert_element_type3A_444 = arith.extui %lt3A_443 : i1 to i32
      %cond3A_445 = arith.constant 0 : i32
      %cond3A_446 = arith.cmpi ne, %convert_element_type3A_444, %cond3A_445 : i32
      scf.if %cond3A_446 {
        %add3A_699 = arith.constant 16 : i32
        %add3A_700 = arith.addi %add3A_397, %add3A_699 : i32
        %dma_start3A_701 = arith.constant 7 : i32
        %dma_start3A_702 = arith.constant 0 : i32
        %dma_start3A_703 = arith.constant 0 : i32
        %dma_start3A_704 = tpu.memref_slice %arg6[%dma_start3A_701, %dma_start3A_702, %dma_start3A_703] : memref<16x26x128xbf16, #tpu.memory_space<vmem>> -> memref<1x26x128xbf16, #tpu.memory_space<vmem>>
        %dma_start3A_705 = tpu.memref_squeeze %dma_start3A_704 : memref<1x26x128xbf16, #tpu.memory_space<vmem>> -> memref<26x128xbf16, #tpu.memory_space<vmem>>
        %dma_start3A_706 = arith.constant 0 : i32
        %dma_start3A_707 = tpu.memref_slice %arg5[%add3A_700, %dma_start3A_706] : memref<1024x26xi32, #tpu.memory_space<vmem>> -> memref<1x26xi32, #tpu.memory_space<vmem>>
        %dma_start3A_708 = tpu.memref_squeeze %dma_start3A_707 : memref<1x26xi32, #tpu.memory_space<vmem>> -> memref<26xi32, #tpu.memory_space<vmem>>
        %dma_start3A_709 = arith.constant 0 : i32
        %dma_start3A_710 = arith.constant 0 : i32
        %dma_start3A_711 = tpu.memref_slice %arg3[%dma_start3A_709, %dma_start3A_710] : memref<100001x128xbf16, #tpu.memory_space<hbm>> -> memref<100001x128xbf16, #tpu.memory_space<hbm>>
        tpu.enqueue_indirect_dma source(%dma_start3A_711 : memref<100001x128xbf16, #tpu.memory_space<hbm>>) target(%dma_start3A_705 : memref<26x128xbf16, #tpu.memory_space<vmem>>) offsets(%dma_start3A_708 : memref<26xi32, #tpu.memory_space<vmem>>) semaphore(%arg15 : memref<!tpu.dma_semaphore, #tpu.memory_space<semaphore_mem>>)
      } else {
      }
      %mul3A_447 = arith.constant 16 : i32
      %mul3A_448 = arith.muli %mul3A_447, %scan3A_201 : i32
      %add3A_449 = arith.constant 8 : i32
      %add3A_450 = arith.addi %mul3A_448, %add3A_449 : i32
      %dma_wait3A_451 = arith.constant 8 : i32
      %dma_wait3A_452 = arith.constant 0 : i32
      %dma_wait3A_453 = arith.constant 0 : i32
      %dma_wait3A_454 = tpu.memref_slice %arg6[%dma_wait3A_451, %dma_wait3A_452, %dma_wait3A_453] : memref<16x26x128xbf16, #tpu.memory_space<vmem>> -> memref<1x26x128xbf16, #tpu.memory_space<vmem>>
      %dma_wait3A_455 = tpu.memref_squeeze %dma_wait3A_454 : memref<1x26x128xbf16, #tpu.memory_space<vmem>> -> memref<26x128xbf16, #tpu.memory_space<vmem>>
      %dma_wait3A_456 = arith.constant 0 : i32
      %dma_wait3A_457 = tpu.memref_slice %arg5[%add3A_450, %dma_wait3A_456] : memref<1024x26xi32, #tpu.memory_space<vmem>> -> memref<1x26xi32, #tpu.memory_space<vmem>>
      %dma_wait3A_458 = tpu.memref_squeeze %dma_wait3A_457 : memref<1x26xi32, #tpu.memory_space<vmem>> -> memref<26xi32, #tpu.memory_space<vmem>>
      %dma_wait3A_459 = arith.constant 0 : i32
      %dma_wait3A_460 = arith.constant 0 : i32
      %dma_wait3A_461 = tpu.memref_slice %arg3[%dma_wait3A_459, %dma_wait3A_460] : memref<100001x128xbf16, #tpu.memory_space<hbm>> -> memref<100001x128xbf16, #tpu.memory_space<hbm>>
      tpu.wait_indirect_dma semaphore(%arg16 : memref<!tpu.dma_semaphore, #tpu.memory_space<semaphore_mem>>) src(%dma_wait3A_461 : memref<100001x128xbf16, #tpu.memory_space<hbm>>) dst(%dma_wait3A_455 : memref<26x128xbf16, #tpu.memory_space<vmem>>)
      %broadcast_in_dim3A_462 = arith.constant 0.000000e+00 : f32
      %broadcast_in_dim3A_463 = vector.broadcast %broadcast_in_dim3A_462 : f32 to vector<16xf32>
      %broadcast_in_dim3A_464 = arith.constant 0.000000e+00 : f32
      %broadcast_in_dim3A_465 = vector.broadcast %broadcast_in_dim3A_464 : f32 to vector<16xf32>
      %broadcast_in_dim3A_466 = arith.constant 0.000000e+00 : f32
      %broadcast_in_dim3A_467 = vector.broadcast %broadcast_in_dim3A_466 : f32 to vector<16xf32>
      %broadcast_in_dim3A_468 = arith.constant 0.000000e+00 : f32
      %broadcast_in_dim3A_469 = vector.broadcast %broadcast_in_dim3A_468 : f32 to vector<16xf32>
      %broadcast_in_dim3A_470 = arith.constant 0.000000e+00 : f32
      %broadcast_in_dim3A_471 = vector.broadcast %broadcast_in_dim3A_470 : f32 to vector<16xf32>
      %broadcast_in_dim3A_472 = arith.constant 0.000000e+00 : f32
      %broadcast_in_dim3A_473 = vector.broadcast %broadcast_in_dim3A_472 : f32 to vector<16xf32>
      %broadcast_in_dim3A_474 = arith.constant 0.000000e+00 : f32
      %broadcast_in_dim3A_475 = vector.broadcast %broadcast_in_dim3A_474 : f32 to vector<16xf32>
      %broadcast_in_dim3A_476 = arith.constant 0.000000e+00 : f32
      %broadcast_in_dim3A_477 = vector.broadcast %broadcast_in_dim3A_476 : f32 to vector<16xf32>
      %parallel_loop3A_478 = arith.constant 0 : i32
      %parallel_loop3A_479 = arith.constant 26 : i32
      %parallel_loop3A_480 = arith.constant 1 : i32
      %parallel_loop3A_481:8 = scf.for %parallel_loop3A_699 = %parallel_loop3A_478 to %parallel_loop3A_479 step %parallel_loop3A_480 iter_args(%parallel_loop3A_700 = %broadcast_in_dim3A_463, %parallel_loop3A_701 = %broadcast_in_dim3A_465, %parallel_loop3A_702 = %broadcast_in_dim3A_467, %parallel_loop3A_703 = %broadcast_in_dim3A_469, %parallel_loop3A_704 = %broadcast_in_dim3A_471, %parallel_loop3A_705 = %broadcast_in_dim3A_473, %parallel_loop3A_706 = %broadcast_in_dim3A_475, %parallel_loop3A_707 = %broadcast_in_dim3A_477) -> (vector<16xf32>, vector<16xf32>, vector<16xf32>, vector<16xf32>, vector<16xf32>, vector<16xf32>, vector<16xf32>, vector<16xf32>)  : i32 {
        %parallel_loop3A_708 = arith.constant 8 : i32
        %parallel_loop3A_709 = arith.index_cast %parallel_loop3A_708 : i32 to index
        %parallel_loop3A_710 = arith.index_cast %parallel_loop3A_699 : i32 to index
        %parallel_loop3A_711 = arith.constant 0 : index
        %parallel_loop3A_712 = tpu.vector_load %arg6[%parallel_loop3A_709, %parallel_loop3A_710, %parallel_loop3A_711] {strides = array<i32>} : memref<16x26x128xbf16, #tpu.memory_space<vmem>>, vector<32xbf16>,
        %parallel_loop3A_713 = tpu.unpack_subelements %parallel_loop3A_712, 0 {pack_format = #tpu.pack_format<interleaved>} : vector<32xbf16> -> vector<16xf32>
        %parallel_loop3A_714 = tpu.unpack_subelements %parallel_loop3A_712, 1 {pack_format = #tpu.pack_format<interleaved>} : vector<32xbf16> -> vector<16xf32>
        %parallel_loop3A_715 = arith.addf %parallel_loop3A_700, %parallel_loop3A_713 : vector<16xf32>
        %parallel_loop3A_716 = arith.addf %parallel_loop3A_701, %parallel_loop3A_714 : vector<16xf32>
        %parallel_loop3A_717 = arith.constant 8 : i32
        %parallel_loop3A_718 = arith.index_cast %parallel_loop3A_717 : i32 to index
        %parallel_loop3A_719 = arith.index_cast %parallel_loop3A_699 : i32 to index
        %parallel_loop3A_720 = arith.constant 32 : index
        %parallel_loop3A_721 = tpu.vector_load %arg6[%parallel_loop3A_718, %parallel_loop3A_719, %parallel_loop3A_720] {strides = array<i32>} : memref<16x26x128xbf16, #tpu.memory_space<vmem>>, vector<32xbf16>,
        %parallel_loop3A_722 = tpu.unpack_subelements %parallel_loop3A_721, 0 {pack_format = #tpu.pack_format<interleaved>} : vector<32xbf16> -> vector<16xf32>
        %parallel_loop3A_723 = tpu.unpack_subelements %parallel_loop3A_721, 1 {pack_format = #tpu.pack_format<interleaved>} : vector<32xbf16> -> vector<16xf32>
        %parallel_loop3A_724 = arith.addf %parallel_loop3A_702, %parallel_loop3A_722 : vector<16xf32>
        %parallel_loop3A_725 = arith.addf %parallel_loop3A_703, %parallel_loop3A_723 : vector<16xf32>
        %parallel_loop3A_726 = arith.constant 8 : i32
        %parallel_loop3A_727 = arith.index_cast %parallel_loop3A_726 : i32 to index
        %parallel_loop3A_728 = arith.index_cast %parallel_loop3A_699 : i32 to index
        %parallel_loop3A_729 = arith.constant 64 : index
        %parallel_loop3A_730 = tpu.vector_load %arg6[%parallel_loop3A_727, %parallel_loop3A_728, %parallel_loop3A_729] {strides = array<i32>} : memref<16x26x128xbf16, #tpu.memory_space<vmem>>, vector<32xbf16>,
        %parallel_loop3A_731 = tpu.unpack_subelements %parallel_loop3A_730, 0 {pack_format = #tpu.pack_format<interleaved>} : vector<32xbf16> -> vector<16xf32>
        %parallel_loop3A_732 = tpu.unpack_subelements %parallel_loop3A_730, 1 {pack_format = #tpu.pack_format<interleaved>} : vector<32xbf16> -> vector<16xf32>
        %parallel_loop3A_733 = arith.addf %parallel_loop3A_704, %parallel_loop3A_731 : vector<16xf32>
        %parallel_loop3A_734 = arith.addf %parallel_loop3A_705, %parallel_loop3A_732 : vector<16xf32>
        %parallel_loop3A_735 = arith.constant 8 : i32
        %parallel_loop3A_736 = arith.index_cast %parallel_loop3A_735 : i32 to index
        %parallel_loop3A_737 = arith.index_cast %parallel_loop3A_699 : i32 to index
        %parallel_loop3A_738 = arith.constant 96 : index
        %parallel_loop3A_739 = tpu.vector_load %arg6[%parallel_loop3A_736, %parallel_loop3A_737, %parallel_loop3A_738] {strides = array<i32>} : memref<16x26x128xbf16, #tpu.memory_space<vmem>>, vector<32xbf16>,
        %parallel_loop3A_740 = tpu.unpack_subelements %parallel_loop3A_739, 0 {pack_format = #tpu.pack_format<interleaved>} : vector<32xbf16> -> vector<16xf32>
        %parallel_loop3A_741 = tpu.unpack_subelements %parallel_loop3A_739, 1 {pack_format = #tpu.pack_format<interleaved>} : vector<32xbf16> -> vector<16xf32>
        %parallel_loop3A_742 = arith.addf %parallel_loop3A_706, %parallel_loop3A_740 : vector<16xf32>
        %parallel_loop3A_743 = arith.addf %parallel_loop3A_707, %parallel_loop3A_741 : vector<16xf32>
        scf.yield %parallel_loop3A_715, %parallel_loop3A_716, %parallel_loop3A_724, %parallel_loop3A_725, %parallel_loop3A_733, %parallel_loop3A_734, %parallel_loop3A_742, %parallel_loop3A_743 : vector<16xf32>, vector<16xf32>, vector<16xf32>, vector<16xf32>, vector<16xf32>, vector<16xf32>, vector<16xf32>, vector<16xf32>
      } {sc.loop_unroll_factor = 2 : i64, sc.parallel_access}
      %add3A_482 = arith.constant 16 : i32
      %add3A_483 = arith.addi %add3A_450, %add3A_482 : i32
      %lt3A_484 = arith.constant 1024 : i32
      %lt3A_485 = arith.cmpi slt, %add3A_483, %lt3A_484 : i32
      %convert_element_type3A_486 = arith.extui %lt3A_485 : i1 to i32
      %cond3A_487 = arith.constant 0 : i32
      %cond3A_488 = arith.cmpi ne, %convert_element_type3A_486, %cond3A_487 : i32
      scf.if %cond3A_488 {
        %add3A_699 = arith.constant 16 : i32
        %add3A_700 = arith.addi %add3A_450, %add3A_699 : i32
        %dma_start3A_701 = arith.constant 8 : i32
        %dma_start3A_702 = arith.constant 0 : i32
        %dma_start3A_703 = arith.constant 0 : i32
        %dma_start3A_704 = tpu.memref_slice %arg6[%dma_start3A_701, %dma_start3A_702, %dma_start3A_703] : memref<16x26x128xbf16, #tpu.memory_space<vmem>> -> memref<1x26x128xbf16, #tpu.memory_space<vmem>>
        %dma_start3A_705 = tpu.memref_squeeze %dma_start3A_704 : memref<1x26x128xbf16, #tpu.memory_space<vmem>> -> memref<26x128xbf16, #tpu.memory_space<vmem>>
        %dma_start3A_706 = arith.constant 0 : i32
        %dma_start3A_707 = tpu.memref_slice %arg5[%add3A_700, %dma_start3A_706] : memref<1024x26xi32, #tpu.memory_space<vmem>> -> memref<1x26xi32, #tpu.memory_space<vmem>>
        %dma_start3A_708 = tpu.memref_squeeze %dma_start3A_707 : memref<1x26xi32, #tpu.memory_space<vmem>> -> memref<26xi32, #tpu.memory_space<vmem>>
        %dma_start3A_709 = arith.constant 0 : i32
        %dma_start3A_710 = arith.constant 0 : i32
        %dma_start3A_711 = tpu.memref_slice %arg3[%dma_start3A_709, %dma_start3A_710] : memref<100001x128xbf16, #tpu.memory_space<hbm>> -> memref<100001x128xbf16, #tpu.memory_space<hbm>>
        tpu.enqueue_indirect_dma source(%dma_start3A_711 : memref<100001x128xbf16, #tpu.memory_space<hbm>>) target(%dma_start3A_705 : memref<26x128xbf16, #tpu.memory_space<vmem>>) offsets(%dma_start3A_708 : memref<26xi32, #tpu.memory_space<vmem>>) semaphore(%arg16 : memref<!tpu.dma_semaphore, #tpu.memory_space<semaphore_mem>>)
      } else {
      }
      %mul3A_489 = arith.constant 16 : i32
      %mul3A_490 = arith.muli %mul3A_489, %scan3A_201 : i32
      %add3A_491 = arith.constant 9 : i32
      %add3A_492 = arith.addi %mul3A_490, %add3A_491 : i32
      %dma_wait3A_493 = arith.constant 9 : i32
      %dma_wait3A_494 = arith.constant 0 : i32
      %dma_wait3A_495 = arith.constant 0 : i32
      %dma_wait3A_496 = tpu.memref_slice %arg6[%dma_wait3A_493, %dma_wait3A_494, %dma_wait3A_495] : memref<16x26x128xbf16, #tpu.memory_space<vmem>> -> memref<1x26x128xbf16, #tpu.memory_space<vmem>>
      %dma_wait3A_497 = tpu.memref_squeeze %dma_wait3A_496 : memref<1x26x128xbf16, #tpu.memory_space<vmem>> -> memref<26x128xbf16, #tpu.memory_space<vmem>>
      %dma_wait3A_498 = arith.constant 0 : i32
      %dma_wait3A_499 = tpu.memref_slice %arg5[%add3A_492, %dma_wait3A_498] : memref<1024x26xi32, #tpu.memory_space<vmem>> -> memref<1x26xi32, #tpu.memory_space<vmem>>
      %dma_wait3A_500 = tpu.memref_squeeze %dma_wait3A_499 : memref<1x26xi32, #tpu.memory_space<vmem>> -> memref<26xi32, #tpu.memory_space<vmem>>
      %dma_wait3A_501 = arith.constant 0 : i32
      %dma_wait3A_502 = arith.constant 0 : i32
      %dma_wait3A_503 = tpu.memref_slice %arg3[%dma_wait3A_501, %dma_wait3A_502] : memref<100001x128xbf16, #tpu.memory_space<hbm>> -> memref<100001x128xbf16, #tpu.memory_space<hbm>>
      tpu.wait_indirect_dma semaphore(%arg17 : memref<!tpu.dma_semaphore, #tpu.memory_space<semaphore_mem>>) src(%dma_wait3A_503 : memref<100001x128xbf16, #tpu.memory_space<hbm>>) dst(%dma_wait3A_497 : memref<26x128xbf16, #tpu.memory_space<vmem>>)
      %parallel_loop3A_504 = arith.constant 0 : i32
      %parallel_loop3A_505 = arith.constant 26 : i32
      %parallel_loop3A_506 = arith.constant 1 : i32
      %parallel_loop3A_507:8 = scf.for %parallel_loop3A_699 = %parallel_loop3A_504 to %parallel_loop3A_505 step %parallel_loop3A_506 iter_args(%parallel_loop3A_700 = %parallel_loop3A_481#0, %parallel_loop3A_701 = %parallel_loop3A_481#1, %parallel_loop3A_702 = %parallel_loop3A_481#2, %parallel_loop3A_703 = %parallel_loop3A_481#3, %parallel_loop3A_704 = %parallel_loop3A_481#4, %parallel_loop3A_705 = %parallel_loop3A_481#5, %parallel_loop3A_706 = %parallel_loop3A_481#6, %parallel_loop3A_707 = %parallel_loop3A_481#7) -> (vector<16xf32>, vector<16xf32>, vector<16xf32>, vector<16xf32>, vector<16xf32>, vector<16xf32>, vector<16xf32>, vector<16xf32>)  : i32 {
        %parallel_loop3A_708 = arith.constant 9 : i32
        %parallel_loop3A_709 = arith.index_cast %parallel_loop3A_708 : i32 to index
        %parallel_loop3A_710 = arith.index_cast %parallel_loop3A_699 : i32 to index
        %parallel_loop3A_711 = arith.constant 0 : index
        %parallel_loop3A_712 = tpu.vector_load %arg6[%parallel_loop3A_709, %parallel_loop3A_710, %parallel_loop3A_711] {strides = array<i32>} : memref<16x26x128xbf16, #tpu.memory_space<vmem>>, vector<32xbf16>,
        %parallel_loop3A_713 = tpu.unpack_subelements %parallel_loop3A_712, 0 {pack_format = #tpu.pack_format<interleaved>} : vector<32xbf16> -> vector<16xf32>
        %parallel_loop3A_714 = tpu.unpack_subelements %parallel_loop3A_712, 1 {pack_format = #tpu.pack_format<interleaved>} : vector<32xbf16> -> vector<16xf32>
        %parallel_loop3A_715 = arith.addf %parallel_loop3A_700, %parallel_loop3A_713 : vector<16xf32>
        %parallel_loop3A_716 = arith.addf %parallel_loop3A_701, %parallel_loop3A_714 : vector<16xf32>
        %parallel_loop3A_717 = arith.constant 9 : i32
        %parallel_loop3A_718 = arith.index_cast %parallel_loop3A_717 : i32 to index
        %parallel_loop3A_719 = arith.index_cast %parallel_loop3A_699 : i32 to index
        %parallel_loop3A_720 = arith.constant 32 : index
        %parallel_loop3A_721 = tpu.vector_load %arg6[%parallel_loop3A_718, %parallel_loop3A_719, %parallel_loop3A_720] {strides = array<i32>} : memref<16x26x128xbf16, #tpu.memory_space<vmem>>, vector<32xbf16>,
        %parallel_loop3A_722 = tpu.unpack_subelements %parallel_loop3A_721, 0 {pack_format = #tpu.pack_format<interleaved>} : vector<32xbf16> -> vector<16xf32>
        %parallel_loop3A_723 = tpu.unpack_subelements %parallel_loop3A_721, 1 {pack_format = #tpu.pack_format<interleaved>} : vector<32xbf16> -> vector<16xf32>
        %parallel_loop3A_724 = arith.addf %parallel_loop3A_702, %parallel_loop3A_722 : vector<16xf32>
        %parallel_loop3A_725 = arith.addf %parallel_loop3A_703, %parallel_loop3A_723 : vector<16xf32>
        %parallel_loop3A_726 = arith.constant 9 : i32
        %parallel_loop3A_727 = arith.index_cast %parallel_loop3A_726 : i32 to index
        %parallel_loop3A_728 = arith.index_cast %parallel_loop3A_699 : i32 to index
        %parallel_loop3A_729 = arith.constant 64 : index
        %parallel_loop3A_730 = tpu.vector_load %arg6[%parallel_loop3A_727, %parallel_loop3A_728, %parallel_loop3A_729] {strides = array<i32>} : memref<16x26x128xbf16, #tpu.memory_space<vmem>>, vector<32xbf16>,
        %parallel_loop3A_731 = tpu.unpack_subelements %parallel_loop3A_730, 0 {pack_format = #tpu.pack_format<interleaved>} : vector<32xbf16> -> vector<16xf32>
        %parallel_loop3A_732 = tpu.unpack_subelements %parallel_loop3A_730, 1 {pack_format = #tpu.pack_format<interleaved>} : vector<32xbf16> -> vector<16xf32>
        %parallel_loop3A_733 = arith.addf %parallel_loop3A_704, %parallel_loop3A_731 : vector<16xf32>
        %parallel_loop3A_734 = arith.addf %parallel_loop3A_705, %parallel_loop3A_732 : vector<16xf32>
        %parallel_loop3A_735 = arith.constant 9 : i32
        %parallel_loop3A_736 = arith.index_cast %parallel_loop3A_735 : i32 to index
        %parallel_loop3A_737 = arith.index_cast %parallel_loop3A_699 : i32 to index
        %parallel_loop3A_738 = arith.constant 96 : index
        %parallel_loop3A_739 = tpu.vector_load %arg6[%parallel_loop3A_736, %parallel_loop3A_737, %parallel_loop3A_738] {strides = array<i32>} : memref<16x26x128xbf16, #tpu.memory_space<vmem>>, vector<32xbf16>,
        %parallel_loop3A_740 = tpu.unpack_subelements %parallel_loop3A_739, 0 {pack_format = #tpu.pack_format<interleaved>} : vector<32xbf16> -> vector<16xf32>
        %parallel_loop3A_741 = tpu.unpack_subelements %parallel_loop3A_739, 1 {pack_format = #tpu.pack_format<interleaved>} : vector<32xbf16> -> vector<16xf32>
        %parallel_loop3A_742 = arith.addf %parallel_loop3A_706, %parallel_loop3A_740 : vector<16xf32>
        %parallel_loop3A_743 = arith.addf %parallel_loop3A_707, %parallel_loop3A_741 : vector<16xf32>
        scf.yield %parallel_loop3A_715, %parallel_loop3A_716, %parallel_loop3A_724, %parallel_loop3A_725, %parallel_loop3A_733, %parallel_loop3A_734, %parallel_loop3A_742, %parallel_loop3A_743 : vector<16xf32>, vector<16xf32>, vector<16xf32>, vector<16xf32>, vector<16xf32>, vector<16xf32>, vector<16xf32>, vector<16xf32>
      } {sc.loop_unroll_factor = 2 : i64, sc.parallel_access}
      %add3A_508 = arith.constant 16 : i32
      %add3A_509 = arith.addi %add3A_492, %add3A_508 : i32
      %lt3A_510 = arith.constant 1024 : i32
      %lt3A_511 = arith.cmpi slt, %add3A_509, %lt3A_510 : i32
      %convert_element_type3A_512 = arith.extui %lt3A_511 : i1 to i32
      %cond3A_513 = arith.constant 0 : i32
      %cond3A_514 = arith.cmpi ne, %convert_element_type3A_512, %cond3A_513 : i32
      scf.if %cond3A_514 {
        %add3A_699 = arith.constant 16 : i32
        %add3A_700 = arith.addi %add3A_492, %add3A_699 : i32
        %dma_start3A_701 = arith.constant 9 : i32
        %dma_start3A_702 = arith.constant 0 : i32
        %dma_start3A_703 = arith.constant 0 : i32
        %dma_start3A_704 = tpu.memref_slice %arg6[%dma_start3A_701, %dma_start3A_702, %dma_start3A_703] : memref<16x26x128xbf16, #tpu.memory_space<vmem>> -> memref<1x26x128xbf16, #tpu.memory_space<vmem>>
        %dma_start3A_705 = tpu.memref_squeeze %dma_start3A_704 : memref<1x26x128xbf16, #tpu.memory_space<vmem>> -> memref<26x128xbf16, #tpu.memory_space<vmem>>
        %dma_start3A_706 = arith.constant 0 : i32
        %dma_start3A_707 = tpu.memref_slice %arg5[%add3A_700, %dma_start3A_706] : memref<1024x26xi32, #tpu.memory_space<vmem>> -> memref<1x26xi32, #tpu.memory_space<vmem>>
        %dma_start3A_708 = tpu.memref_squeeze %dma_start3A_707 : memref<1x26xi32, #tpu.memory_space<vmem>> -> memref<26xi32, #tpu.memory_space<vmem>>
        %dma_start3A_709 = arith.constant 0 : i32
        %dma_start3A_710 = arith.constant 0 : i32
        %dma_start3A_711 = tpu.memref_slice %arg3[%dma_start3A_709, %dma_start3A_710] : memref<100001x128xbf16, #tpu.memory_space<hbm>> -> memref<100001x128xbf16, #tpu.memory_space<hbm>>
        tpu.enqueue_indirect_dma source(%dma_start3A_711 : memref<100001x128xbf16, #tpu.memory_space<hbm>>) target(%dma_start3A_705 : memref<26x128xbf16, #tpu.memory_space<vmem>>) offsets(%dma_start3A_708 : memref<26xi32, #tpu.memory_space<vmem>>) semaphore(%arg17 : memref<!tpu.dma_semaphore, #tpu.memory_space<semaphore_mem>>)
      } else {
      }
      %mul3A_515 = arith.constant 16 : i32
      %mul3A_516 = arith.muli %mul3A_515, %scan3A_201 : i32
      %add3A_517 = arith.constant 10 : i32
      %add3A_518 = arith.addi %mul3A_516, %add3A_517 : i32
      %dma_wait3A_519 = arith.constant 10 : i32
      %dma_wait3A_520 = arith.constant 0 : i32
      %dma_wait3A_521 = arith.constant 0 : i32
      %dma_wait3A_522 = tpu.memref_slice %arg6[%dma_wait3A_519, %dma_wait3A_520, %dma_wait3A_521] : memref<16x26x128xbf16, #tpu.memory_space<vmem>> -> memref<1x26x128xbf16, #tpu.memory_space<vmem>>
      %dma_wait3A_523 = tpu.memref_squeeze %dma_wait3A_522 : memref<1x26x128xbf16, #tpu.memory_space<vmem>> -> memref<26x128xbf16, #tpu.memory_space<vmem>>
      %dma_wait3A_524 = arith.constant 0 : i32
      %dma_wait3A_525 = tpu.memref_slice %arg5[%add3A_518, %dma_wait3A_524] : memref<1024x26xi32, #tpu.memory_space<vmem>> -> memref<1x26xi32, #tpu.memory_space<vmem>>
      %dma_wait3A_526 = tpu.memref_squeeze %dma_wait3A_525 : memref<1x26xi32, #tpu.memory_space<vmem>> -> memref<26xi32, #tpu.memory_space<vmem>>
      %dma_wait3A_527 = arith.constant 0 : i32
      %dma_wait3A_528 = arith.constant 0 : i32
      %dma_wait3A_529 = tpu.memref_slice %arg3[%dma_wait3A_527, %dma_wait3A_528] : memref<100001x128xbf16, #tpu.memory_space<hbm>> -> memref<100001x128xbf16, #tpu.memory_space<hbm>>
      tpu.wait_indirect_dma semaphore(%arg18 : memref<!tpu.dma_semaphore, #tpu.memory_space<semaphore_mem>>) src(%dma_wait3A_529 : memref<100001x128xbf16, #tpu.memory_space<hbm>>) dst(%dma_wait3A_523 : memref<26x128xbf16, #tpu.memory_space<vmem>>)
      %parallel_loop3A_530 = arith.constant 0 : i32
      %parallel_loop3A_531 = arith.constant 26 : i32
      %parallel_loop3A_532 = arith.constant 1 : i32
      %parallel_loop3A_533:8 = scf.for %parallel_loop3A_699 = %parallel_loop3A_530 to %parallel_loop3A_531 step %parallel_loop3A_532 iter_args(%parallel_loop3A_700 = %parallel_loop3A_507#0, %parallel_loop3A_701 = %parallel_loop3A_507#1, %parallel_loop3A_702 = %parallel_loop3A_507#2, %parallel_loop3A_703 = %parallel_loop3A_507#3, %parallel_loop3A_704 = %parallel_loop3A_507#4, %parallel_loop3A_705 = %parallel_loop3A_507#5, %parallel_loop3A_706 = %parallel_loop3A_507#6, %parallel_loop3A_707 = %parallel_loop3A_507#7) -> (vector<16xf32>, vector<16xf32>, vector<16xf32>, vector<16xf32>, vector<16xf32>, vector<16xf32>, vector<16xf32>, vector<16xf32>)  : i32 {
        %parallel_loop3A_708 = arith.constant 10 : i32
        %parallel_loop3A_709 = arith.index_cast %parallel_loop3A_708 : i32 to index
        %parallel_loop3A_710 = arith.index_cast %parallel_loop3A_699 : i32 to index
        %parallel_loop3A_711 = arith.constant 0 : index
        %parallel_loop3A_712 = tpu.vector_load %arg6[%parallel_loop3A_709, %parallel_loop3A_710, %parallel_loop3A_711] {strides = array<i32>} : memref<16x26x128xbf16, #tpu.memory_space<vmem>>, vector<32xbf16>,
        %parallel_loop3A_713 = tpu.unpack_subelements %parallel_loop3A_712, 0 {pack_format = #tpu.pack_format<interleaved>} : vector<32xbf16> -> vector<16xf32>
        %parallel_loop3A_714 = tpu.unpack_subelements %parallel_loop3A_712, 1 {pack_format = #tpu.pack_format<interleaved>} : vector<32xbf16> -> vector<16xf32>
        %parallel_loop3A_715 = arith.addf %parallel_loop3A_700, %parallel_loop3A_713 : vector<16xf32>
        %parallel_loop3A_716 = arith.addf %parallel_loop3A_701, %parallel_loop3A_714 : vector<16xf32>
        %parallel_loop3A_717 = arith.constant 10 : i32
        %parallel_loop3A_718 = arith.index_cast %parallel_loop3A_717 : i32 to index
        %parallel_loop3A_719 = arith.index_cast %parallel_loop3A_699 : i32 to index
        %parallel_loop3A_720 = arith.constant 32 : index
        %parallel_loop3A_721 = tpu.vector_load %arg6[%parallel_loop3A_718, %parallel_loop3A_719, %parallel_loop3A_720] {strides = array<i32>} : memref<16x26x128xbf16, #tpu.memory_space<vmem>>, vector<32xbf16>,
        %parallel_loop3A_722 = tpu.unpack_subelements %parallel_loop3A_721, 0 {pack_format = #tpu.pack_format<interleaved>} : vector<32xbf16> -> vector<16xf32>
        %parallel_loop3A_723 = tpu.unpack_subelements %parallel_loop3A_721, 1 {pack_format = #tpu.pack_format<interleaved>} : vector<32xbf16> -> vector<16xf32>
        %parallel_loop3A_724 = arith.addf %parallel_loop3A_702, %parallel_loop3A_722 : vector<16xf32>
        %parallel_loop3A_725 = arith.addf %parallel_loop3A_703, %parallel_loop3A_723 : vector<16xf32>
        %parallel_loop3A_726 = arith.constant 10 : i32
        %parallel_loop3A_727 = arith.index_cast %parallel_loop3A_726 : i32 to index
        %parallel_loop3A_728 = arith.index_cast %parallel_loop3A_699 : i32 to index
        %parallel_loop3A_729 = arith.constant 64 : index
        %parallel_loop3A_730 = tpu.vector_load %arg6[%parallel_loop3A_727, %parallel_loop3A_728, %parallel_loop3A_729] {strides = array<i32>} : memref<16x26x128xbf16, #tpu.memory_space<vmem>>, vector<32xbf16>,
        %parallel_loop3A_731 = tpu.unpack_subelements %parallel_loop3A_730, 0 {pack_format = #tpu.pack_format<interleaved>} : vector<32xbf16> -> vector<16xf32>
        %parallel_loop3A_732 = tpu.unpack_subelements %parallel_loop3A_730, 1 {pack_format = #tpu.pack_format<interleaved>} : vector<32xbf16> -> vector<16xf32>
        %parallel_loop3A_733 = arith.addf %parallel_loop3A_704, %parallel_loop3A_731 : vector<16xf32>
        %parallel_loop3A_734 = arith.addf %parallel_loop3A_705, %parallel_loop3A_732 : vector<16xf32>
        %parallel_loop3A_735 = arith.constant 10 : i32
        %parallel_loop3A_736 = arith.index_cast %parallel_loop3A_735 : i32 to index
        %parallel_loop3A_737 = arith.index_cast %parallel_loop3A_699 : i32 to index
        %parallel_loop3A_738 = arith.constant 96 : index
        %parallel_loop3A_739 = tpu.vector_load %arg6[%parallel_loop3A_736, %parallel_loop3A_737, %parallel_loop3A_738] {strides = array<i32>} : memref<16x26x128xbf16, #tpu.memory_space<vmem>>, vector<32xbf16>,
        %parallel_loop3A_740 = tpu.unpack_subelements %parallel_loop3A_739, 0 {pack_format = #tpu.pack_format<interleaved>} : vector<32xbf16> -> vector<16xf32>
        %parallel_loop3A_741 = tpu.unpack_subelements %parallel_loop3A_739, 1 {pack_format = #tpu.pack_format<interleaved>} : vector<32xbf16> -> vector<16xf32>
        %parallel_loop3A_742 = arith.addf %parallel_loop3A_706, %parallel_loop3A_740 : vector<16xf32>
        %parallel_loop3A_743 = arith.addf %parallel_loop3A_707, %parallel_loop3A_741 : vector<16xf32>
        scf.yield %parallel_loop3A_715, %parallel_loop3A_716, %parallel_loop3A_724, %parallel_loop3A_725, %parallel_loop3A_733, %parallel_loop3A_734, %parallel_loop3A_742, %parallel_loop3A_743 : vector<16xf32>, vector<16xf32>, vector<16xf32>, vector<16xf32>, vector<16xf32>, vector<16xf32>, vector<16xf32>, vector<16xf32>
      } {sc.loop_unroll_factor = 2 : i64, sc.parallel_access}
      %add3A_534 = arith.constant 16 : i32
      %add3A_535 = arith.addi %add3A_518, %add3A_534 : i32
      %lt3A_536 = arith.constant 1024 : i32
      %lt3A_537 = arith.cmpi slt, %add3A_535, %lt3A_536 : i32
      %convert_element_type3A_538 = arith.extui %lt3A_537 : i1 to i32
      %cond3A_539 = arith.constant 0 : i32
      %cond3A_540 = arith.cmpi ne, %convert_element_type3A_538, %cond3A_539 : i32
      scf.if %cond3A_540 {
        %add3A_699 = arith.constant 16 : i32
        %add3A_700 = arith.addi %add3A_518, %add3A_699 : i32
        %dma_start3A_701 = arith.constant 10 : i32
        %dma_start3A_702 = arith.constant 0 : i32
        %dma_start3A_703 = arith.constant 0 : i32
        %dma_start3A_704 = tpu.memref_slice %arg6[%dma_start3A_701, %dma_start3A_702, %dma_start3A_703] : memref<16x26x128xbf16, #tpu.memory_space<vmem>> -> memref<1x26x128xbf16, #tpu.memory_space<vmem>>
        %dma_start3A_705 = tpu.memref_squeeze %dma_start3A_704 : memref<1x26x128xbf16, #tpu.memory_space<vmem>> -> memref<26x128xbf16, #tpu.memory_space<vmem>>
        %dma_start3A_706 = arith.constant 0 : i32
        %dma_start3A_707 = tpu.memref_slice %arg5[%add3A_700, %dma_start3A_706] : memref<1024x26xi32, #tpu.memory_space<vmem>> -> memref<1x26xi32, #tpu.memory_space<vmem>>
        %dma_start3A_708 = tpu.memref_squeeze %dma_start3A_707 : memref<1x26xi32, #tpu.memory_space<vmem>> -> memref<26xi32, #tpu.memory_space<vmem>>
        %dma_start3A_709 = arith.constant 0 : i32
        %dma_start3A_710 = arith.constant 0 : i32
        %dma_start3A_711 = tpu.memref_slice %arg3[%dma_start3A_709, %dma_start3A_710] : memref<100001x128xbf16, #tpu.memory_space<hbm>> -> memref<100001x128xbf16, #tpu.memory_space<hbm>>
        tpu.enqueue_indirect_dma source(%dma_start3A_711 : memref<100001x128xbf16, #tpu.memory_space<hbm>>) target(%dma_start3A_705 : memref<26x128xbf16, #tpu.memory_space<vmem>>) offsets(%dma_start3A_708 : memref<26xi32, #tpu.memory_space<vmem>>) semaphore(%arg18 : memref<!tpu.dma_semaphore, #tpu.memory_space<semaphore_mem>>)
      } else {
      }
      %mul3A_541 = arith.constant 16 : i32
      %mul3A_542 = arith.muli %mul3A_541, %scan3A_201 : i32
      %add3A_543 = arith.constant 11 : i32
      %add3A_544 = arith.addi %mul3A_542, %add3A_543 : i32
      %dma_wait3A_545 = arith.constant 11 : i32
      %dma_wait3A_546 = arith.constant 0 : i32
      %dma_wait3A_547 = arith.constant 0 : i32
      %dma_wait3A_548 = tpu.memref_slice %arg6[%dma_wait3A_545, %dma_wait3A_546, %dma_wait3A_547] : memref<16x26x128xbf16, #tpu.memory_space<vmem>> -> memref<1x26x128xbf16, #tpu.memory_space<vmem>>
      %dma_wait3A_549 = tpu.memref_squeeze %dma_wait3A_548 : memref<1x26x128xbf16, #tpu.memory_space<vmem>> -> memref<26x128xbf16, #tpu.memory_space<vmem>>
      %dma_wait3A_550 = arith.constant 0 : i32
      %dma_wait3A_551 = tpu.memref_slice %arg5[%add3A_544, %dma_wait3A_550] : memref<1024x26xi32, #tpu.memory_space<vmem>> -> memref<1x26xi32, #tpu.memory_space<vmem>>
      %dma_wait3A_552 = tpu.memref_squeeze %dma_wait3A_551 : memref<1x26xi32, #tpu.memory_space<vmem>> -> memref<26xi32, #tpu.memory_space<vmem>>
      %dma_wait3A_553 = arith.constant 0 : i32
      %dma_wait3A_554 = arith.constant 0 : i32
      %dma_wait3A_555 = tpu.memref_slice %arg3[%dma_wait3A_553, %dma_wait3A_554] : memref<100001x128xbf16, #tpu.memory_space<hbm>> -> memref<100001x128xbf16, #tpu.memory_space<hbm>>
      tpu.wait_indirect_dma semaphore(%arg19 : memref<!tpu.dma_semaphore, #tpu.memory_space<semaphore_mem>>) src(%dma_wait3A_555 : memref<100001x128xbf16, #tpu.memory_space<hbm>>) dst(%dma_wait3A_549 : memref<26x128xbf16, #tpu.memory_space<vmem>>)
      %parallel_loop3A_556 = arith.constant 0 : i32
      %parallel_loop3A_557 = arith.constant 26 : i32
      %parallel_loop3A_558 = arith.constant 1 : i32
      %parallel_loop3A_559:8 = scf.for %parallel_loop3A_699 = %parallel_loop3A_556 to %parallel_loop3A_557 step %parallel_loop3A_558 iter_args(%parallel_loop3A_700 = %parallel_loop3A_533#0, %parallel_loop3A_701 = %parallel_loop3A_533#1, %parallel_loop3A_702 = %parallel_loop3A_533#2, %parallel_loop3A_703 = %parallel_loop3A_533#3, %parallel_loop3A_704 = %parallel_loop3A_533#4, %parallel_loop3A_705 = %parallel_loop3A_533#5, %parallel_loop3A_706 = %parallel_loop3A_533#6, %parallel_loop3A_707 = %parallel_loop3A_533#7) -> (vector<16xf32>, vector<16xf32>, vector<16xf32>, vector<16xf32>, vector<16xf32>, vector<16xf32>, vector<16xf32>, vector<16xf32>)  : i32 {
        %parallel_loop3A_708 = arith.constant 11 : i32
        %parallel_loop3A_709 = arith.index_cast %parallel_loop3A_708 : i32 to index
        %parallel_loop3A_710 = arith.index_cast %parallel_loop3A_699 : i32 to index
        %parallel_loop3A_711 = arith.constant 0 : index
        %parallel_loop3A_712 = tpu.vector_load %arg6[%parallel_loop3A_709, %parallel_loop3A_710, %parallel_loop3A_711] {strides = array<i32>} : memref<16x26x128xbf16, #tpu.memory_space<vmem>>, vector<32xbf16>,
        %parallel_loop3A_713 = tpu.unpack_subelements %parallel_loop3A_712, 0 {pack_format = #tpu.pack_format<interleaved>} : vector<32xbf16> -> vector<16xf32>
        %parallel_loop3A_714 = tpu.unpack_subelements %parallel_loop3A_712, 1 {pack_format = #tpu.pack_format<interleaved>} : vector<32xbf16> -> vector<16xf32>
        %parallel_loop3A_715 = arith.addf %parallel_loop3A_700, %parallel_loop3A_713 : vector<16xf32>
        %parallel_loop3A_716 = arith.addf %parallel_loop3A_701, %parallel_loop3A_714 : vector<16xf32>
        %parallel_loop3A_717 = arith.constant 11 : i32
        %parallel_loop3A_718 = arith.index_cast %parallel_loop3A_717 : i32 to index
        %parallel_loop3A_719 = arith.index_cast %parallel_loop3A_699 : i32 to index
        %parallel_loop3A_720 = arith.constant 32 : index
        %parallel_loop3A_721 = tpu.vector_load %arg6[%parallel_loop3A_718, %parallel_loop3A_719, %parallel_loop3A_720] {strides = array<i32>} : memref<16x26x128xbf16, #tpu.memory_space<vmem>>, vector<32xbf16>,
        %parallel_loop3A_722 = tpu.unpack_subelements %parallel_loop3A_721, 0 {pack_format = #tpu.pack_format<interleaved>} : vector<32xbf16> -> vector<16xf32>
        %parallel_loop3A_723 = tpu.unpack_subelements %parallel_loop3A_721, 1 {pack_format = #tpu.pack_format<interleaved>} : vector<32xbf16> -> vector<16xf32>
        %parallel_loop3A_724 = arith.addf %parallel_loop3A_702, %parallel_loop3A_722 : vector<16xf32>
        %parallel_loop3A_725 = arith.addf %parallel_loop3A_703, %parallel_loop3A_723 : vector<16xf32>
        %parallel_loop3A_726 = arith.constant 11 : i32
        %parallel_loop3A_727 = arith.index_cast %parallel_loop3A_726 : i32 to index
        %parallel_loop3A_728 = arith.index_cast %parallel_loop3A_699 : i32 to index
        %parallel_loop3A_729 = arith.constant 64 : index
        %parallel_loop3A_730 = tpu.vector_load %arg6[%parallel_loop3A_727, %parallel_loop3A_728, %parallel_loop3A_729] {strides = array<i32>} : memref<16x26x128xbf16, #tpu.memory_space<vmem>>, vector<32xbf16>,
        %parallel_loop3A_731 = tpu.unpack_subelements %parallel_loop3A_730, 0 {pack_format = #tpu.pack_format<interleaved>} : vector<32xbf16> -> vector<16xf32>
        %parallel_loop3A_732 = tpu.unpack_subelements %parallel_loop3A_730, 1 {pack_format = #tpu.pack_format<interleaved>} : vector<32xbf16> -> vector<16xf32>
        %parallel_loop3A_733 = arith.addf %parallel_loop3A_704, %parallel_loop3A_731 : vector<16xf32>
        %parallel_loop3A_734 = arith.addf %parallel_loop3A_705, %parallel_loop3A_732 : vector<16xf32>
        %parallel_loop3A_735 = arith.constant 11 : i32
        %parallel_loop3A_736 = arith.index_cast %parallel_loop3A_735 : i32 to index
        %parallel_loop3A_737 = arith.index_cast %parallel_loop3A_699 : i32 to index
        %parallel_loop3A_738 = arith.constant 96 : index
        %parallel_loop3A_739 = tpu.vector_load %arg6[%parallel_loop3A_736, %parallel_loop3A_737, %parallel_loop3A_738] {strides = array<i32>} : memref<16x26x128xbf16, #tpu.memory_space<vmem>>, vector<32xbf16>,
        %parallel_loop3A_740 = tpu.unpack_subelements %parallel_loop3A_739, 0 {pack_format = #tpu.pack_format<interleaved>} : vector<32xbf16> -> vector<16xf32>
        %parallel_loop3A_741 = tpu.unpack_subelements %parallel_loop3A_739, 1 {pack_format = #tpu.pack_format<interleaved>} : vector<32xbf16> -> vector<16xf32>
        %parallel_loop3A_742 = arith.addf %parallel_loop3A_706, %parallel_loop3A_740 : vector<16xf32>
        %parallel_loop3A_743 = arith.addf %parallel_loop3A_707, %parallel_loop3A_741 : vector<16xf32>
        scf.yield %parallel_loop3A_715, %parallel_loop3A_716, %parallel_loop3A_724, %parallel_loop3A_725, %parallel_loop3A_733, %parallel_loop3A_734, %parallel_loop3A_742, %parallel_loop3A_743 : vector<16xf32>, vector<16xf32>, vector<16xf32>, vector<16xf32>, vector<16xf32>, vector<16xf32>, vector<16xf32>, vector<16xf32>
      } {sc.loop_unroll_factor = 2 : i64, sc.parallel_access}
      %add3A_560 = arith.constant 16 : i32
      %add3A_561 = arith.addi %add3A_544, %add3A_560 : i32
      %lt3A_562 = arith.constant 1024 : i32
      %lt3A_563 = arith.cmpi slt, %add3A_561, %lt3A_562 : i32
      %convert_element_type3A_564 = arith.extui %lt3A_563 : i1 to i32
      %cond3A_565 = arith.constant 0 : i32
      %cond3A_566 = arith.cmpi ne, %convert_element_type3A_564, %cond3A_565 : i32
      scf.if %cond3A_566 {
        %add3A_699 = arith.constant 16 : i32
        %add3A_700 = arith.addi %add3A_544, %add3A_699 : i32
        %dma_start3A_701 = arith.constant 11 : i32
        %dma_start3A_702 = arith.constant 0 : i32
        %dma_start3A_703 = arith.constant 0 : i32
        %dma_start3A_704 = tpu.memref_slice %arg6[%dma_start3A_701, %dma_start3A_702, %dma_start3A_703] : memref<16x26x128xbf16, #tpu.memory_space<vmem>> -> memref<1x26x128xbf16, #tpu.memory_space<vmem>>
        %dma_start3A_705 = tpu.memref_squeeze %dma_start3A_704 : memref<1x26x128xbf16, #tpu.memory_space<vmem>> -> memref<26x128xbf16, #tpu.memory_space<vmem>>
        %dma_start3A_706 = arith.constant 0 : i32
        %dma_start3A_707 = tpu.memref_slice %arg5[%add3A_700, %dma_start3A_706] : memref<1024x26xi32, #tpu.memory_space<vmem>> -> memref<1x26xi32, #tpu.memory_space<vmem>>
        %dma_start3A_708 = tpu.memref_squeeze %dma_start3A_707 : memref<1x26xi32, #tpu.memory_space<vmem>> -> memref<26xi32, #tpu.memory_space<vmem>>
        %dma_start3A_709 = arith.constant 0 : i32
        %dma_start3A_710 = arith.constant 0 : i32
        %dma_start3A_711 = tpu.memref_slice %arg3[%dma_start3A_709, %dma_start3A_710] : memref<100001x128xbf16, #tpu.memory_space<hbm>> -> memref<100001x128xbf16, #tpu.memory_space<hbm>>
        tpu.enqueue_indirect_dma source(%dma_start3A_711 : memref<100001x128xbf16, #tpu.memory_space<hbm>>) target(%dma_start3A_705 : memref<26x128xbf16, #tpu.memory_space<vmem>>) offsets(%dma_start3A_708 : memref<26xi32, #tpu.memory_space<vmem>>) semaphore(%arg19 : memref<!tpu.dma_semaphore, #tpu.memory_space<semaphore_mem>>)
      } else {
      }
      %mul3A_567 = arith.constant 16 : i32
      %mul3A_568 = arith.muli %mul3A_567, %scan3A_201 : i32
      %add3A_569 = arith.constant 12 : i32
      %add3A_570 = arith.addi %mul3A_568, %add3A_569 : i32
      %dma_wait3A_571 = arith.constant 12 : i32
      %dma_wait3A_572 = arith.constant 0 : i32
      %dma_wait3A_573 = arith.constant 0 : i32
      %dma_wait3A_574 = tpu.memref_slice %arg6[%dma_wait3A_571, %dma_wait3A_572, %dma_wait3A_573] : memref<16x26x128xbf16, #tpu.memory_space<vmem>> -> memref<1x26x128xbf16, #tpu.memory_space<vmem>>
      %dma_wait3A_575 = tpu.memref_squeeze %dma_wait3A_574 : memref<1x26x128xbf16, #tpu.memory_space<vmem>> -> memref<26x128xbf16, #tpu.memory_space<vmem>>
      %dma_wait3A_576 = arith.constant 0 : i32
      %dma_wait3A_577 = tpu.memref_slice %arg5[%add3A_570, %dma_wait3A_576] : memref<1024x26xi32, #tpu.memory_space<vmem>> -> memref<1x26xi32, #tpu.memory_space<vmem>>
      %dma_wait3A_578 = tpu.memref_squeeze %dma_wait3A_577 : memref<1x26xi32, #tpu.memory_space<vmem>> -> memref<26xi32, #tpu.memory_space<vmem>>
      %dma_wait3A_579 = arith.constant 0 : i32
      %dma_wait3A_580 = arith.constant 0 : i32
      %dma_wait3A_581 = tpu.memref_slice %arg3[%dma_wait3A_579, %dma_wait3A_580] : memref<100001x128xbf16, #tpu.memory_space<hbm>> -> memref<100001x128xbf16, #tpu.memory_space<hbm>>
      tpu.wait_indirect_dma semaphore(%arg20 : memref<!tpu.dma_semaphore, #tpu.memory_space<semaphore_mem>>) src(%dma_wait3A_581 : memref<100001x128xbf16, #tpu.memory_space<hbm>>) dst(%dma_wait3A_575 : memref<26x128xbf16, #tpu.memory_space<vmem>>)
      %parallel_loop3A_582 = arith.constant 0 : i32
      %parallel_loop3A_583 = arith.constant 26 : i32
      %parallel_loop3A_584 = arith.constant 1 : i32
      %parallel_loop3A_585:8 = scf.for %parallel_loop3A_699 = %parallel_loop3A_582 to %parallel_loop3A_583 step %parallel_loop3A_584 iter_args(%parallel_loop3A_700 = %parallel_loop3A_559#0, %parallel_loop3A_701 = %parallel_loop3A_559#1, %parallel_loop3A_702 = %parallel_loop3A_559#2, %parallel_loop3A_703 = %parallel_loop3A_559#3, %parallel_loop3A_704 = %parallel_loop3A_559#4, %parallel_loop3A_705 = %parallel_loop3A_559#5, %parallel_loop3A_706 = %parallel_loop3A_559#6, %parallel_loop3A_707 = %parallel_loop3A_559#7) -> (vector<16xf32>, vector<16xf32>, vector<16xf32>, vector<16xf32>, vector<16xf32>, vector<16xf32>, vector<16xf32>, vector<16xf32>)  : i32 {
        %parallel_loop3A_708 = arith.constant 12 : i32
        %parallel_loop3A_709 = arith.index_cast %parallel_loop3A_708 : i32 to index
        %parallel_loop3A_710 = arith.index_cast %parallel_loop3A_699 : i32 to index
        %parallel_loop3A_711 = arith.constant 0 : index
        %parallel_loop3A_712 = tpu.vector_load %arg6[%parallel_loop3A_709, %parallel_loop3A_710, %parallel_loop3A_711] {strides = array<i32>} : memref<16x26x128xbf16, #tpu.memory_space<vmem>>, vector<32xbf16>,
        %parallel_loop3A_713 = tpu.unpack_subelements %parallel_loop3A_712, 0 {pack_format = #tpu.pack_format<interleaved>} : vector<32xbf16> -> vector<16xf32>
        %parallel_loop3A_714 = tpu.unpack_subelements %parallel_loop3A_712, 1 {pack_format = #tpu.pack_format<interleaved>} : vector<32xbf16> -> vector<16xf32>
        %parallel_loop3A_715 = arith.addf %parallel_loop3A_700, %parallel_loop3A_713 : vector<16xf32>
        %parallel_loop3A_716 = arith.addf %parallel_loop3A_701, %parallel_loop3A_714 : vector<16xf32>
        %parallel_loop3A_717 = arith.constant 12 : i32
        %parallel_loop3A_718 = arith.index_cast %parallel_loop3A_717 : i32 to index
        %parallel_loop3A_719 = arith.index_cast %parallel_loop3A_699 : i32 to index
        %parallel_loop3A_720 = arith.constant 32 : index
        %parallel_loop3A_721 = tpu.vector_load %arg6[%parallel_loop3A_718, %parallel_loop3A_719, %parallel_loop3A_720] {strides = array<i32>} : memref<16x26x128xbf16, #tpu.memory_space<vmem>>, vector<32xbf16>,
        %parallel_loop3A_722 = tpu.unpack_subelements %parallel_loop3A_721, 0 {pack_format = #tpu.pack_format<interleaved>} : vector<32xbf16> -> vector<16xf32>
        %parallel_loop3A_723 = tpu.unpack_subelements %parallel_loop3A_721, 1 {pack_format = #tpu.pack_format<interleaved>} : vector<32xbf16> -> vector<16xf32>
        %parallel_loop3A_724 = arith.addf %parallel_loop3A_702, %parallel_loop3A_722 : vector<16xf32>
        %parallel_loop3A_725 = arith.addf %parallel_loop3A_703, %parallel_loop3A_723 : vector<16xf32>
        %parallel_loop3A_726 = arith.constant 12 : i32
        %parallel_loop3A_727 = arith.index_cast %parallel_loop3A_726 : i32 to index
        %parallel_loop3A_728 = arith.index_cast %parallel_loop3A_699 : i32 to index
        %parallel_loop3A_729 = arith.constant 64 : index
        %parallel_loop3A_730 = tpu.vector_load %arg6[%parallel_loop3A_727, %parallel_loop3A_728, %parallel_loop3A_729] {strides = array<i32>} : memref<16x26x128xbf16, #tpu.memory_space<vmem>>, vector<32xbf16>,
        %parallel_loop3A_731 = tpu.unpack_subelements %parallel_loop3A_730, 0 {pack_format = #tpu.pack_format<interleaved>} : vector<32xbf16> -> vector<16xf32>
        %parallel_loop3A_732 = tpu.unpack_subelements %parallel_loop3A_730, 1 {pack_format = #tpu.pack_format<interleaved>} : vector<32xbf16> -> vector<16xf32>
        %parallel_loop3A_733 = arith.addf %parallel_loop3A_704, %parallel_loop3A_731 : vector<16xf32>
        %parallel_loop3A_734 = arith.addf %parallel_loop3A_705, %parallel_loop3A_732 : vector<16xf32>
        %parallel_loop3A_735 = arith.constant 12 : i32
        %parallel_loop3A_736 = arith.index_cast %parallel_loop3A_735 : i32 to index
        %parallel_loop3A_737 = arith.index_cast %parallel_loop3A_699 : i32 to index
        %parallel_loop3A_738 = arith.constant 96 : index
        %parallel_loop3A_739 = tpu.vector_load %arg6[%parallel_loop3A_736, %parallel_loop3A_737, %parallel_loop3A_738] {strides = array<i32>} : memref<16x26x128xbf16, #tpu.memory_space<vmem>>, vector<32xbf16>,
        %parallel_loop3A_740 = tpu.unpack_subelements %parallel_loop3A_739, 0 {pack_format = #tpu.pack_format<interleaved>} : vector<32xbf16> -> vector<16xf32>
        %parallel_loop3A_741 = tpu.unpack_subelements %parallel_loop3A_739, 1 {pack_format = #tpu.pack_format<interleaved>} : vector<32xbf16> -> vector<16xf32>
        %parallel_loop3A_742 = arith.addf %parallel_loop3A_706, %parallel_loop3A_740 : vector<16xf32>
        %parallel_loop3A_743 = arith.addf %parallel_loop3A_707, %parallel_loop3A_741 : vector<16xf32>
        scf.yield %parallel_loop3A_715, %parallel_loop3A_716, %parallel_loop3A_724, %parallel_loop3A_725, %parallel_loop3A_733, %parallel_loop3A_734, %parallel_loop3A_742, %parallel_loop3A_743 : vector<16xf32>, vector<16xf32>, vector<16xf32>, vector<16xf32>, vector<16xf32>, vector<16xf32>, vector<16xf32>, vector<16xf32>
      } {sc.loop_unroll_factor = 2 : i64, sc.parallel_access}
      %add3A_586 = arith.constant 16 : i32
      %add3A_587 = arith.addi %add3A_570, %add3A_586 : i32
      %lt3A_588 = arith.constant 1024 : i32
      %lt3A_589 = arith.cmpi slt, %add3A_587, %lt3A_588 : i32
      %convert_element_type3A_590 = arith.extui %lt3A_589 : i1 to i32
      %cond3A_591 = arith.constant 0 : i32
      %cond3A_592 = arith.cmpi ne, %convert_element_type3A_590, %cond3A_591 : i32
      scf.if %cond3A_592 {
        %add3A_699 = arith.constant 16 : i32
        %add3A_700 = arith.addi %add3A_570, %add3A_699 : i32
        %dma_start3A_701 = arith.constant 12 : i32
        %dma_start3A_702 = arith.constant 0 : i32
        %dma_start3A_703 = arith.constant 0 : i32
        %dma_start3A_704 = tpu.memref_slice %arg6[%dma_start3A_701, %dma_start3A_702, %dma_start3A_703] : memref<16x26x128xbf16, #tpu.memory_space<vmem>> -> memref<1x26x128xbf16, #tpu.memory_space<vmem>>
        %dma_start3A_705 = tpu.memref_squeeze %dma_start3A_704 : memref<1x26x128xbf16, #tpu.memory_space<vmem>> -> memref<26x128xbf16, #tpu.memory_space<vmem>>
        %dma_start3A_706 = arith.constant 0 : i32
        %dma_start3A_707 = tpu.memref_slice %arg5[%add3A_700, %dma_start3A_706] : memref<1024x26xi32, #tpu.memory_space<vmem>> -> memref<1x26xi32, #tpu.memory_space<vmem>>
        %dma_start3A_708 = tpu.memref_squeeze %dma_start3A_707 : memref<1x26xi32, #tpu.memory_space<vmem>> -> memref<26xi32, #tpu.memory_space<vmem>>
        %dma_start3A_709 = arith.constant 0 : i32
        %dma_start3A_710 = arith.constant 0 : i32
        %dma_start3A_711 = tpu.memref_slice %arg3[%dma_start3A_709, %dma_start3A_710] : memref<100001x128xbf16, #tpu.memory_space<hbm>> -> memref<100001x128xbf16, #tpu.memory_space<hbm>>
        tpu.enqueue_indirect_dma source(%dma_start3A_711 : memref<100001x128xbf16, #tpu.memory_space<hbm>>) target(%dma_start3A_705 : memref<26x128xbf16, #tpu.memory_space<vmem>>) offsets(%dma_start3A_708 : memref<26xi32, #tpu.memory_space<vmem>>) semaphore(%arg20 : memref<!tpu.dma_semaphore, #tpu.memory_space<semaphore_mem>>)
      } else {
      }
      %mul3A_593 = arith.constant 16 : i32
      %mul3A_594 = arith.muli %mul3A_593, %scan3A_201 : i32
      %add3A_595 = arith.constant 13 : i32
      %add3A_596 = arith.addi %mul3A_594, %add3A_595 : i32
      %dma_wait3A_597 = arith.constant 13 : i32
      %dma_wait3A_598 = arith.constant 0 : i32
      %dma_wait3A_599 = arith.constant 0 : i32
      %dma_wait3A_600 = tpu.memref_slice %arg6[%dma_wait3A_597, %dma_wait3A_598, %dma_wait3A_599] : memref<16x26x128xbf16, #tpu.memory_space<vmem>> -> memref<1x26x128xbf16, #tpu.memory_space<vmem>>
      %dma_wait3A_601 = tpu.memref_squeeze %dma_wait3A_600 : memref<1x26x128xbf16, #tpu.memory_space<vmem>> -> memref<26x128xbf16, #tpu.memory_space<vmem>>
      %dma_wait3A_602 = arith.constant 0 : i32
      %dma_wait3A_603 = tpu.memref_slice %arg5[%add3A_596, %dma_wait3A_602] : memref<1024x26xi32, #tpu.memory_space<vmem>> -> memref<1x26xi32, #tpu.memory_space<vmem>>
      %dma_wait3A_604 = tpu.memref_squeeze %dma_wait3A_603 : memref<1x26xi32, #tpu.memory_space<vmem>> -> memref<26xi32, #tpu.memory_space<vmem>>
      %dma_wait3A_605 = arith.constant 0 : i32
      %dma_wait3A_606 = arith.constant 0 : i32
      %dma_wait3A_607 = tpu.memref_slice %arg3[%dma_wait3A_605, %dma_wait3A_606] : memref<100001x128xbf16, #tpu.memory_space<hbm>> -> memref<100001x128xbf16, #tpu.memory_space<hbm>>
      tpu.wait_indirect_dma semaphore(%arg21 : memref<!tpu.dma_semaphore, #tpu.memory_space<semaphore_mem>>) src(%dma_wait3A_607 : memref<100001x128xbf16, #tpu.memory_space<hbm>>) dst(%dma_wait3A_601 : memref<26x128xbf16, #tpu.memory_space<vmem>>)
      %parallel_loop3A_608 = arith.constant 0 : i32
      %parallel_loop3A_609 = arith.constant 26 : i32
      %parallel_loop3A_610 = arith.constant 1 : i32
      %parallel_loop3A_611:8 = scf.for %parallel_loop3A_699 = %parallel_loop3A_608 to %parallel_loop3A_609 step %parallel_loop3A_610 iter_args(%parallel_loop3A_700 = %parallel_loop3A_585#0, %parallel_loop3A_701 = %parallel_loop3A_585#1, %parallel_loop3A_702 = %parallel_loop3A_585#2, %parallel_loop3A_703 = %parallel_loop3A_585#3, %parallel_loop3A_704 = %parallel_loop3A_585#4, %parallel_loop3A_705 = %parallel_loop3A_585#5, %parallel_loop3A_706 = %parallel_loop3A_585#6, %parallel_loop3A_707 = %parallel_loop3A_585#7) -> (vector<16xf32>, vector<16xf32>, vector<16xf32>, vector<16xf32>, vector<16xf32>, vector<16xf32>, vector<16xf32>, vector<16xf32>)  : i32 {
        %parallel_loop3A_708 = arith.constant 13 : i32
        %parallel_loop3A_709 = arith.index_cast %parallel_loop3A_708 : i32 to index
        %parallel_loop3A_710 = arith.index_cast %parallel_loop3A_699 : i32 to index
        %parallel_loop3A_711 = arith.constant 0 : index
        %parallel_loop3A_712 = tpu.vector_load %arg6[%parallel_loop3A_709, %parallel_loop3A_710, %parallel_loop3A_711] {strides = array<i32>} : memref<16x26x128xbf16, #tpu.memory_space<vmem>>, vector<32xbf16>,
        %parallel_loop3A_713 = tpu.unpack_subelements %parallel_loop3A_712, 0 {pack_format = #tpu.pack_format<interleaved>} : vector<32xbf16> -> vector<16xf32>
        %parallel_loop3A_714 = tpu.unpack_subelements %parallel_loop3A_712, 1 {pack_format = #tpu.pack_format<interleaved>} : vector<32xbf16> -> vector<16xf32>
        %parallel_loop3A_715 = arith.addf %parallel_loop3A_700, %parallel_loop3A_713 : vector<16xf32>
        %parallel_loop3A_716 = arith.addf %parallel_loop3A_701, %parallel_loop3A_714 : vector<16xf32>
        %parallel_loop3A_717 = arith.constant 13 : i32
        %parallel_loop3A_718 = arith.index_cast %parallel_loop3A_717 : i32 to index
        %parallel_loop3A_719 = arith.index_cast %parallel_loop3A_699 : i32 to index
        %parallel_loop3A_720 = arith.constant 32 : index
        %parallel_loop3A_721 = tpu.vector_load %arg6[%parallel_loop3A_718, %parallel_loop3A_719, %parallel_loop3A_720] {strides = array<i32>} : memref<16x26x128xbf16, #tpu.memory_space<vmem>>, vector<32xbf16>,
        %parallel_loop3A_722 = tpu.unpack_subelements %parallel_loop3A_721, 0 {pack_format = #tpu.pack_format<interleaved>} : vector<32xbf16> -> vector<16xf32>
        %parallel_loop3A_723 = tpu.unpack_subelements %parallel_loop3A_721, 1 {pack_format = #tpu.pack_format<interleaved>} : vector<32xbf16> -> vector<16xf32>
        %parallel_loop3A_724 = arith.addf %parallel_loop3A_702, %parallel_loop3A_722 : vector<16xf32>
        %parallel_loop3A_725 = arith.addf %parallel_loop3A_703, %parallel_loop3A_723 : vector<16xf32>
        %parallel_loop3A_726 = arith.constant 13 : i32
        %parallel_loop3A_727 = arith.index_cast %parallel_loop3A_726 : i32 to index
        %parallel_loop3A_728 = arith.index_cast %parallel_loop3A_699 : i32 to index
        %parallel_loop3A_729 = arith.constant 64 : index
        %parallel_loop3A_730 = tpu.vector_load %arg6[%parallel_loop3A_727, %parallel_loop3A_728, %parallel_loop3A_729] {strides = array<i32>} : memref<16x26x128xbf16, #tpu.memory_space<vmem>>, vector<32xbf16>,
        %parallel_loop3A_731 = tpu.unpack_subelements %parallel_loop3A_730, 0 {pack_format = #tpu.pack_format<interleaved>} : vector<32xbf16> -> vector<16xf32>
        %parallel_loop3A_732 = tpu.unpack_subelements %parallel_loop3A_730, 1 {pack_format = #tpu.pack_format<interleaved>} : vector<32xbf16> -> vector<16xf32>
        %parallel_loop3A_733 = arith.addf %parallel_loop3A_704, %parallel_loop3A_731 : vector<16xf32>
        %parallel_loop3A_734 = arith.addf %parallel_loop3A_705, %parallel_loop3A_732 : vector<16xf32>
        %parallel_loop3A_735 = arith.constant 13 : i32
        %parallel_loop3A_736 = arith.index_cast %parallel_loop3A_735 : i32 to index
        %parallel_loop3A_737 = arith.index_cast %parallel_loop3A_699 : i32 to index
        %parallel_loop3A_738 = arith.constant 96 : index
        %parallel_loop3A_739 = tpu.vector_load %arg6[%parallel_loop3A_736, %parallel_loop3A_737, %parallel_loop3A_738] {strides = array<i32>} : memref<16x26x128xbf16, #tpu.memory_space<vmem>>, vector<32xbf16>,
        %parallel_loop3A_740 = tpu.unpack_subelements %parallel_loop3A_739, 0 {pack_format = #tpu.pack_format<interleaved>} : vector<32xbf16> -> vector<16xf32>
        %parallel_loop3A_741 = tpu.unpack_subelements %parallel_loop3A_739, 1 {pack_format = #tpu.pack_format<interleaved>} : vector<32xbf16> -> vector<16xf32>
        %parallel_loop3A_742 = arith.addf %parallel_loop3A_706, %parallel_loop3A_740 : vector<16xf32>
        %parallel_loop3A_743 = arith.addf %parallel_loop3A_707, %parallel_loop3A_741 : vector<16xf32>
        scf.yield %parallel_loop3A_715, %parallel_loop3A_716, %parallel_loop3A_724, %parallel_loop3A_725, %parallel_loop3A_733, %parallel_loop3A_734, %parallel_loop3A_742, %parallel_loop3A_743 : vector<16xf32>, vector<16xf32>, vector<16xf32>, vector<16xf32>, vector<16xf32>, vector<16xf32>, vector<16xf32>, vector<16xf32>
      } {sc.loop_unroll_factor = 2 : i64, sc.parallel_access}
      %add3A_612 = arith.constant 16 : i32
      %add3A_613 = arith.addi %add3A_596, %add3A_612 : i32
      %lt3A_614 = arith.constant 1024 : i32
      %lt3A_615 = arith.cmpi slt, %add3A_613, %lt3A_614 : i32
      %convert_element_type3A_616 = arith.extui %lt3A_615 : i1 to i32
      %cond3A_617 = arith.constant 0 : i32
      %cond3A_618 = arith.cmpi ne, %convert_element_type3A_616, %cond3A_617 : i32
      scf.if %cond3A_618 {
        %add3A_699 = arith.constant 16 : i32
        %add3A_700 = arith.addi %add3A_596, %add3A_699 : i32
        %dma_start3A_701 = arith.constant 13 : i32
        %dma_start3A_702 = arith.constant 0 : i32
        %dma_start3A_703 = arith.constant 0 : i32
        %dma_start3A_704 = tpu.memref_slice %arg6[%dma_start3A_701, %dma_start3A_702, %dma_start3A_703] : memref<16x26x128xbf16, #tpu.memory_space<vmem>> -> memref<1x26x128xbf16, #tpu.memory_space<vmem>>
        %dma_start3A_705 = tpu.memref_squeeze %dma_start3A_704 : memref<1x26x128xbf16, #tpu.memory_space<vmem>> -> memref<26x128xbf16, #tpu.memory_space<vmem>>
        %dma_start3A_706 = arith.constant 0 : i32
        %dma_start3A_707 = tpu.memref_slice %arg5[%add3A_700, %dma_start3A_706] : memref<1024x26xi32, #tpu.memory_space<vmem>> -> memref<1x26xi32, #tpu.memory_space<vmem>>
        %dma_start3A_708 = tpu.memref_squeeze %dma_start3A_707 : memref<1x26xi32, #tpu.memory_space<vmem>> -> memref<26xi32, #tpu.memory_space<vmem>>
        %dma_start3A_709 = arith.constant 0 : i32
        %dma_start3A_710 = arith.constant 0 : i32
        %dma_start3A_711 = tpu.memref_slice %arg3[%dma_start3A_709, %dma_start3A_710] : memref<100001x128xbf16, #tpu.memory_space<hbm>> -> memref<100001x128xbf16, #tpu.memory_space<hbm>>
        tpu.enqueue_indirect_dma source(%dma_start3A_711 : memref<100001x128xbf16, #tpu.memory_space<hbm>>) target(%dma_start3A_705 : memref<26x128xbf16, #tpu.memory_space<vmem>>) offsets(%dma_start3A_708 : memref<26xi32, #tpu.memory_space<vmem>>) semaphore(%arg21 : memref<!tpu.dma_semaphore, #tpu.memory_space<semaphore_mem>>)
      } else {
      }
      %mul3A_619 = arith.constant 16 : i32
      %mul3A_620 = arith.muli %mul3A_619, %scan3A_201 : i32
      %add3A_621 = arith.constant 14 : i32
      %add3A_622 = arith.addi %mul3A_620, %add3A_621 : i32
      %dma_wait3A_623 = arith.constant 14 : i32
      %dma_wait3A_624 = arith.constant 0 : i32
      %dma_wait3A_625 = arith.constant 0 : i32
      %dma_wait3A_626 = tpu.memref_slice %arg6[%dma_wait3A_623, %dma_wait3A_624, %dma_wait3A_625] : memref<16x26x128xbf16, #tpu.memory_space<vmem>> -> memref<1x26x128xbf16, #tpu.memory_space<vmem>>
      %dma_wait3A_627 = tpu.memref_squeeze %dma_wait3A_626 : memref<1x26x128xbf16, #tpu.memory_space<vmem>> -> memref<26x128xbf16, #tpu.memory_space<vmem>>
      %dma_wait3A_628 = arith.constant 0 : i32
      %dma_wait3A_629 = tpu.memref_slice %arg5[%add3A_622, %dma_wait3A_628] : memref<1024x26xi32, #tpu.memory_space<vmem>> -> memref<1x26xi32, #tpu.memory_space<vmem>>
      %dma_wait3A_630 = tpu.memref_squeeze %dma_wait3A_629 : memref<1x26xi32, #tpu.memory_space<vmem>> -> memref<26xi32, #tpu.memory_space<vmem>>
      %dma_wait3A_631 = arith.constant 0 : i32
      %dma_wait3A_632 = arith.constant 0 : i32
      %dma_wait3A_633 = tpu.memref_slice %arg3[%dma_wait3A_631, %dma_wait3A_632] : memref<100001x128xbf16, #tpu.memory_space<hbm>> -> memref<100001x128xbf16, #tpu.memory_space<hbm>>
      tpu.wait_indirect_dma semaphore(%arg22 : memref<!tpu.dma_semaphore, #tpu.memory_space<semaphore_mem>>) src(%dma_wait3A_633 : memref<100001x128xbf16, #tpu.memory_space<hbm>>) dst(%dma_wait3A_627 : memref<26x128xbf16, #tpu.memory_space<vmem>>)
      %parallel_loop3A_634 = arith.constant 0 : i32
      %parallel_loop3A_635 = arith.constant 26 : i32
      %parallel_loop3A_636 = arith.constant 1 : i32
      %parallel_loop3A_637:8 = scf.for %parallel_loop3A_699 = %parallel_loop3A_634 to %parallel_loop3A_635 step %parallel_loop3A_636 iter_args(%parallel_loop3A_700 = %parallel_loop3A_611#0, %parallel_loop3A_701 = %parallel_loop3A_611#1, %parallel_loop3A_702 = %parallel_loop3A_611#2, %parallel_loop3A_703 = %parallel_loop3A_611#3, %parallel_loop3A_704 = %parallel_loop3A_611#4, %parallel_loop3A_705 = %parallel_loop3A_611#5, %parallel_loop3A_706 = %parallel_loop3A_611#6, %parallel_loop3A_707 = %parallel_loop3A_611#7) -> (vector<16xf32>, vector<16xf32>, vector<16xf32>, vector<16xf32>, vector<16xf32>, vector<16xf32>, vector<16xf32>, vector<16xf32>)  : i32 {
        %parallel_loop3A_708 = arith.constant 14 : i32
        %parallel_loop3A_709 = arith.index_cast %parallel_loop3A_708 : i32 to index
        %parallel_loop3A_710 = arith.index_cast %parallel_loop3A_699 : i32 to index
        %parallel_loop3A_711 = arith.constant 0 : index
        %parallel_loop3A_712 = tpu.vector_load %arg6[%parallel_loop3A_709, %parallel_loop3A_710, %parallel_loop3A_711] {strides = array<i32>} : memref<16x26x128xbf16, #tpu.memory_space<vmem>>, vector<32xbf16>,
        %parallel_loop3A_713 = tpu.unpack_subelements %parallel_loop3A_712, 0 {pack_format = #tpu.pack_format<interleaved>} : vector<32xbf16> -> vector<16xf32>
        %parallel_loop3A_714 = tpu.unpack_subelements %parallel_loop3A_712, 1 {pack_format = #tpu.pack_format<interleaved>} : vector<32xbf16> -> vector<16xf32>
        %parallel_loop3A_715 = arith.addf %parallel_loop3A_700, %parallel_loop3A_713 : vector<16xf32>
        %parallel_loop3A_716 = arith.addf %parallel_loop3A_701, %parallel_loop3A_714 : vector<16xf32>
        %parallel_loop3A_717 = arith.constant 14 : i32
        %parallel_loop3A_718 = arith.index_cast %parallel_loop3A_717 : i32 to index
        %parallel_loop3A_719 = arith.index_cast %parallel_loop3A_699 : i32 to index
        %parallel_loop3A_720 = arith.constant 32 : index
        %parallel_loop3A_721 = tpu.vector_load %arg6[%parallel_loop3A_718, %parallel_loop3A_719, %parallel_loop3A_720] {strides = array<i32>} : memref<16x26x128xbf16, #tpu.memory_space<vmem>>, vector<32xbf16>,
        %parallel_loop3A_722 = tpu.unpack_subelements %parallel_loop3A_721, 0 {pack_format = #tpu.pack_format<interleaved>} : vector<32xbf16> -> vector<16xf32>
        %parallel_loop3A_723 = tpu.unpack_subelements %parallel_loop3A_721, 1 {pack_format = #tpu.pack_format<interleaved>} : vector<32xbf16> -> vector<16xf32>
        %parallel_loop3A_724 = arith.addf %parallel_loop3A_702, %parallel_loop3A_722 : vector<16xf32>
        %parallel_loop3A_725 = arith.addf %parallel_loop3A_703, %parallel_loop3A_723 : vector<16xf32>
        %parallel_loop3A_726 = arith.constant 14 : i32
        %parallel_loop3A_727 = arith.index_cast %parallel_loop3A_726 : i32 to index
        %parallel_loop3A_728 = arith.index_cast %parallel_loop3A_699 : i32 to index
        %parallel_loop3A_729 = arith.constant 64 : index
        %parallel_loop3A_730 = tpu.vector_load %arg6[%parallel_loop3A_727, %parallel_loop3A_728, %parallel_loop3A_729] {strides = array<i32>} : memref<16x26x128xbf16, #tpu.memory_space<vmem>>, vector<32xbf16>,
        %parallel_loop3A_731 = tpu.unpack_subelements %parallel_loop3A_730, 0 {pack_format = #tpu.pack_format<interleaved>} : vector<32xbf16> -> vector<16xf32>
        %parallel_loop3A_732 = tpu.unpack_subelements %parallel_loop3A_730, 1 {pack_format = #tpu.pack_format<interleaved>} : vector<32xbf16> -> vector<16xf32>
        %parallel_loop3A_733 = arith.addf %parallel_loop3A_704, %parallel_loop3A_731 : vector<16xf32>
        %parallel_loop3A_734 = arith.addf %parallel_loop3A_705, %parallel_loop3A_732 : vector<16xf32>
        %parallel_loop3A_735 = arith.constant 14 : i32
        %parallel_loop3A_736 = arith.index_cast %parallel_loop3A_735 : i32 to index
        %parallel_loop3A_737 = arith.index_cast %parallel_loop3A_699 : i32 to index
        %parallel_loop3A_738 = arith.constant 96 : index
        %parallel_loop3A_739 = tpu.vector_load %arg6[%parallel_loop3A_736, %parallel_loop3A_737, %parallel_loop3A_738] {strides = array<i32>} : memref<16x26x128xbf16, #tpu.memory_space<vmem>>, vector<32xbf16>,
        %parallel_loop3A_740 = tpu.unpack_subelements %parallel_loop3A_739, 0 {pack_format = #tpu.pack_format<interleaved>} : vector<32xbf16> -> vector<16xf32>
        %parallel_loop3A_741 = tpu.unpack_subelements %parallel_loop3A_739, 1 {pack_format = #tpu.pack_format<interleaved>} : vector<32xbf16> -> vector<16xf32>
        %parallel_loop3A_742 = arith.addf %parallel_loop3A_706, %parallel_loop3A_740 : vector<16xf32>
        %parallel_loop3A_743 = arith.addf %parallel_loop3A_707, %parallel_loop3A_741 : vector<16xf32>
        scf.yield %parallel_loop3A_715, %parallel_loop3A_716, %parallel_loop3A_724, %parallel_loop3A_725, %parallel_loop3A_733, %parallel_loop3A_734, %parallel_loop3A_742, %parallel_loop3A_743 : vector<16xf32>, vector<16xf32>, vector<16xf32>, vector<16xf32>, vector<16xf32>, vector<16xf32>, vector<16xf32>, vector<16xf32>
      } {sc.loop_unroll_factor = 2 : i64, sc.parallel_access}
      %add3A_638 = arith.constant 16 : i32
      %add3A_639 = arith.addi %add3A_622, %add3A_638 : i32
      %lt3A_640 = arith.constant 1024 : i32
      %lt3A_641 = arith.cmpi slt, %add3A_639, %lt3A_640 : i32
      %convert_element_type3A_642 = arith.extui %lt3A_641 : i1 to i32
      %cond3A_643 = arith.constant 0 : i32
      %cond3A_644 = arith.cmpi ne, %convert_element_type3A_642, %cond3A_643 : i32
      scf.if %cond3A_644 {
        %add3A_699 = arith.constant 16 : i32
        %add3A_700 = arith.addi %add3A_622, %add3A_699 : i32
        %dma_start3A_701 = arith.constant 14 : i32
        %dma_start3A_702 = arith.constant 0 : i32
        %dma_start3A_703 = arith.constant 0 : i32
        %dma_start3A_704 = tpu.memref_slice %arg6[%dma_start3A_701, %dma_start3A_702, %dma_start3A_703] : memref<16x26x128xbf16, #tpu.memory_space<vmem>> -> memref<1x26x128xbf16, #tpu.memory_space<vmem>>
        %dma_start3A_705 = tpu.memref_squeeze %dma_start3A_704 : memref<1x26x128xbf16, #tpu.memory_space<vmem>> -> memref<26x128xbf16, #tpu.memory_space<vmem>>
        %dma_start3A_706 = arith.constant 0 : i32
        %dma_start3A_707 = tpu.memref_slice %arg5[%add3A_700, %dma_start3A_706] : memref<1024x26xi32, #tpu.memory_space<vmem>> -> memref<1x26xi32, #tpu.memory_space<vmem>>
        %dma_start3A_708 = tpu.memref_squeeze %dma_start3A_707 : memref<1x26xi32, #tpu.memory_space<vmem>> -> memref<26xi32, #tpu.memory_space<vmem>>
        %dma_start3A_709 = arith.constant 0 : i32
        %dma_start3A_710 = arith.constant 0 : i32
        %dma_start3A_711 = tpu.memref_slice %arg3[%dma_start3A_709, %dma_start3A_710] : memref<100001x128xbf16, #tpu.memory_space<hbm>> -> memref<100001x128xbf16, #tpu.memory_space<hbm>>
        tpu.enqueue_indirect_dma source(%dma_start3A_711 : memref<100001x128xbf16, #tpu.memory_space<hbm>>) target(%dma_start3A_705 : memref<26x128xbf16, #tpu.memory_space<vmem>>) offsets(%dma_start3A_708 : memref<26xi32, #tpu.memory_space<vmem>>) semaphore(%arg22 : memref<!tpu.dma_semaphore, #tpu.memory_space<semaphore_mem>>)
      } else {
      }
      %mul3A_645 = arith.constant 16 : i32
      %mul3A_646 = arith.muli %mul3A_645, %scan3A_201 : i32
      %add3A_647 = arith.constant 15 : i32
      %add3A_648 = arith.addi %mul3A_646, %add3A_647 : i32
      %dma_wait3A_649 = arith.constant 15 : i32
      %dma_wait3A_650 = arith.constant 0 : i32
      %dma_wait3A_651 = arith.constant 0 : i32
      %dma_wait3A_652 = tpu.memref_slice %arg6[%dma_wait3A_649, %dma_wait3A_650, %dma_wait3A_651] : memref<16x26x128xbf16, #tpu.memory_space<vmem>> -> memref<1x26x128xbf16, #tpu.memory_space<vmem>>
      %dma_wait3A_653 = tpu.memref_squeeze %dma_wait3A_652 : memref<1x26x128xbf16, #tpu.memory_space<vmem>> -> memref<26x128xbf16, #tpu.memory_space<vmem>>
      %dma_wait3A_654 = arith.constant 0 : i32
      %dma_wait3A_655 = tpu.memref_slice %arg5[%add3A_648, %dma_wait3A_654] : memref<1024x26xi32, #tpu.memory_space<vmem>> -> memref<1x26xi32, #tpu.memory_space<vmem>>
      %dma_wait3A_656 = tpu.memref_squeeze %dma_wait3A_655 : memref<1x26xi32, #tpu.memory_space<vmem>> -> memref<26xi32, #tpu.memory_space<vmem>>
      %dma_wait3A_657 = arith.constant 0 : i32
      %dma_wait3A_658 = arith.constant 0 : i32
      %dma_wait3A_659 = tpu.memref_slice %arg3[%dma_wait3A_657, %dma_wait3A_658] : memref<100001x128xbf16, #tpu.memory_space<hbm>> -> memref<100001x128xbf16, #tpu.memory_space<hbm>>
      tpu.wait_indirect_dma semaphore(%arg23 : memref<!tpu.dma_semaphore, #tpu.memory_space<semaphore_mem>>) src(%dma_wait3A_659 : memref<100001x128xbf16, #tpu.memory_space<hbm>>) dst(%dma_wait3A_653 : memref<26x128xbf16, #tpu.memory_space<vmem>>)
      %parallel_loop3A_660 = arith.constant 0 : i32
      %parallel_loop3A_661 = arith.constant 26 : i32
      %parallel_loop3A_662 = arith.constant 1 : i32
      %parallel_loop3A_663:8 = scf.for %parallel_loop3A_699 = %parallel_loop3A_660 to %parallel_loop3A_661 step %parallel_loop3A_662 iter_args(%parallel_loop3A_700 = %parallel_loop3A_637#0, %parallel_loop3A_701 = %parallel_loop3A_637#1, %parallel_loop3A_702 = %parallel_loop3A_637#2, %parallel_loop3A_703 = %parallel_loop3A_637#3, %parallel_loop3A_704 = %parallel_loop3A_637#4, %parallel_loop3A_705 = %parallel_loop3A_637#5, %parallel_loop3A_706 = %parallel_loop3A_637#6, %parallel_loop3A_707 = %parallel_loop3A_637#7) -> (vector<16xf32>, vector<16xf32>, vector<16xf32>, vector<16xf32>, vector<16xf32>, vector<16xf32>, vector<16xf32>, vector<16xf32>)  : i32 {
        %parallel_loop3A_708 = arith.constant 15 : i32
        %parallel_loop3A_709 = arith.index_cast %parallel_loop3A_708 : i32 to index
        %parallel_loop3A_710 = arith.index_cast %parallel_loop3A_699 : i32 to index
        %parallel_loop3A_711 = arith.constant 0 : index
        %parallel_loop3A_712 = tpu.vector_load %arg6[%parallel_loop3A_709, %parallel_loop3A_710, %parallel_loop3A_711] {strides = array<i32>} : memref<16x26x128xbf16, #tpu.memory_space<vmem>>, vector<32xbf16>,
        %parallel_loop3A_713 = tpu.unpack_subelements %parallel_loop3A_712, 0 {pack_format = #tpu.pack_format<interleaved>} : vector<32xbf16> -> vector<16xf32>
        %parallel_loop3A_714 = tpu.unpack_subelements %parallel_loop3A_712, 1 {pack_format = #tpu.pack_format<interleaved>} : vector<32xbf16> -> vector<16xf32>
        %parallel_loop3A_715 = arith.addf %parallel_loop3A_700, %parallel_loop3A_713 : vector<16xf32>
        %parallel_loop3A_716 = arith.addf %parallel_loop3A_701, %parallel_loop3A_714 : vector<16xf32>
        %parallel_loop3A_717 = arith.constant 15 : i32
        %parallel_loop3A_718 = arith.index_cast %parallel_loop3A_717 : i32 to index
        %parallel_loop3A_719 = arith.index_cast %parallel_loop3A_699 : i32 to index
        %parallel_loop3A_720 = arith.constant 32 : index
        %parallel_loop3A_721 = tpu.vector_load %arg6[%parallel_loop3A_718, %parallel_loop3A_719, %parallel_loop3A_720] {strides = array<i32>} : memref<16x26x128xbf16, #tpu.memory_space<vmem>>, vector<32xbf16>,
        %parallel_loop3A_722 = tpu.unpack_subelements %parallel_loop3A_721, 0 {pack_format = #tpu.pack_format<interleaved>} : vector<32xbf16> -> vector<16xf32>
        %parallel_loop3A_723 = tpu.unpack_subelements %parallel_loop3A_721, 1 {pack_format = #tpu.pack_format<interleaved>} : vector<32xbf16> -> vector<16xf32>
        %parallel_loop3A_724 = arith.addf %parallel_loop3A_702, %parallel_loop3A_722 : vector<16xf32>
        %parallel_loop3A_725 = arith.addf %parallel_loop3A_703, %parallel_loop3A_723 : vector<16xf32>
        %parallel_loop3A_726 = arith.constant 15 : i32
        %parallel_loop3A_727 = arith.index_cast %parallel_loop3A_726 : i32 to index
        %parallel_loop3A_728 = arith.index_cast %parallel_loop3A_699 : i32 to index
        %parallel_loop3A_729 = arith.constant 64 : index
        %parallel_loop3A_730 = tpu.vector_load %arg6[%parallel_loop3A_727, %parallel_loop3A_728, %parallel_loop3A_729] {strides = array<i32>} : memref<16x26x128xbf16, #tpu.memory_space<vmem>>, vector<32xbf16>,
        %parallel_loop3A_731 = tpu.unpack_subelements %parallel_loop3A_730, 0 {pack_format = #tpu.pack_format<interleaved>} : vector<32xbf16> -> vector<16xf32>
        %parallel_loop3A_732 = tpu.unpack_subelements %parallel_loop3A_730, 1 {pack_format = #tpu.pack_format<interleaved>} : vector<32xbf16> -> vector<16xf32>
        %parallel_loop3A_733 = arith.addf %parallel_loop3A_704, %parallel_loop3A_731 : vector<16xf32>
        %parallel_loop3A_734 = arith.addf %parallel_loop3A_705, %parallel_loop3A_732 : vector<16xf32>
        %parallel_loop3A_735 = arith.constant 15 : i32
        %parallel_loop3A_736 = arith.index_cast %parallel_loop3A_735 : i32 to index
        %parallel_loop3A_737 = arith.index_cast %parallel_loop3A_699 : i32 to index
        %parallel_loop3A_738 = arith.constant 96 : index
        %parallel_loop3A_739 = tpu.vector_load %arg6[%parallel_loop3A_736, %parallel_loop3A_737, %parallel_loop3A_738] {strides = array<i32>} : memref<16x26x128xbf16, #tpu.memory_space<vmem>>, vector<32xbf16>,
        %parallel_loop3A_740 = tpu.unpack_subelements %parallel_loop3A_739, 0 {pack_format = #tpu.pack_format<interleaved>} : vector<32xbf16> -> vector<16xf32>
        %parallel_loop3A_741 = tpu.unpack_subelements %parallel_loop3A_739, 1 {pack_format = #tpu.pack_format<interleaved>} : vector<32xbf16> -> vector<16xf32>
        %parallel_loop3A_742 = arith.addf %parallel_loop3A_706, %parallel_loop3A_740 : vector<16xf32>
        %parallel_loop3A_743 = arith.addf %parallel_loop3A_707, %parallel_loop3A_741 : vector<16xf32>
        scf.yield %parallel_loop3A_715, %parallel_loop3A_716, %parallel_loop3A_724, %parallel_loop3A_725, %parallel_loop3A_733, %parallel_loop3A_734, %parallel_loop3A_742, %parallel_loop3A_743 : vector<16xf32>, vector<16xf32>, vector<16xf32>, vector<16xf32>, vector<16xf32>, vector<16xf32>, vector<16xf32>, vector<16xf32>
      } {sc.loop_unroll_factor = 2 : i64, sc.parallel_access}
      %mul3A_664 = arith.constant 2 : i32
      %mul3A_665 = arith.muli %mul3A_664, %scan3A_201 : i32
      %add3A_666 = arith.constant 1 : i32
      %add3A_667 = arith.addi %mul3A_665, %add3A_666 : i32
      %swap3A_668 = arith.index_cast %add3A_667 : i32 to index
      %swap3A_669 = arith.constant 0 : index
      %swap3A_670 = tpu.vector_load %arg7[%swap3A_668, %swap3A_669] {strides = array<i32>} : memref<128x128xf32, #tpu.memory_space<vmem>>, vector<16xf32>,
      tpu.vector_store %arg7[%swap3A_668, %swap3A_669], %parallel_loop3A_663#0 {strides = array<i32>} : memref<128x128xf32, #tpu.memory_space<vmem>>, vector<16xf32>,
      %swap3A_671 = arith.index_cast %add3A_667 : i32 to index
      %swap3A_672 = arith.constant 16 : index
      %swap3A_673 = tpu.vector_load %arg7[%swap3A_671, %swap3A_672] {strides = array<i32>} : memref<128x128xf32, #tpu.memory_space<vmem>>, vector<16xf32>,
      tpu.vector_store %arg7[%swap3A_671, %swap3A_672], %parallel_loop3A_663#1 {strides = array<i32>} : memref<128x128xf32, #tpu.memory_space<vmem>>, vector<16xf32>,
      %swap3A_674 = arith.index_cast %add3A_667 : i32 to index
      %swap3A_675 = arith.constant 32 : index
      %swap3A_676 = tpu.vector_load %arg7[%swap3A_674, %swap3A_675] {strides = array<i32>} : memref<128x128xf32, #tpu.memory_space<vmem>>, vector<16xf32>,
      tpu.vector_store %arg7[%swap3A_674, %swap3A_675], %parallel_loop3A_663#2 {strides = array<i32>} : memref<128x128xf32, #tpu.memory_space<vmem>>, vector<16xf32>,
      %swap3A_677 = arith.index_cast %add3A_667 : i32 to index
      %swap3A_678 = arith.constant 48 : index
      %swap3A_679 = tpu.vector_load %arg7[%swap3A_677, %swap3A_678] {strides = array<i32>} : memref<128x128xf32, #tpu.memory_space<vmem>>, vector<16xf32>,
      tpu.vector_store %arg7[%swap3A_677, %swap3A_678], %parallel_loop3A_663#3 {strides = array<i32>} : memref<128x128xf32, #tpu.memory_space<vmem>>, vector<16xf32>,
      %swap3A_680 = arith.index_cast %add3A_667 : i32 to index
      %swap3A_681 = arith.constant 64 : index
      %swap3A_682 = tpu.vector_load %arg7[%swap3A_680, %swap3A_681] {strides = array<i32>} : memref<128x128xf32, #tpu.memory_space<vmem>>, vector<16xf32>,
      tpu.vector_store %arg7[%swap3A_680, %swap3A_681], %parallel_loop3A_663#4 {strides = array<i32>} : memref<128x128xf32, #tpu.memory_space<vmem>>, vector<16xf32>,
      %swap3A_683 = arith.index_cast %add3A_667 : i32 to index
      %swap3A_684 = arith.constant 80 : index
      %swap3A_685 = tpu.vector_load %arg7[%swap3A_683, %swap3A_684] {strides = array<i32>} : memref<128x128xf32, #tpu.memory_space<vmem>>, vector<16xf32>,
      tpu.vector_store %arg7[%swap3A_683, %swap3A_684], %parallel_loop3A_663#5 {strides = array<i32>} : memref<128x128xf32, #tpu.memory_space<vmem>>, vector<16xf32>,
      %swap3A_686 = arith.index_cast %add3A_667 : i32 to index
      %swap3A_687 = arith.constant 96 : index
      %swap3A_688 = tpu.vector_load %arg7[%swap3A_686, %swap3A_687] {strides = array<i32>} : memref<128x128xf32, #tpu.memory_space<vmem>>, vector<16xf32>,
      tpu.vector_store %arg7[%swap3A_686, %swap3A_687], %parallel_loop3A_663#6 {strides = array<i32>} : memref<128x128xf32, #tpu.memory_space<vmem>>, vector<16xf32>,
      %swap3A_689 = arith.index_cast %add3A_667 : i32 to index
      %swap3A_690 = arith.constant 112 : index
      %swap3A_691 = tpu.vector_load %arg7[%swap3A_689, %swap3A_690] {strides = array<i32>} : memref<128x128xf32, #tpu.memory_space<vmem>>, vector<16xf32>,
      tpu.vector_store %arg7[%swap3A_689, %swap3A_690], %parallel_loop3A_663#7 {strides = array<i32>} : memref<128x128xf32, #tpu.memory_space<vmem>>, vector<16xf32>,
      %add3A_692 = arith.constant 16 : i32
      %add3A_693 = arith.addi %add3A_648, %add3A_692 : i32
      %lt3A_694 = arith.constant 1024 : i32
      %lt3A_695 = arith.cmpi slt, %add3A_693, %lt3A_694 : i32
      %convert_element_type3A_696 = arith.extui %lt3A_695 : i1 to i32
      %cond3A_697 = arith.constant 0 : i32
      %cond3A_698 = arith.cmpi ne, %convert_element_type3A_696, %cond3A_697 : i32
      scf.if %cond3A_698 {
        %add3A_699 = arith.constant 16 : i32
        %add3A_700 = arith.addi %add3A_648, %add3A_699 : i32
        %dma_start3A_701 = arith.constant 15 : i32
        %dma_start3A_702 = arith.constant 0 : i32
        %dma_start3A_703 = arith.constant 0 : i32
        %dma_start3A_704 = tpu.memref_slice %arg6[%dma_start3A_701, %dma_start3A_702, %dma_start3A_703] : memref<16x26x128xbf16, #tpu.memory_space<vmem>> -> memref<1x26x128xbf16, #tpu.memory_space<vmem>>
        %dma_start3A_705 = tpu.memref_squeeze %dma_start3A_704 : memref<1x26x128xbf16, #tpu.memory_space<vmem>> -> memref<26x128xbf16, #tpu.memory_space<vmem>>
        %dma_start3A_706 = arith.constant 0 : i32
        %dma_start3A_707 = tpu.memref_slice %arg5[%add3A_700, %dma_start3A_706] : memref<1024x26xi32, #tpu.memory_space<vmem>> -> memref<1x26xi32, #tpu.memory_space<vmem>>
        %dma_start3A_708 = tpu.memref_squeeze %dma_start3A_707 : memref<1x26xi32, #tpu.memory_space<vmem>> -> memref<26xi32, #tpu.memory_space<vmem>>
        %dma_start3A_709 = arith.constant 0 : i32
        %dma_start3A_710 = arith.constant 0 : i32
        %dma_start3A_711 = tpu.memref_slice %arg3[%dma_start3A_709, %dma_start3A_710] : memref<100001x128xbf16, #tpu.memory_space<hbm>> -> memref<100001x128xbf16, #tpu.memory_space<hbm>>
        tpu.enqueue_indirect_dma source(%dma_start3A_711 : memref<100001x128xbf16, #tpu.memory_space<hbm>>) target(%dma_start3A_705 : memref<26x128xbf16, #tpu.memory_space<vmem>>) offsets(%dma_start3A_708 : memref<26xi32, #tpu.memory_space<vmem>>) semaphore(%arg23 : memref<!tpu.dma_semaphore, #tpu.memory_space<semaphore_mem>>)
      } else {
      }
    }
    %scan3A_198 = arith.constant 64 : i32
    %mul3A_199 = arith.constant 128 : i32
    %mul3A_200 = arith.muli %add3A, %mul3A_199 : i32
    "tpu.region"() ({
      %run_scoped3A = tpu.sem_alloc : memref<!tpu.dma_semaphore, #tpu.memory_space<semaphore_mem>>
      %dma_start3A_201 = arith.constant 0 : i32
      %dma_start3A_202 = tpu.memref_slice %arg4[%mul3A_200, %dma_start3A_201] : memref<4096x128xf32, #tpu.memory_space<hbm>> -> memref<128x128xf32, #tpu.memory_space<hbm>>
      %dma_start3A_203 = arith.constant 0 : i32
      %dma_start3A_204 = tpu.memref_slice %arg4[%mul3A_200, %dma_start3A_203] : memref<4096x128xf32, #tpu.memory_space<hbm>> -> memref<128x128xf32, #tpu.memory_space<hbm>>
      tpu.enqueue_dma source(%arg7 : memref<128x128xf32, #tpu.memory_space<vmem>>) target(%dma_start3A_204 : memref<128x128xf32, #tpu.memory_space<hbm>>) target_semaphore(%run_scoped3A : memref<!tpu.dma_semaphore, #tpu.memory_space<semaphore_mem>>)
      %dma_wait3A = arith.constant 0 : i32
      %dma_wait3A_205 = tpu.memref_slice %arg4[%mul3A_200, %dma_wait3A] : memref<4096x128xf32, #tpu.memory_space<hbm>> -> memref<128x128xf32, #tpu.memory_space<hbm>>
      %dma_wait3A_206 = arith.constant 0 : i32
      %dma_wait3A_207 = tpu.memref_slice %arg4[%mul3A_200, %dma_wait3A_206] : memref<4096x128xf32, #tpu.memory_space<hbm>> -> memref<128x128xf32, #tpu.memory_space<hbm>>
      tpu.wait_dma2 semaphore(%run_scoped3A : memref<!tpu.dma_semaphore, #tpu.memory_space<semaphore_mem>>) src(%arg7 : memref<128x128xf32, #tpu.memory_space<vmem>>) dst(%dma_wait3A_207 : memref<128x128xf32, #tpu.memory_space<hbm>>)
      tpu.yield
    }) : () -> ()
    return
  }
}

module attributes {stable_mosaic.version = 14 : i64} {
  func.func @body(%arg0: i32, %arg1: memref<512x200xi32, #tpu.memory_space<vmem>>, %arg2: memref<512x128xf32, #tpu.memory_space<vmem>>, %arg3: memref<128x100xf32, #tpu.memory_space<vmem>>, %arg4: memref<1x100xf32, #tpu.memory_space<vmem>>, %arg5: memref<512x100xf32, #tpu.memory_space<vmem>>) attributes {dimension_semantics = [#tpu.dimension_semantics<arbitrary>], iteration_bounds = array<i64: 8>, scalar_prefetch = 0 : i64, scratch_operands = 0 : i64, tpu.core_type = #tpu.core_type<tc>, window_params = [{transform_indices = @transform_0, window_bounds = array<i64: 512, 200>}, {transform_indices = @transform_1, window_bounds = array<i64: 512, 128>}, {pipeline_mode = #tpu.pipeline_mode<synchronous>, transform_indices = @transform_2, window_bounds = array<i64: 128, 100>}, {pipeline_mode = #tpu.pipeline_mode<synchronous>, transform_indices = @transform_3, window_bounds = array<i64: 1, 100>}, {transform_indices = @transform_4, window_bounds = array<i64: 512, 100>}]} {
    %get3A = arith.constant 0 : index
    %get3A_0 = arith.constant 0 : index
    %get3A_1 = vector.load %arg1[%get3A, %get3A_0] : memref<512x200xi32, #tpu.memory_space<vmem>>, vector<512x200xi32>
    %ne3A = arith.constant 100000 : i32
    %ne3A_2 = vector.broadcast %ne3A : i32 to vector<512x200xi32>
    %ne3A_3 = arith.cmpi ne, %get3A_1, %ne3A_2 : vector<512x200xi32>
    %convert_element_type3A = arith.extui %ne3A_3 : vector<512x200xi1> to vector<512x200xi32>
    %convert_element_type3A_4 = arith.sitofp %convert_element_type3A : vector<512x200xi32> to vector<512x200xf32>
    %reduce_sum3A = arith.constant dense<0.000000e+00> : vector<512xf32>
    %reduce_sum3A_5 = vector.multi_reduction <add>, %convert_element_type3A_4, %reduce_sum3A [1] : vector<512x200xf32> to vector<512xf32>
    %broadcast_in_dim3A = vector.shape_cast %reduce_sum3A_5 : vector<512xf32> to vector<512x1xf32>
    %get3A_6 = arith.constant 0 : index
    %get3A_7 = arith.constant 0 : index
    %get3A_8 = vector.load %arg2[%get3A_6, %get3A_7] : memref<512x128xf32, #tpu.memory_space<vmem>>, vector<512x128xf32>
    %max3A = arith.constant 9.99999997E-7 : f32
    %max3A_9 = vector.broadcast %max3A : f32 to vector<512x1xf32>
    %max3A_10 = arith.maximumf %broadcast_in_dim3A, %max3A_9 : vector<512x1xf32>
    %div3A = vector.broadcast %max3A_10 : vector<512x1xf32> to vector<512x128xf32>
    %div3A_11 = arith.divf %get3A_8, %div3A : vector<512x128xf32>
    %get3A_12 = arith.constant 0 : index
    %get3A_13 = arith.constant 0 : index
    %get3A_14 = vector.load %arg3[%get3A_12, %get3A_13] : memref<128x100xf32, #tpu.memory_space<vmem>>, vector<128x100xf32>
    %dot_general3A = arith.constant dense<0.000000e+00> : vector<512x100xf32>
    %dot_general3A_15 = tpu.matmul %div3A_11, %get3A_14, %dot_general3A {dimension_numbers = #tpu.dot_dimension_numbers<[1], [0], [0], [1], [0, 0, 1, 1], [], []>, transpose_lhs_hint = false} : vector<512x128xf32>, vector<128x100xf32>, vector<512x100xf32> -> vector<512x100xf32>
    %get3A_16 = arith.constant 0 : index
    %get3A_17 = arith.constant 0 : index
    %get3A_18 = vector.load %arg4[%get3A_16, %get3A_17] : memref<1x100xf32, #tpu.memory_space<vmem>>, vector<1x100xf32>
    %add3A = vector.broadcast %get3A_18 : vector<1x100xf32> to vector<512x100xf32>
    %add3A_19 = arith.addf %dot_general3A_15, %add3A : vector<512x100xf32>
    %swap3A = arith.constant 0 : index
    %swap3A_20 = arith.constant 0 : index
    %swap3A_21 = vector.load %arg5[%swap3A, %swap3A_20] : memref<512x100xf32, #tpu.memory_space<vmem>>, vector<512x100xf32>
    tpu.vector_store %arg5[%swap3A, %swap3A_20], %add3A_19 {strides = array<i32>} : memref<512x100xf32, #tpu.memory_space<vmem>>, vector<512x100xf32>,
    return
  }
  func.func @transform_0(%arg0: i32) -> (i32, i32) {
    %c0_i32 = arith.constant 0 : i32
    %c0_i32_0 = arith.constant 0 : i32
    return %arg0, %c0_i32 : i32, i32
  }
  func.func @transform_1(%arg0: i32) -> (i32, i32) {
    %c0_i32 = arith.constant 0 : i32
    %c0_i32_0 = arith.constant 0 : i32
    return %arg0, %c0_i32 : i32, i32
  }
  func.func @transform_2(%arg0: i32) -> (i32, i32) {
    %c0_i32 = arith.constant 0 : i32
    %c0_i32_0 = arith.constant 0 : i32
    %c0_i32_1 = arith.constant 0 : i32
    return %c0_i32, %c0_i32_0 : i32, i32
  }
  func.func @transform_3(%arg0: i32) -> (i32, i32) {
    %c0_i32 = arith.constant 0 : i32
    %c0_i32_0 = arith.constant 0 : i32
    %c0_i32_1 = arith.constant 0 : i32
    return %c0_i32, %c0_i32_0 : i32, i32
  }
  func.func @transform_4(%arg0: i32) -> (i32, i32) {
    %c0_i32 = arith.constant 0 : i32
    %c0_i32_0 = arith.constant 0 : i32
    return %arg0, %c0_i32 : i32, i32
  }
}

</mosaic_0001>

<sc_bundles>
// kernel: kernel.4.cloned.1.call-start
scs
__scs_entry_jumppad:
0x0: {  	(pc) =	sbr.rel $0x88, $3  }
0x1: {  	(tag) =	ssettag $0x0;
	lr =	simm.s32 $0x1  }
0x2: {  	[smem:$0x3F9D] =	sst lr;
	_ =	strace $0xD0000000  }
0x3: {  	_ = 	snop  }
0x4: {  	_ = 	snop  }
0x5: {  	_ = 	snop  }
0x6: {  	_ = 	snop  }
0x7: {  	_ = 	snop  }
__scs_overlays_trampoline_lowered:
0x8: {  	[smem:$0x3FAC] =	sst s0  }
0x9: {  	[smem:$0x3FAD] =	sst s1  }
0xa: {  	[smem:$0x3FAE] =	sst s2  }
0xb: {  	[smem:$0x3FAF] =	sst s3  }
0xc: {  	[smem:$0x3FB0] =	sst s4  }
0xd: {  	[smem:$0x3FB1] =	sst s5  }
0xe: {  	[smem:$0x3FB2] =	sst s6  }
0xf: {  	[smem:$0x3FB3] =	sst s7  }
0x10: {  	[smem:$0x3FB4] =	sst s8  }
0x11: {  	[smem:$0x3FB5] =	sst s9;
	s0 =	simm.s32 @!p0 $0x0  }
0x12: {  	s1 =	sld [smem:$0x3F9B];
	s0 =	simm.s32 @p0 $0x1  }
0x13: {  	[smem:$0x3FB6] =	sst s0;
	s0 =	simm.s32 @!p1 $0x0  }
0x14: {  	s2 =	sld [smem:$0x3F9A];
	s0 =	simm.s32 @p1 $0x1  }
0x15: {  	[smem:$0x3FB7] =	sst s0;
	s0 =	simm.s32 @!p2 $0x0  }
0x16: {  	s3 =	sld [smem:$0x3FDB];
	s0 =	simm.s32 @p2 $0x1  }
0x17: {  	s4 =	simm.s32 $0x1BF5;
	[smem:$0x3FB9] =	sst s0  }
0x18: {  	s0 =	sld [smem:$0x3F9C];
	_ =	swait.ge [sflag:s4], $0x0  }
0x19: {  	s7 =	sld [smem:$0x3F9D]  }
0x1a: {  	s8 =	sadd.s32 $0xFFFFE003, lr  }
0x1b: {  	s9 =	sadd.s32 $0xFFFFFEF7, lr;
	s5 =	simm.s32 $0xFFFFFFFF;
	p2 =	slt.u32 s8, $0xFFFFF086  }
0x1c: {  	p1 =	slt.u32 s9, $0xF7A;
	s5 =	simm.s32 @!p2 $0x0  }
0x1d: {  	s5 =	simm.s32 @p1 $0x1;
	p0 =	seq.s32 s7, s2  }
0x1e: {  	s7 =	smul.u32 @!p0 $0xF7A, s2;
	p2 =	seq.s32 @!p0 s5, $0x0  }
0x1f: {  	s9 =	smul.u32 $0xF7A, s1;
	s8 =	simm.s32 @!p0 $0x1BF5;
	p2 =	por !p2, p0  }
0x20: {  	[sflag:s8] =	ssyncset.s32 @!p0 $0xFFFFF086;
	s6 =	sadd.s32 @!p0 s3, s7;
	s7 =	simm.s32 @!p0 $0x108  }
0x21: {  	s3 =	sadd.s32 s3, s9;
	s6 =	sadd.s32 @!p0 $0x88, s6;
	s7 =	simm.s32 @p2 $0x1082  }
0x22: {  	[simem:s7], [sflag:s8] =	dma.local @!p0 [hbm:s6], $0xF7A  }
0x23: {  	s9 =	sor.u32 $0xD0000000, s2;
	s6 =	simm.s32 $0x108;
	_ =	swait.ge @!p0 [sflag:s8], $0x0  }
0x24: {  	s3 =	sadd.s32 $0x88, s3;
	s6 =	simm.s32 @!p1 $0x1082;
	[sflag:s4] =	ssyncset.s32 $0xFFFFF086  }
0x25: {  	[simem:s6], [sflag:s4] =	dma.local [hbm:s3], $0xF7A  }
0x26: {  	[smem:$0x3F9D] =	sst s1;
	(tag) =	ssettag s2;
	_ =	strace s9  }
0x27: {  	s1 =	sld [smem:$0x3FAD]  }
0x28: {  	s2 =	sld [smem:$0x3FAE]  }
0x29: {  	s4 =	sld [smem:$0x3FB0]  }
0x2a: {  	p0 =	seq.s32 s5, $0x0;
	s5 =	sld [smem:$0x3FB1]  }
0x2b: {  	s6 =	sld [smem:$0x3FB2]  }
0x2c: {  	s7 =	sld [smem:$0x3FB3]  }
0x2d: {  	s3 =	simm.s32 $0x108;
	s8 =	sld [smem:$0x3FB4]  }
0x2e: {  	s3 =	simm.s32 @!p0 $0x1082;
	s9 =	sld [smem:$0x3FB5]  }
0x2f: {  	lr =	sadd.s32 s0, s3;
	s0 =	sld [smem:$0x3FAC]  }
0x30: {  	s3 =	sld [smem:$0x3FAF]  }
0x31: {  	[smem:$0x3FB8] =	sst s10  }
0x32: {  	s10 =	sld [smem:$0x3FB6];
	_ =	sdelay $0x3  }
0x33: {  	p0 =	seq.s32 s10, $0x1;
	s10 =	sld [smem:$0x3FB8];
	_ =	sdelay $0x3  }
0x34: {  	[smem:$0x3FB8] =	sst s10  }
0x35: {  	s10 =	sld [smem:$0x3FB7];
	_ =	sdelay $0x3  }
0x36: {  	p1 =	seq.s32 s10, $0x1;
	s10 =	sld [smem:$0x3FB8];
	_ =	sdelay $0x3  }
0x37: {  	[smem:$0x3FB8] =	sst s10  }
0x38: {  	s10 =	sld [smem:$0x3FB9]  }
0x39: {  	_ = 	snop;
	(pc) =	sbr.ind lr, $3  }
0x3a: {  	_ = 	snop  }
0x3b: {  	_ = 	snop  }
0x3c: {  	p2 =	seq.s32 s10, $0x1;
	s10 =	sld [smem:$0x3FB8]  }
0x3d: {  	_ =	shalt  }
0x3e: {  	_ =	shalt  }
0x3f: {  	_ =	shalt  }
0x40: {  	_ =	shalt  }
0x41: {  	_ =	shalt  }
0x42: {  	_ =	shalt  }
0x43: {  	_ =	shalt  }
0x44: {  	_ =	shalt  }
0x45: {  	_ =	shalt  }
0x46: {  	_ =	shalt  }
0x47: {  	_ =	shalt  }
0x48: {  	_ =	shalt  }
0x49: {  	_ =	shalt  }
0x4a: {  	_ =	shalt  }
0x4b: {  	_ =	shalt  }
0x4c: {  	_ =	shalt  }
0x4d: {  	_ =	shalt  }
0x4e: {  	_ =	shalt  }
0x4f: {  	_ =	shalt  }
0x50: {  	_ =	shalt  }
0x51: {  	_ =	shalt  }
0x52: {  	_ =	shalt  }
0x53: {  	_ =	shalt  }
0x54: {  	_ =	shalt  }
0x55: {  	_ =	shalt  }
0x56: {  	_ =	shalt  }
0x57: {  	_ =	shalt  }
0x58: {  	_ =	shalt  }
0x59: {  	_ =	shalt  }
0x5a: {  	_ =	shalt  }
0x5b: {  	_ =	shalt  }
0x5c: {  	_ =	shalt  }
0x5d: {  	_ =	shalt  }
0x5e: {  	_ =	shalt  }
0x5f: {  	_ =	shalt  }
0x60: {  	_ =	shalt  }
0x61: {  	_ =	shalt  }
0x62: {  	_ =	shalt  }
0x63: {  	_ =	shalt  }
0x64: {  	_ =	shalt  }
0x65: {  	_ =	shalt  }
0x66: {  	_ =	shalt  }
0x67: {  	_ =	shalt  }
0x68: {  	_ =	shalt  }
0x69: {  	_ =	shalt  }
0x6a: {  	_ =	shalt  }
0x6b: {  	_ =	shalt  }
0x6c: {  	_ =	shalt  }
0x6d: {  	_ =	shalt  }
0x6e: {  	_ =	shalt  }
0x6f: {  	_ =	shalt  }
0x70: {  	_ =	shalt  }
0x71: {  	_ =	shalt  }
0x72: {  	_ =	shalt  }
0x73: {  	_ =	shalt  }
0x74: {  	_ =	shalt  }
0x75: {  	_ =	shalt  }
0x76: {  	_ =	shalt  }
0x77: {  	_ =	shalt  }
0x78: {  	_ =	shalt  }
0x79: {  	_ =	shalt  }
0x7a: {  	_ =	shalt  }
0x7b: {  	_ =	shalt  }
0x7c: {  	_ =	shalt  }
0x7d: {  	_ =	shalt  }
0x7e: {  	_ =	shalt  }
0x7f: {  	_ =	shalt  }
0x80: {  	_ =	shalt  }
0x81: {  	_ =	shalt  }
0x82: {  	_ =	shalt  }
0x83: {  	_ =	shalt  }
0x84: {  	_ =	shalt  }
0x85: {  	_ =	shalt  }
0x86: {  	_ =	shalt  }
0x87: {  	_ =	shalt  }
.Lfunc_end0:
.L_simem_size_0:
called_computation_lowered:
.L_overlay_start_0:
0x88: {  	s2 =	sld [smem:$0x3FD9]  }
0x89: {  	s3 =	sld [smem:$0x3FFE];
	_ =	sdelay $0x1  }
0x8a: {  	s1 =	srdreg.scid  }
0x8b: {  	s0 =	sand.u32 $0x1, s1  }
0x8c: {  	s16 =	sshll.u32 s0, $0xA;
	s2 =	sadd.s32 s3, s2  }
0x8d: {  	s2 =	sadd.s32 s2, s16  }
0x8e: {  	[smem:$0x3FC4] =	sst s2  }
0x8f: {  	_ = 	snop  }
0x90: {  	(tm) =	ssettm $0x1  }
0x91: {  	s17 =	sld [smem:$0x3FFB];
	_ =	sdelay $0x3  }
0x92: {  	_ =	strace s17  }
0x93: {  	s2 =	sld [smem:$0x3FFC];
	_ =	sdelay $0x3  }
0x94: {  	_ =	strace s2  }
0x95: {  	s2 =	sld [smem:$0x3FFD];
	_ =	sdelay $0x3  }
0x96: {  	_ =	strace s2  }
0x97: {  	_ =	strace $0x8FFFFFFF  }
0x98: {  	s18 =	sld [smem:$0x3FDB];
	_ =	sdelay $0x1  }
0x99: {  	s19 =	simm.s32 $_scs_section_size  }
0x9a: {  	s4 =	simm.s32 $_size__tile_overlayer_lowered;
	s5 =	simm.s32 $_tile_overlayer_lowered  }
0x9b: {  	s22 =	simm.s32 $0x1BFF;
	s21 =	sshll.u32 s5, $0x1;
	s2 =	sadd.s32 s19, s18  }
0x9c: {  	s6 =	simm.s32 $0x0;
	s20 =	sshll.u32 s4, $0x1;
	s4 =	sadd.s32 s21, s2  }
0x9d: {  	[timem:s6], [sflag:s22] =	dma.local [hbm:s4], s20  }
0x9e: {  	_ =	swait.ge [sflag:s22], s20  }
0x9f: {  	s3 =	ssub.s32 $0x0, s20;
	[sflag:s22] =	ssyncset.done $0x0  }
0xa0: {  	[sflag:s22] =	ssyncadd.s32 s3;
	_ =	sdelay $0x1  }
0xa1: {  	s23 =	simm.s32 $0x1B8B  }
0xa2: {  	_ =	swait.ge [sflag:s23], $0x1  }
0xa3: {  	[sflag:s23] =	ssyncset.done $0x0  }
0xa4: {  	s25 =	simm.s32 $0x1B8E;
	s24 =	sld [smem:$0x3FFE];
	[sflag:s23] =	ssyncadd.s32 $0xFFFFFFFF  }
0xa5: {  	s26 =	simm.s32 $execute0_lowered;
	[smem:$0x3FD2] =	sst s25  }
0xa6: {  	s4 =	sshll.u32 s26, $0x1;
	_ =	strace $0x80000046;
	[dreg:$0x1] =	wrdreg $0xFFFFFFFF  }
0xa7: {  	s28 =	simm.s32 $_size_execute0_lowered;
	s2 =	sadd.s32 s2, s4;
	[dreg:$0x0] =	wrdreg $0x0  }
0xa8: {  	s4 =	sshll.u32 s28, $0x1;
	[dreg:$0x2] =	wrdreg s2  }
0xa9: {  	[dreg:$0x3] =	wrdreg s4  }
0xaa: {  	[dreg:$0x4] =	wrdreg $0xC0  }
0xab: {  	_ =	task [dreg:s6], $0x5FFFF  }
0xac: {  	[dreg:$0x1] =	wrdreg $0xFFFFFFFF  }
0xad: {  	[dreg:$0x0] =	wrdreg $0x60  }
0xae: {  	[dreg:$0x2] =	wrdreg s24  }
0xaf: {  	[dreg:$0x3] =	wrdreg $0x9  }
0xb0: {  	_ =	task.clear_ibuf [dreg:s6], $0x4FFFF;
	_ =	strace $0x90000046  }
0xb1: {  	s29 =	simm.s32 $0x9;
	_ =	strace $0x80000048  }
0xb2: {  	_ =	swait.ge [sflag:s29], $0x1  }
0xb3: {  	[sflag:s29] =	ssyncadd.s32 $0xFFFFFFFF  }
0xb4: {  	_ =	strace $0x90000048  }
0xb5: {  	_ =	sfence  }
0xb6: {  	s30 =	sld [smem:$0x0];
	_ =	sdelay $0x2  }
0xb7: {  	s31 =	sshll.u32 s1, $0xD;
	s1 =	sshrl.u32 s1, $0x2  }
0xb8: {  	s3 =	sand.u32 $0x4000, s31;
	s1 =	sadd.s32 s1, s30  }
0xb9: {  	s0 =	sor.u32 s3, s0;
	s1 =	sshll.u32 s1, $0x11  }
0xba: {  	s0 =	sor.u32 s1, s0  }
0xbb: {  	s0 =	sadd.s32 $0x8F2B, s0  }
0xbc: {  	[sflag:s0] =	ssyncadd.remote.s32 $0x1  }
0xbd: {  	_ =	sfence.sel $0xFFFF  }
0xbe: {  	[dreg:$0x0] =	wrdreg $0xFFFFFFFF;
	(pc) =	sbr.abs _section_cstart, $3  }
0xbf: {  	[dreg:$0x1] =	wrdreg $0xFFFFFFFF  }
0xc0: {  	_ =	task.clear_ibuf [dreg:s6], $0x2FFFF;
	_ =	strace $0x9FFFFFFF  }
0xc1: {  	(tm) =	ssettm $0x7FFFFFFF  }
tec
execute0_lowered:
.L_overlay_start_1:
0x0: {  	(tag) =	ssettag $0x1  }
0x1: {  	s0 =	rddreg [dreg:$0x0]  }
0x2: {  	s1 =	srdreg.scid;
	s3 =	stileid.u32  }
0x3: {  	s2 =	simm.s32 $0x0;
	s7 =	simm.s32 $0x11;
	s8 =	simm.s32 $0x1A  }
0x4: {  	s15 =	simm.s32 $0xE180;
	s16 =	simm.s32 $0x1;
	s17 =	simm.s32 $0x2  }
0x5: {  	s18 =	simm.s32 $0x3;
	s19 =	simm.s32 $0x4;
	s20 =	simm.s32 $0x5  }
0x6: {  	s21 =	simm.s32 $0x6;
	s22 =	simm.s32 $0x7;
	s23 =	simm.s32 $0x8  }
0x7: {  	s24 =	simm.s32 $0x9;
	s25 =	simm.s32 $0xA;
	s26 =	simm.s32 $0xB  }
0x8: {  	s28 =	simm.s32 $0xC;
	s29 =	simm.s32 $0xD;
	s30 =	simm.s32 $0xE  }
0x9: {  	s31 =	simm.s32 $0xF;
	s1 =	sand.u32 $0x1, s1;
	s3 =	sshll.u32 s3, $0x1  }
0xa: {  	s9 =	simm.s32 $0x0;
	[smem:$0x7FF] =	sst s2;
	s3 =	sor.u32 s1, s3  }
.Ltmp0:
0xb: {  	_ =	strace $0x80000047;
	s1 =	ssub.s32 $0x2, s1;
	(pc) =	sbr.rel .LBB2_1-.Ltmp0, $4  }
0xc: {  	s4 =	sshll.u32 s3, $0xC;
	s5 =	sshll.u32 s3, $0xB;
	s6 =	sshrl.u32 s1, $0x1  }
0xd: {  	s3 =	sadd.s32 $0xE00, s0;
	s4 =	sadd.s32 s4, s0;
	s0 =	sadd.s32 s5, s0  }
0xe: {  	s1 =	ssub.s32 s1, s6;
	s4 =	sadd.s32 $0x144400, s4;
	s5 =	sadd.s32 $0xC4400, s0  }
0xf: {  	s6 =	smax.u32 s1, $0x1;
	s0 =	simm.s32 $0x10;
	[dreg:$0x2] =	wrdreg s4  }
.LBB2_36:
0x10: {  	s9 =	sadd.s32 $0x1, s9  }
0x11: {  	p0 =	sne.s32 s9, s6  }
.Ltmp1:
0x12: {  	s1 =	simm.s32 $0xE800;
	(pc) =	sbr.rel @!p0 .LBB2_37-.Ltmp1, $4  }
0x13: {  	[hbm4b:s5+s2] =	stream.linear.scatter [tilespmem:s1], [sflag:$0x11], $0x4000, $0x38;
	[tilespmem:$0x12800] =	vst v63  }
0x14: {  	_ =	swait.ge [sflag:s7], $0x4000  }
0x15: {  	[sflag:s7] =	ssyncset.done $0x0  }
0x16: {  	[sflag:s7] =	ssyncadd.s32 $0xFFFFC000  }
.LBB2_1:
0x17: {  	s1 =	rddreg [dreg:$0x2]  }
0x18: {  	[tilespmem:s2], [sflag:$0x11] =	stream.linear.gather [hbm4b:s1+s2], $0x8000, $0x38;
	[tilespmem:$0x12800] =	vst v63  }
0x19: {  	_ =	swait.ge [sflag:s7], $0x8000  }
0x1a: {  	[sflag:s7] =	ssyncset.done $0x0  }
0x1b: {  	s4 =	simm.s32 $0x8000;
	[sflag:s7] =	ssyncadd.s32 $0xFFFF8000  }
0x1c: {  	[tilespmem:s4], [sflag:$0x1] =	stream.indirect.gather [hbm4b:s3+s8], $0x40, s2, s8, $0xb8;
	[tilespmem:$0x12800] =	vst v63  }
0x1d: {  	s10 =	simm.s32 $0x20;
	s4 =	simm.s32 $0x8680  }
0x1e: {  	[tilespmem:s4], [sflag:$0x2] =	stream.indirect.gather [hbm4b:s3+s8], $0x40, s10, s8, $0xb8;
	[tilespmem:$0x12800] =	vst v63  }
0x1f: {  	s11 =	simm.s32 $0x40;
	s12 =	simm.s32 $0x8D00  }
0x20: {  	[tilespmem:s12], [sflag:$0x3] =	stream.indirect.gather [hbm4b:s3+s8], $0x40, s11, s8, $0xb8;
	[tilespmem:$0x12800] =	vst v63  }
0x21: {  	s13 =	simm.s32 $0x60;
	s14 =	simm.s32 $0x9380  }
0x22: {  	[tilespmem:s14], [sflag:$0x4] =	stream.indirect.gather [hbm4b:s3+s8], $0x40, s13, s8, $0xb8;
	[tilespmem:$0x12800] =	vst v63  }
0x23: {  	s4 =	simm.s32 $0x80;
	s10 =	simm.s32 $0x9A00  }
0x24: {  	[tilespmem:s10], [sflag:$0x5] =	stream.indirect.gather [hbm4b:s3+s8], $0x40, s4, s8, $0xb8;
	[tilespmem:$0x12800] =	vst v63  }
0x25: {  	s11 =	simm.s32 $0xA0;
	s12 =	simm.s32 $0xA080  }
0x26: {  	[tilespmem:s12], [sflag:$0x6] =	stream.indirect.gather [hbm4b:s3+s8], $0x40, s11, s8, $0xb8;
	[tilespmem:$0x12800] =	vst v63  }
0x27: {  	s13 =	simm.s32 $0xC0;
	s14 =	simm.s32 $0xA700  }
0x28: {  	[tilespmem:s14], [sflag:$0x7] =	stream.indirect.gather [hbm4b:s3+s8], $0x40, s13, s8, $0xb8;
	[tilespmem:$0x12800] =	vst v63  }
0x29: {  	s4 =	simm.s32 $0xE0;
	s10 =	simm.s32 $0xAD80  }
0x2a: {  	[tilespmem:s10], [sflag:$0x8] =	stream.indirect.gather [hbm4b:s3+s8], $0x40, s4, s8, $0xb8;
	[tilespmem:$0x12800] =	vst v63  }
0x2b: {  	s11 =	simm.s32 $0x100;
	s12 =	simm.s32 $0xB400  }
0x2c: {  	[tilespmem:s12], [sflag:$0x9] =	stream.indirect.gather [hbm4b:s3+s8], $0x40, s11, s8, $0xb8;
	[tilespmem:$0x12800] =	vst v63  }
0x2d: {  	s13 =	simm.s32 $0x120;
	s14 =	simm.s32 $0xBA80  }
0x2e: {  	[tilespmem:s14], [sflag:$0xA] =	stream.indirect.gather [hbm4b:s3+s8], $0x40, s13, s8, $0xb8;
	[tilespmem:$0x12800] =	vst v63  }
0x2f: {  	s4 =	simm.s32 $0x140;
	s10 =	simm.s32 $0xC100  }
0x30: {  	[tilespmem:s10], [sflag:$0xB] =	stream.indirect.gather [hbm4b:s3+s8], $0x40, s4, s8, $0xb8;
	[tilespmem:$0x12800] =	vst v63  }
0x31: {  	s11 =	simm.s32 $0x160;
	s12 =	simm.s32 $0xC780  }
0x32: {  	[tilespmem:s12], [sflag:$0xC] =	stream.indirect.gather [hbm4b:s3+s8], $0x40, s11, s8, $0xb8;
	[tilespmem:$0x12800] =	vst v63  }
0x33: {  	s13 =	simm.s32 $0x180;
	s14 =	simm.s32 $0xCE00  }
0x34: {  	[tilespmem:s14], [sflag:$0xD] =	stream.indirect.gather [hbm4b:s3+s8], $0x40, s13, s8, $0xb8;
	[tilespmem:$0x12800] =	vst v63  }
0x35: {  	s10 =	simm.s32 $0x1A0;
	s11 =	simm.s32 $0xD480  }
0x36: {  	[tilespmem:s11], [sflag:$0xE] =	stream.indirect.gather [hbm4b:s3+s8], $0x40, s10, s8, $0xb8;
	[tilespmem:$0x12800] =	vst v63  }
0x37: {  	s12 =	simm.s32 $0x1C0;
	s13 =	simm.s32 $0xDB00  }
0x38: {  	[tilespmem:s13], [sflag:$0xF] =	stream.indirect.gather [hbm4b:s3+s8], $0x40, s12, s8, $0xb8;
	[tilespmem:$0x12800] =	vst v63  }
0x39: {  	s14 =	simm.s32 $0x1E0;
	s10 =	simm.s32 $0x0  }
0x3a: {  	[tilespmem:s15], [sflag:$0x10] =	stream.indirect.gather [hbm4b:s3+s8], $0x40, s14, s8, $0xb8;
	[tilespmem:$0x12800] =	vst v63  }
.LBB2_2:
0x3b: {  	_ =	swait.ge [sflag:s16], $0x680  }
0x3c: {  	[sflag:s16] =	ssyncset.done $0x0  }
0x3d: {  	s1 =	simm.s32 $0x8040;
	[sflag:s16] =	ssyncadd.s32 $0xFFFFF980  }
0x3e: {  	v0 =	vld [tilespmem:s1+$0x0]  }
0x3f: {  	v1 =	vld [tilespmem:s1+$0x10]  }
0x40: {  	v3 =	vld [tilespmem:s1+$0x20]  }
0x41: {  	v6 =	vld [tilespmem:s1+$0xFFFFFFC0]  }
0x42: {  	v7 =	vld [tilespmem:s1+$0xFFFFFFD0];
	_ =	sdelay $0x1  }
0x43: {  	v2 =	vimm.f32 $0.0e+00;
	v13 =	vimm.f32 $0.0e+00;
	v8 =	vimm.f32 $0.0e+00  }
0x44: {  	v14 =	vld [tilespmem:s1+$0xFFFFFFE0];
	v4 =	vunpack.i.u.bf16.f32 v0;
	v12 =	vunpack.i.l.bf16.f32 v0;
	v5 =	vunpack.i.u.bf16.f32 v1  }
0x45: {  	v11 =	vunpack.i.l.bf16.f32 v1;
	v0 =	vunpack.i.u.bf16.f32 v3;
	v1 =	vunpack.i.l.bf16.f32 v3  }
0x46: {  	v9 =	vld [tilespmem:s1+$0xFFFFFFF0];
	v3 =	vunpack.i.u.bf16.f32 v6;
	v6 =	vunpack.i.l.bf16.f32 v6;
	v17 =	vunpack.i.u.bf16.f32 v7  }
0x47: {  	v18 =	vunpack.i.l.bf16.f32 v7;
	v7 =	vimm.f32 $0.0e+00;
	v15 =	vadd.f32 v6, v2  }
0x48: {  	s11 =	simm.s32 $0x0;
	s12 =	simm.s32 $0x80C0;
	v10 =	vld [tilespmem:s1+$0x30];
	v16 =	vadd.f32 v3, v2;
	v3 =	vimm.f32 $0.0e+00;
	v6 =	vimm.f32 $0.0e+00  }
.LBB2_3:
0x49: {  	v19 =	vld [tilespmem:s12+$0x0];
	v2 =	vadd.f32 v18, v2;
	v13 =	vadd.f32 v17, v13;
	v17 =	vunpack.i.u.bf16.f32 v14  }
0x4a: {  	v14 =	vunpack.i.l.bf16.f32 v14;
	v18 =	vld [tilespmem:s12+$0x10];
	v15 =	vadd.f32 v12, v15;
	v16 =	vadd.f32 v4, v16  }
0x4b: {  	v20 =	vld [tilespmem:s12+$0x20];
	v4 =	vunpack.i.u.bf16.f32 v9;
	v2 =	vadd.f32 v11, v2;
	v13 =	vadd.f32 v5, v13  }
0x4c: {  	v3 =	vadd.f32 v14, v3;
	v5 =	vadd.f32 v17, v8;
	v8 =	vunpack.i.l.bf16.f32 v9;
	v21 =	vld [tilespmem:s12+$0xFFFFFFC0]  }
0x4d: {  	s11 =	sadd.s32 $0x2, s11;
	v6 =	vadd.f32 v8, v6;
	v4 =	vadd.f32 v4, v7;
	v22 =	vld [tilespmem:s12+$0xFFFFFFD0];
	v7 =	vunpack.i.u.bf16.f32 v10  }
0x4e: {  	p0 =	slt.u32 s11, $0x18;
	v3 =	vadd.f32 v1, v3;
	v8 =	vadd.f32 v0, v5;
	v0 =	vunpack.i.l.bf16.f32 v10  }
.Ltmp2:
0x4f: {  	v6 =	vadd.f32 v0, v6;
	v7 =	vadd.f32 v7, v4;
	v14 =	vld [tilespmem:s12+$0xFFFFFFE0];
	(pc) =	sbr.rel @p0 .LBB2_3-.Ltmp2, $4  }
0x50: {  	v4 =	vunpack.i.u.bf16.f32 v19;
	v12 =	vunpack.i.l.bf16.f32 v19;
	v5 =	vunpack.i.u.bf16.f32 v18  }
0x51: {  	v11 =	vunpack.i.l.bf16.f32 v18;
	v0 =	vunpack.i.u.bf16.f32 v20;
	v1 =	vunpack.i.l.bf16.f32 v20;
	v9 =	vld [tilespmem:s12+$0xFFFFFFF0]  }
0x52: {  	v10 =	vunpack.i.u.bf16.f32 v21;
	v18 =	vunpack.i.l.bf16.f32 v21;
	v17 =	vunpack.i.u.bf16.f32 v22  }
0x53: {  	v15 =	vadd.f32 v18, v15;
	v16 =	vadd.f32 v10, v16;
	v18 =	vunpack.i.l.bf16.f32 v22;
	v10 =	vld [tilespmem:s12+$0x30];
	s12 =	sadd.s32 $0x80, s12  }
0x54: {  	s11 =	sshll.u32 s10, $0xB;
	p0 =	seq.s32 s10, $0x3F  }
0x55: {  	s12 =	sshrl.u32 @!p0 s11, $0x2  }
0x56: {  	s13 =	simm.s32 @!p0 $0x1A;
	s14 =	simm.s32 @!p0 $0x8000;
	s1 =	sadd.s32 @!p0 $0x200, s12  }
0x57: {  	[tilespmem:s14], [sflag:$0x1] =	stream.indirect.gather @!p0 [hbm4b:s3+s13], $0x40, s1, s13, $0xb8;
	[tilespmem:$0x12800] =	vst v63  }
0x58: {  	_ =	swait.ge [sflag:s17], $0x680  }
0x59: {  	[sflag:s17] =	ssyncset.done $0x0  }
0x5a: {  	s14 =	simm.s32 $0x86F0;
	[sflag:s17] =	ssyncadd.s32 $0xFFFFF980  }
0x5b: {  	v2 =	vadd.f32 v18, v2;
	v13 =	vadd.f32 v17, v13;
	v17 =	vunpack.i.u.bf16.f32 v14;
	v18 =	vld [tilespmem:s14+$0xFFFFFFD0]  }
0x5c: {  	v14 =	vunpack.i.l.bf16.f32 v14;
	v15 =	vadd.f32 v12, v15;
	v16 =	vadd.f32 v4, v16;
	v12 =	vld [tilespmem:s14+$0xFFFFFFE0]  }
0x5d: {  	v19 =	vunpack.i.u.bf16.f32 v9;
	v4 =	vadd.f32 v11, v2;
	v5 =	vadd.f32 v5, v13;
	v20 =	vld [tilespmem:s14+$0xFFFFFFF0]  }
0x5e: {  	v2 =	vadd.f32 v14, v3;
	v3 =	vadd.f32 v17, v8;
	v8 =	vunpack.i.l.bf16.f32 v9;
	v17 =	vld [tilespmem:s14+$0xFFFFFF90]  }
0x5f: {  	v6 =	vadd.f32 v8, v6;
	v7 =	vadd.f32 v19, v7;
	v8 =	vunpack.i.u.bf16.f32 v10;
	v19 =	vld [tilespmem:s14+$0xFFFFFFA0]  }
0x60: {  	v2 =	vadd.f32 v1, v2;
	v3 =	vadd.f32 v0, v3;
	v0 =	vunpack.i.l.bf16.f32 v10  }
0x61: {  	v0 =	vadd.f32 v0, v6;
	v1 =	vadd.f32 v8, v7;
	v13 =	vld [tilespmem:s14+$0xFFFFFFB0]  }
0x62: {  	v11 =	vunpack.i.u.bf16.f32 v18;
	v14 =	vunpack.i.l.bf16.f32 v18;
	v9 =	vunpack.i.u.bf16.f32 v12  }
0x63: {  	v8 =	vld [tilespmem:s14+$0xFFFFFFC0];
	v12 =	vunpack.i.l.bf16.f32 v12;
	v6 =	vunpack.i.u.bf16.f32 v20;
	v7 =	vunpack.i.l.bf16.f32 v20  }
0x64: {  	v10 =	vunpack.i.u.bf16.f32 v17;
	v18 =	vunpack.i.l.bf16.f32 v17;
	v17 =	vunpack.i.u.bf16.f32 v19  }
0x65: {  	s13 =	simm.s32 $0x0;
	s1 =	simm.s32 $0x8770;
	v15 =	vadd.f32 v18, v15;
	v16 =	vadd.f32 v10, v16;
	v18 =	vunpack.i.l.bf16.f32 v19;
	v10 =	vld [tilespmem:s14+$0x0]  }
.LBB2_5:
0x66: {  	v19 =	vld [tilespmem:s1+$0xFFFFFFD0];
	v4 =	vadd.f32 v18, v4;
	v5 =	vadd.f32 v17, v5;
	v17 =	vunpack.i.u.bf16.f32 v13  }
0x67: {  	v13 =	vunpack.i.l.bf16.f32 v13;
	v18 =	vld [tilespmem:s1+$0xFFFFFFE0];
	v15 =	vadd.f32 v14, v15;
	v16 =	vadd.f32 v11, v16  }
0x68: {  	v20 =	vld [tilespmem:s1+$0xFFFFFFF0];
	v11 =	vunpack.i.u.bf16.f32 v8;
	v4 =	vadd.f32 v12, v4;
	v5 =	vadd.f32 v9, v5  }
0x69: {  	v2 =	vadd.f32 v13, v2;
	v3 =	vadd.f32 v17, v3;
	v8 =	vunpack.i.l.bf16.f32 v8;
	v21 =	vld [tilespmem:s1+$0xFFFFFF90]  }
0x6a: {  	s13 =	sadd.s32 $0x2, s13;
	v0 =	vadd.f32 v8, v0;
	v1 =	vadd.f32 v11, v1;
	v22 =	vld [tilespmem:s1+$0xFFFFFFA0];
	v8 =	vunpack.i.u.bf16.f32 v10  }
0x6b: {  	p1 =	slt.u32 s13, $0x18;
	v2 =	vadd.f32 v7, v2;
	v3 =	vadd.f32 v6, v3;
	v6 =	vunpack.i.l.bf16.f32 v10  }
.Ltmp3:
0x6c: {  	v0 =	vadd.f32 v6, v0;
	v1 =	vadd.f32 v8, v1;
	v13 =	vld [tilespmem:s1+$0xFFFFFFB0];
	(pc) =	sbr.rel @p1 .LBB2_5-.Ltmp3, $4  }
0x6d: {  	v11 =	vunpack.i.u.bf16.f32 v19;
	v14 =	vunpack.i.l.bf16.f32 v19;
	v9 =	vunpack.i.u.bf16.f32 v18  }
0x6e: {  	v12 =	vunpack.i.l.bf16.f32 v18;
	v6 =	vunpack.i.u.bf16.f32 v20;
	v7 =	vunpack.i.l.bf16.f32 v20;
	v8 =	vld [tilespmem:s1+$0xFFFFFFC0]  }
0x6f: {  	v10 =	vunpack.i.u.bf16.f32 v21;
	v18 =	vunpack.i.l.bf16.f32 v21;
	v17 =	vunpack.i.u.bf16.f32 v22  }
0x70: {  	v15 =	vadd.f32 v18, v15;
	v16 =	vadd.f32 v10, v16;
	v18 =	vunpack.i.l.bf16.f32 v22;
	v10 =	vld [tilespmem:s1+$0x0];
	s1 =	sadd.s32 $0x80, s1  }
0x71: {  	s1 =	sadd.s32 @!p0 $0x220, s12;
	s13 =	simm.s32 @!p0 $0x1A;
	s14 =	simm.s32 @!p0 $0x8680  }
0x72: {  	[tilespmem:s14], [sflag:$0x2] =	stream.indirect.gather @!p0 [hbm4b:s3+s13], $0x40, s1, s13, $0xb8;
	[tilespmem:$0x12800] =	vst v63  }
0x73: {  	_ =	swait.ge [sflag:s18], $0x680  }
0x74: {  	[sflag:s18] =	ssyncset.done $0x0  }
0x75: {  	v4 =	vadd.f32 v18, v4;
	v5 =	vadd.f32 v17, v5;
	v17 =	vunpack.i.u.bf16.f32 v13;
	s14 =	simm.s32 $0x8D70;
	[sflag:s18] =	ssyncadd.s32 $0xFFFFF980  }
0x76: {  	v13 =	vunpack.i.l.bf16.f32 v13;
	v15 =	vadd.f32 v14, v15;
	v16 =	vadd.f32 v11, v16;
	v18 =	vld [tilespmem:s14+$0xFFFFFFD0]  }
0x77: {  	v2 =	vadd.f32 v13, v2;
	v3 =	vadd.f32 v17, v3;
	v19 =	vld [tilespmem:s14+$0xFFFFFFE0]  }
0x78: {  	v11 =	vunpack.i.u.bf16.f32 v8;
	v4 =	vadd.f32 v12, v4;
	v8 =	vunpack.i.l.bf16.f32 v8;
	v20 =	vld [tilespmem:s14+$0xFFFFFFF0]  }
0x79: {  	v5 =	vadd.f32 v9, v5;
	v0 =	vadd.f32 v8, v0;
	v17 =	vld [tilespmem:s14+$0xFFFFFF90]  }
0x7a: {  	v1 =	vadd.f32 v11, v1;
	v2 =	vadd.f32 v7, v2;
	v21 =	vld [tilespmem:s14+$0xFFFFFFA0]  }
0x7b: {  	v3 =	vadd.f32 v6, v3;
	v8 =	vunpack.i.u.bf16.f32 v10;
	v6 =	vunpack.i.l.bf16.f32 v10  }
0x7c: {  	v0 =	vadd.f32 v6, v0;
	v1 =	vadd.f32 v8, v1;
	v13 =	vld [tilespmem:s14+$0xFFFFFFB0]  }
0x7d: {  	v11 =	vunpack.i.u.bf16.f32 v18;
	v14 =	vunpack.i.l.bf16.f32 v18;
	v9 =	vunpack.i.u.bf16.f32 v19  }
0x7e: {  	v8 =	vld [tilespmem:s14+$0xFFFFFFC0];
	v12 =	vunpack.i.l.bf16.f32 v19;
	v6 =	vunpack.i.u.bf16.f32 v20;
	v7 =	vunpack.i.l.bf16.f32 v20  }
0x7f: {  	v10 =	vunpack.i.u.bf16.f32 v17;
	v18 =	vunpack.i.l.bf16.f32 v17;
	v17 =	vunpack.i.u.bf16.f32 v21  }
0x80: {  	s13 =	simm.s32 $0x0;
	s1 =	simm.s32 $0x8DF0;
	v15 =	vadd.f32 v18, v15;
	v16 =	vadd.f32 v10, v16;
	v18 =	vunpack.i.l.bf16.f32 v21;
	v10 =	vld [tilespmem:s14+$0x0]  }
.LBB2_7:
0x81: {  	v19 =	vld [tilespmem:s1+$0xFFFFFFD0];
	v4 =	vadd.f32 v18, v4;
	v5 =	vadd.f32 v17, v5;
	v17 =	vunpack.i.u.bf16.f32 v13  }
0x82: {  	v13 =	vunpack.i.l.bf16.f32 v13;
	v18 =	vld [tilespmem:s1+$0xFFFFFFE0];
	v15 =	vadd.f32 v14, v15;
	v16 =	vadd.f32 v11, v16  }
0x83: {  	v20 =	vld [tilespmem:s1+$0xFFFFFFF0];
	v11 =	vunpack.i.u.bf16.f32 v8;
	v4 =	vadd.f32 v12, v4;
	v5 =	vadd.f32 v9, v5  }
0x84: {  	v2 =	vadd.f32 v13, v2;
	v3 =	vadd.f32 v17, v3;
	v8 =	vunpack.i.l.bf16.f32 v8;
	v21 =	vld [tilespmem:s1+$0xFFFFFF90]  }
0x85: {  	s13 =	sadd.s32 $0x2, s13;
	v0 =	vadd.f32 v8, v0;
	v1 =	vadd.f32 v11, v1;
	v22 =	vld [tilespmem:s1+$0xFFFFFFA0];
	v8 =	vunpack.i.u.bf16.f32 v10  }
0x86: {  	p1 =	slt.u32 s13, $0x18;
	v2 =	vadd.f32 v7, v2;
	v3 =	vadd.f32 v6, v3;
	v6 =	vunpack.i.l.bf16.f32 v10  }
.Ltmp4:
0x87: {  	v0 =	vadd.f32 v6, v0;
	v1 =	vadd.f32 v8, v1;
	v13 =	vld [tilespmem:s1+$0xFFFFFFB0];
	(pc) =	sbr.rel @p1 .LBB2_7-.Ltmp4, $4  }
0x88: {  	v11 =	vunpack.i.u.bf16.f32 v19;
	v14 =	vunpack.i.l.bf16.f32 v19;
	v9 =	vunpack.i.u.bf16.f32 v18  }
0x89: {  	v12 =	vunpack.i.l.bf16.f32 v18;
	v6 =	vunpack.i.u.bf16.f32 v20;
	v7 =	vunpack.i.l.bf16.f32 v20;
	v8 =	vld [tilespmem:s1+$0xFFFFFFC0]  }
0x8a: {  	v10 =	vunpack.i.u.bf16.f32 v21;
	v18 =	vunpack.i.l.bf16.f32 v21;
	v17 =	vunpack.i.u.bf16.f32 v22  }
0x8b: {  	v15 =	vadd.f32 v18, v15;
	v16 =	vadd.f32 v10, v16;
	v18 =	vunpack.i.l.bf16.f32 v22;
	v10 =	vld [tilespmem:s1+$0x0];
	s1 =	sadd.s32 $0x80, s1  }
0x8c: {  	s1 =	sadd.s32 @!p0 $0x240, s12;
	s13 =	simm.s32 @!p0 $0x1A;
	s14 =	simm.s32 @!p0 $0x8D00  }
0x8d: {  	[tilespmem:s14], [sflag:$0x3] =	stream.indirect.gather @!p0 [hbm4b:s3+s13], $0x40, s1, s13, $0xb8;
	[tilespmem:$0x12800] =	vst v63  }
0x8e: {  	_ =	swait.ge [sflag:s19], $0x680  }
0x8f: {  	[sflag:s19] =	ssyncset.done $0x0  }
0x90: {  	v4 =	vadd.f32 v18, v4;
	v5 =	vadd.f32 v17, v5;
	v17 =	vunpack.i.u.bf16.f32 v13;
	s14 =	simm.s32 $0x93F0;
	[sflag:s19] =	ssyncadd.s32 $0xFFFFF980  }
0x91: {  	v13 =	vunpack.i.l.bf16.f32 v13;
	v15 =	vadd.f32 v14, v15;
	v16 =	vadd.f32 v11, v16;
	v18 =	vld [tilespmem:s14+$0xFFFFFFD0]  }
0x92: {  	v2 =	vadd.f32 v13, v2;
	v3 =	vadd.f32 v17, v3;
	v19 =	vld [tilespmem:s14+$0xFFFFFFE0]  }
0x93: {  	v11 =	vunpack.i.u.bf16.f32 v8;
	v4 =	vadd.f32 v12, v4;
	v8 =	vunpack.i.l.bf16.f32 v8;
	v20 =	vld [tilespmem:s14+$0xFFFFFFF0]  }
0x94: {  	v5 =	vadd.f32 v9, v5;
	v0 =	vadd.f32 v8, v0;
	v17 =	vld [tilespmem:s14+$0xFFFFFF90]  }
0x95: {  	v1 =	vadd.f32 v11, v1;
	v2 =	vadd.f32 v7, v2;
	v21 =	vld [tilespmem:s14+$0xFFFFFFA0]  }
0x96: {  	v3 =	vadd.f32 v6, v3;
	v8 =	vunpack.i.u.bf16.f32 v10;
	v6 =	vunpack.i.l.bf16.f32 v10  }
0x97: {  	v0 =	vadd.f32 v6, v0;
	v1 =	vadd.f32 v8, v1;
	v13 =	vld [tilespmem:s14+$0xFFFFFFB0]  }
0x98: {  	v11 =	vunpack.i.u.bf16.f32 v18;
	v14 =	vunpack.i.l.bf16.f32 v18;
	v9 =	vunpack.i.u.bf16.f32 v19  }
0x99: {  	v8 =	vld [tilespmem:s14+$0xFFFFFFC0];
	v12 =	vunpack.i.l.bf16.f32 v19;
	v6 =	vunpack.i.u.bf16.f32 v20;
	v7 =	vunpack.i.l.bf16.f32 v20  }
0x9a: {  	v10 =	vunpack.i.u.bf16.f32 v17;
	v18 =	vunpack.i.l.bf16.f32 v17;
	v17 =	vunpack.i.u.bf16.f32 v21  }
0x9b: {  	s13 =	simm.s32 $0x0;
	s1 =	simm.s32 $0x9470;
	v15 =	vadd.f32 v18, v15;
	v16 =	vadd.f32 v10, v16;
	v18 =	vunpack.i.l.bf16.f32 v21;
	v10 =	vld [tilespmem:s14+$0x0]  }
.LBB2_9:
0x9c: {  	v19 =	vld [tilespmem:s1+$0xFFFFFFD0];
	v4 =	vadd.f32 v18, v4;
	v5 =	vadd.f32 v17, v5;
	v17 =	vunpack.i.u.bf16.f32 v13  }
0x9d: {  	v13 =	vunpack.i.l.bf16.f32 v13;
	v18 =	vld [tilespmem:s1+$0xFFFFFFE0];
	v15 =	vadd.f32 v14, v15;
	v16 =	vadd.f32 v11, v16  }
0x9e: {  	v20 =	vld [tilespmem:s1+$0xFFFFFFF0];
	v11 =	vunpack.i.u.bf16.f32 v8;
	v4 =	vadd.f32 v12, v4;
	v5 =	vadd.f32 v9, v5  }
0x9f: {  	v2 =	vadd.f32 v13, v2;
	v3 =	vadd.f32 v17, v3;
	v8 =	vunpack.i.l.bf16.f32 v8;
	v21 =	vld [tilespmem:s1+$0xFFFFFF90]  }
0xa0: {  	s13 =	sadd.s32 $0x2, s13;
	v0 =	vadd.f32 v8, v0;
	v1 =	vadd.f32 v11, v1;
	v22 =	vld [tilespmem:s1+$0xFFFFFFA0];
	v8 =	vunpack.i.u.bf16.f32 v10  }
0xa1: {  	p1 =	slt.u32 s13, $0x18;
	v2 =	vadd.f32 v7, v2;
	v3 =	vadd.f32 v6, v3;
	v6 =	vunpack.i.l.bf16.f32 v10  }
.Ltmp5:
0xa2: {  	v0 =	vadd.f32 v6, v0;
	v1 =	vadd.f32 v8, v1;
	v13 =	vld [tilespmem:s1+$0xFFFFFFB0];
	(pc) =	sbr.rel @p1 .LBB2_9-.Ltmp5, $4  }
0xa3: {  	v11 =	vunpack.i.u.bf16.f32 v19;
	v14 =	vunpack.i.l.bf16.f32 v19;
	v9 =	vunpack.i.u.bf16.f32 v18  }
0xa4: {  	v12 =	vunpack.i.l.bf16.f32 v18;
	v6 =	vunpack.i.u.bf16.f32 v20;
	v7 =	vunpack.i.l.bf16.f32 v20;
	v8 =	vld [tilespmem:s1+$0xFFFFFFC0]  }
0xa5: {  	v10 =	vunpack.i.u.bf16.f32 v21;
	v18 =	vunpack.i.l.bf16.f32 v21;
	v17 =	vunpack.i.u.bf16.f32 v22  }
0xa6: {  	v15 =	vadd.f32 v18, v15;
	v16 =	vadd.f32 v10, v16;
	v18 =	vunpack.i.l.bf16.f32 v22;
	v10 =	vld [tilespmem:s1+$0x0];
	s1 =	sadd.s32 $0x80, s1  }
0xa7: {  	s1 =	sadd.s32 @!p0 $0x260, s12;
	s13 =	simm.s32 @!p0 $0x1A;
	s14 =	simm.s32 @!p0 $0x9380  }
0xa8: {  	[tilespmem:s14], [sflag:$0x4] =	stream.indirect.gather @!p0 [hbm4b:s3+s13], $0x40, s1, s13, $0xb8;
	[tilespmem:$0x12800] =	vst v63  }
0xa9: {  	_ =	swait.ge [sflag:s20], $0x680  }
0xaa: {  	[sflag:s20] =	ssyncset.done $0x0  }
0xab: {  	v4 =	vadd.f32 v18, v4;
	v5 =	vadd.f32 v17, v5;
	v17 =	vunpack.i.u.bf16.f32 v13;
	s14 =	simm.s32 $0x9A70;
	[sflag:s20] =	ssyncadd.s32 $0xFFFFF980  }
0xac: {  	v13 =	vunpack.i.l.bf16.f32 v13;
	v15 =	vadd.f32 v14, v15;
	v16 =	vadd.f32 v11, v16;
	v18 =	vld [tilespmem:s14+$0xFFFFFFD0]  }
0xad: {  	v2 =	vadd.f32 v13, v2;
	v3 =	vadd.f32 v17, v3;
	v19 =	vld [tilespmem:s14+$0xFFFFFFE0]  }
0xae: {  	v11 =	vunpack.i.u.bf16.f32 v8;
	v4 =	vadd.f32 v12, v4;
	v8 =	vunpack.i.l.bf16.f32 v8;
	v20 =	vld [tilespmem:s14+$0xFFFFFFF0]  }
0xaf: {  	v5 =	vadd.f32 v9, v5;
	v0 =	vadd.f32 v8, v0;
	v17 =	vld [tilespmem:s14+$0xFFFFFF90]  }
0xb0: {  	v1 =	vadd.f32 v11, v1;
	v2 =	vadd.f32 v7, v2;
	v21 =	vld [tilespmem:s14+$0xFFFFFFA0]  }
0xb1: {  	v3 =	vadd.f32 v6, v3;
	v8 =	vunpack.i.u.bf16.f32 v10;
	v6 =	vunpack.i.l.bf16.f32 v10  }
0xb2: {  	v0 =	vadd.f32 v6, v0;
	v1 =	vadd.f32 v8, v1;
	v13 =	vld [tilespmem:s14+$0xFFFFFFB0]  }
0xb3: {  	v11 =	vunpack.i.u.bf16.f32 v18;
	v14 =	vunpack.i.l.bf16.f32 v18;
	v9 =	vunpack.i.u.bf16.f32 v19  }
0xb4: {  	v8 =	vld [tilespmem:s14+$0xFFFFFFC0];
	v12 =	vunpack.i.l.bf16.f32 v19;
	v6 =	vunpack.i.u.bf16.f32 v20;
	v7 =	vunpack.i.l.bf16.f32 v20  }
0xb5: {  	v10 =	vunpack.i.u.bf16.f32 v17;
	v18 =	vunpack.i.l.bf16.f32 v17;
	v17 =	vunpack.i.u.bf16.f32 v21  }
0xb6: {  	s13 =	simm.s32 $0x0;
	s1 =	simm.s32 $0x9AF0;
	v15 =	vadd.f32 v18, v15;
	v16 =	vadd.f32 v10, v16;
	v18 =	vunpack.i.l.bf16.f32 v21;
	v10 =	vld [tilespmem:s14+$0x0]  }
.LBB2_11:
0xb7: {  	v19 =	vld [tilespmem:s1+$0xFFFFFFD0];
	v4 =	vadd.f32 v18, v4;
	v5 =	vadd.f32 v17, v5;
	v17 =	vunpack.i.u.bf16.f32 v13  }
0xb8: {  	v13 =	vunpack.i.l.bf16.f32 v13;
	v18 =	vld [tilespmem:s1+$0xFFFFFFE0];
	v15 =	vadd.f32 v14, v15;
	v16 =	vadd.f32 v11, v16  }
0xb9: {  	v20 =	vld [tilespmem:s1+$0xFFFFFFF0];
	v11 =	vunpack.i.u.bf16.f32 v8;
	v4 =	vadd.f32 v12, v4;
	v5 =	vadd.f32 v9, v5  }
0xba: {  	v2 =	vadd.f32 v13, v2;
	v3 =	vadd.f32 v17, v3;
	v8 =	vunpack.i.l.bf16.f32 v8;
	v21 =	vld [tilespmem:s1+$0xFFFFFF90]  }
0xbb: {  	s13 =	sadd.s32 $0x2, s13;
	v0 =	vadd.f32 v8, v0;
	v1 =	vadd.f32 v11, v1;
	v22 =	vld [tilespmem:s1+$0xFFFFFFA0];
	v8 =	vunpack.i.u.bf16.f32 v10  }
0xbc: {  	p1 =	slt.u32 s13, $0x18;
	v2 =	vadd.f32 v7, v2;
	v3 =	vadd.f32 v6, v3;
	v6 =	vunpack.i.l.bf16.f32 v10  }
.Ltmp6:
0xbd: {  	v0 =	vadd.f32 v6, v0;
	v1 =	vadd.f32 v8, v1;
	v13 =	vld [tilespmem:s1+$0xFFFFFFB0];
	(pc) =	sbr.rel @p1 .LBB2_11-.Ltmp6, $4  }
0xbe: {  	v11 =	vunpack.i.u.bf16.f32 v19;
	v14 =	vunpack.i.l.bf16.f32 v19;
	v9 =	vunpack.i.u.bf16.f32 v18  }
0xbf: {  	v12 =	vunpack.i.l.bf16.f32 v18;
	v6 =	vunpack.i.u.bf16.f32 v20;
	v7 =	vunpack.i.l.bf16.f32 v20;
	v8 =	vld [tilespmem:s1+$0xFFFFFFC0]  }
0xc0: {  	v10 =	vunpack.i.u.bf16.f32 v21;
	v18 =	vunpack.i.l.bf16.f32 v21;
	v17 =	vunpack.i.u.bf16.f32 v22  }
0xc1: {  	v15 =	vadd.f32 v18, v15;
	v16 =	vadd.f32 v10, v16;
	v18 =	vunpack.i.l.bf16.f32 v22;
	v10 =	vld [tilespmem:s1+$0x0];
	s1 =	sadd.s32 $0x80, s1  }
0xc2: {  	s1 =	sadd.s32 @!p0 $0x280, s12;
	s13 =	simm.s32 @!p0 $0x1A;
	s14 =	simm.s32 @!p0 $0x9A00  }
0xc3: {  	[tilespmem:s14], [sflag:$0x5] =	stream.indirect.gather @!p0 [hbm4b:s3+s13], $0x40, s1, s13, $0xb8;
	[tilespmem:$0x12800] =	vst v63  }
0xc4: {  	_ =	swait.ge [sflag:s21], $0x680  }
0xc5: {  	[sflag:s21] =	ssyncset.done $0x0  }
0xc6: {  	v4 =	vadd.f32 v18, v4;
	v5 =	vadd.f32 v17, v5;
	v17 =	vunpack.i.u.bf16.f32 v13;
	s14 =	simm.s32 $0xA0F0;
	[sflag:s21] =	ssyncadd.s32 $0xFFFFF980  }
0xc7: {  	v13 =	vunpack.i.l.bf16.f32 v13;
	v15 =	vadd.f32 v14, v15;
	v16 =	vadd.f32 v11, v16;
	v18 =	vld [tilespmem:s14+$0xFFFFFFD0]  }
0xc8: {  	v2 =	vadd.f32 v13, v2;
	v3 =	vadd.f32 v17, v3;
	v19 =	vld [tilespmem:s14+$0xFFFFFFE0]  }
0xc9: {  	v11 =	vunpack.i.u.bf16.f32 v8;
	v4 =	vadd.f32 v12, v4;
	v8 =	vunpack.i.l.bf16.f32 v8;
	v20 =	vld [tilespmem:s14+$0xFFFFFFF0]  }
0xca: {  	v5 =	vadd.f32 v9, v5;
	v0 =	vadd.f32 v8, v0;
	v17 =	vld [tilespmem:s14+$0xFFFFFF90]  }
0xcb: {  	v1 =	vadd.f32 v11, v1;
	v2 =	vadd.f32 v7, v2;
	v21 =	vld [tilespmem:s14+$0xFFFFFFA0]  }
0xcc: {  	v3 =	vadd.f32 v6, v3;
	v8 =	vunpack.i.u.bf16.f32 v10;
	v6 =	vunpack.i.l.bf16.f32 v10  }
0xcd: {  	v0 =	vadd.f32 v6, v0;
	v1 =	vadd.f32 v8, v1;
	v13 =	vld [tilespmem:s14+$0xFFFFFFB0]  }
0xce: {  	v11 =	vunpack.i.u.bf16.f32 v18;
	v14 =	vunpack.i.l.bf16.f32 v18;
	v9 =	vunpack.i.u.bf16.f32 v19  }
0xcf: {  	v8 =	vld [tilespmem:s14+$0xFFFFFFC0];
	v12 =	vunpack.i.l.bf16.f32 v19;
	v6 =	vunpack.i.u.bf16.f32 v20;
	v7 =	vunpack.i.l.bf16.f32 v20  }
0xd0: {  	v10 =	vunpack.i.u.bf16.f32 v17;
	v18 =	vunpack.i.l.bf16.f32 v17;
	v17 =	vunpack.i.u.bf16.f32 v21  }
0xd1: {  	s13 =	simm.s32 $0x0;
	s1 =	simm.s32 $0xA170;
	v15 =	vadd.f32 v18, v15;
	v16 =	vadd.f32 v10, v16;
	v18 =	vunpack.i.l.bf16.f32 v21;
	v10 =	vld [tilespmem:s14+$0x0]  }
.LBB2_13:
0xd2: {  	v19 =	vld [tilespmem:s1+$0xFFFFFFD0];
	v4 =	vadd.f32 v18, v4;
	v5 =	vadd.f32 v17, v5;
	v17 =	vunpack.i.u.bf16.f32 v13  }
0xd3: {  	v13 =	vunpack.i.l.bf16.f32 v13;
	v18 =	vld [tilespmem:s1+$0xFFFFFFE0];
	v15 =	vadd.f32 v14, v15;
	v16 =	vadd.f32 v11, v16  }
0xd4: {  	v20 =	vld [tilespmem:s1+$0xFFFFFFF0];
	v11 =	vunpack.i.u.bf16.f32 v8;
	v4 =	vadd.f32 v12, v4;
	v5 =	vadd.f32 v9, v5  }
0xd5: {  	v2 =	vadd.f32 v13, v2;
	v3 =	vadd.f32 v17, v3;
	v8 =	vunpack.i.l.bf16.f32 v8;
	v21 =	vld [tilespmem:s1+$0xFFFFFF90]  }
0xd6: {  	s13 =	sadd.s32 $0x2, s13;
	v0 =	vadd.f32 v8, v0;
	v1 =	vadd.f32 v11, v1;
	v22 =	vld [tilespmem:s1+$0xFFFFFFA0];
	v8 =	vunpack.i.u.bf16.f32 v10  }
0xd7: {  	p1 =	slt.u32 s13, $0x18;
	v2 =	vadd.f32 v7, v2;
	v3 =	vadd.f32 v6, v3;
	v6 =	vunpack.i.l.bf16.f32 v10  }
.Ltmp7:
0xd8: {  	v0 =	vadd.f32 v6, v0;
	v1 =	vadd.f32 v8, v1;
	v13 =	vld [tilespmem:s1+$0xFFFFFFB0];
	(pc) =	sbr.rel @p1 .LBB2_13-.Ltmp7, $4  }
0xd9: {  	v11 =	vunpack.i.u.bf16.f32 v19;
	v14 =	vunpack.i.l.bf16.f32 v19;
	v9 =	vunpack.i.u.bf16.f32 v18  }
0xda: {  	v12 =	vunpack.i.l.bf16.f32 v18;
	v6 =	vunpack.i.u.bf16.f32 v20;
	v7 =	vunpack.i.l.bf16.f32 v20;
	v8 =	vld [tilespmem:s1+$0xFFFFFFC0]  }
0xdb: {  	v10 =	vunpack.i.u.bf16.f32 v21;
	v18 =	vunpack.i.l.bf16.f32 v21;
	v17 =	vunpack.i.u.bf16.f32 v22  }
0xdc: {  	v15 =	vadd.f32 v18, v15;
	v16 =	vadd.f32 v10, v16;
	v18 =	vunpack.i.l.bf16.f32 v22;
	v10 =	vld [tilespmem:s1+$0x0];
	s1 =	sadd.s32 $0x80, s1  }
0xdd: {  	s1 =	sadd.s32 @!p0 $0x2A0, s12;
	s13 =	simm.s32 @!p0 $0x1A;
	s14 =	simm.s32 @!p0 $0xA080  }
0xde: {  	[tilespmem:s14], [sflag:$0x6] =	stream.indirect.gather @!p0 [hbm4b:s3+s13], $0x40, s1, s13, $0xb8;
	[tilespmem:$0x12800] =	vst v63  }
0xdf: {  	_ =	swait.ge [sflag:s22], $0x680  }
0xe0: {  	[sflag:s22] =	ssyncset.done $0x0  }
0xe1: {  	v4 =	vadd.f32 v18, v4;
	v5 =	vadd.f32 v17, v5;
	v17 =	vunpack.i.u.bf16.f32 v13;
	s14 =	simm.s32 $0xA770;
	[sflag:s22] =	ssyncadd.s32 $0xFFFFF980  }
0xe2: {  	v13 =	vunpack.i.l.bf16.f32 v13;
	v15 =	vadd.f32 v14, v15;
	v16 =	vadd.f32 v11, v16;
	v18 =	vld [tilespmem:s14+$0xFFFFFFD0]  }
0xe3: {  	v2 =	vadd.f32 v13, v2;
	v3 =	vadd.f32 v17, v3;
	v19 =	vld [tilespmem:s14+$0xFFFFFFE0]  }
0xe4: {  	v11 =	vunpack.i.u.bf16.f32 v8;
	v4 =	vadd.f32 v12, v4;
	v8 =	vunpack.i.l.bf16.f32 v8;
	v20 =	vld [tilespmem:s14+$0xFFFFFFF0]  }
0xe5: {  	v5 =	vadd.f32 v9, v5;
	v0 =	vadd.f32 v8, v0;
	v17 =	vld [tilespmem:s14+$0xFFFFFF90]  }
0xe6: {  	v1 =	vadd.f32 v11, v1;
	v2 =	vadd.f32 v7, v2;
	v21 =	vld [tilespmem:s14+$0xFFFFFFA0]  }
0xe7: {  	v3 =	vadd.f32 v6, v3;
	v8 =	vunpack.i.u.bf16.f32 v10;
	v6 =	vunpack.i.l.bf16.f32 v10  }
0xe8: {  	v0 =	vadd.f32 v6, v0;
	v1 =	vadd.f32 v8, v1;
	v13 =	vld [tilespmem:s14+$0xFFFFFFB0]  }
0xe9: {  	v11 =	vunpack.i.u.bf16.f32 v18;
	v14 =	vunpack.i.l.bf16.f32 v18;
	v9 =	vunpack.i.u.bf16.f32 v19  }
0xea: {  	v8 =	vld [tilespmem:s14+$0xFFFFFFC0];
	v12 =	vunpack.i.l.bf16.f32 v19;
	v6 =	vunpack.i.u.bf16.f32 v20;
	v7 =	vunpack.i.l.bf16.f32 v20  }
0xeb: {  	v10 =	vunpack.i.u.bf16.f32 v17;
	v18 =	vunpack.i.l.bf16.f32 v17;
	v17 =	vunpack.i.u.bf16.f32 v21  }
0xec: {  	s13 =	simm.s32 $0x0;
	s1 =	simm.s32 $0xA7F0;
	v15 =	vadd.f32 v18, v15;
	v16 =	vadd.f32 v10, v16;
	v18 =	vunpack.i.l.bf16.f32 v21;
	v10 =	vld [tilespmem:s14+$0x0]  }
.LBB2_15:
0xed: {  	v19 =	vld [tilespmem:s1+$0xFFFFFFD0];
	v4 =	vadd.f32 v18, v4;
	v5 =	vadd.f32 v17, v5;
	v17 =	vunpack.i.u.bf16.f32 v13  }
0xee: {  	v13 =	vunpack.i.l.bf16.f32 v13;
	v18 =	vld [tilespmem:s1+$0xFFFFFFE0];
	v15 =	vadd.f32 v14, v15;
	v16 =	vadd.f32 v11, v16  }
0xef: {  	v20 =	vld [tilespmem:s1+$0xFFFFFFF0];
	v11 =	vunpack.i.u.bf16.f32 v8;
	v4 =	vadd.f32 v12, v4;
	v5 =	vadd.f32 v9, v5  }
0xf0: {  	v2 =	vadd.f32 v13, v2;
	v3 =	vadd.f32 v17, v3;
	v8 =	vunpack.i.l.bf16.f32 v8;
	v21 =	vld [tilespmem:s1+$0xFFFFFF90]  }
0xf1: {  	s13 =	sadd.s32 $0x2, s13;
	v0 =	vadd.f32 v8, v0;
	v1 =	vadd.f32 v11, v1;
	v22 =	vld [tilespmem:s1+$0xFFFFFFA0];
	v8 =	vunpack.i.u.bf16.f32 v10  }
0xf2: {  	p1 =	slt.u32 s13, $0x18;
	v2 =	vadd.f32 v7, v2;
	v3 =	vadd.f32 v6, v3;
	v6 =	vunpack.i.l.bf16.f32 v10  }
.Ltmp8:
0xf3: {  	v0 =	vadd.f32 v6, v0;
	v1 =	vadd.f32 v8, v1;
	v13 =	vld [tilespmem:s1+$0xFFFFFFB0];
	(pc) =	sbr.rel @p1 .LBB2_15-.Ltmp8, $4  }
0xf4: {  	v11 =	vunpack.i.u.bf16.f32 v19;
	v14 =	vunpack.i.l.bf16.f32 v19;
	v9 =	vunpack.i.u.bf16.f32 v18  }
0xf5: {  	v12 =	vunpack.i.l.bf16.f32 v18;
	v6 =	vunpack.i.u.bf16.f32 v20;
	v7 =	vunpack.i.l.bf16.f32 v20;
	v8 =	vld [tilespmem:s1+$0xFFFFFFC0]  }
0xf6: {  	v10 =	vunpack.i.u.bf16.f32 v21;
	v18 =	vunpack.i.l.bf16.f32 v21;
	v17 =	vunpack.i.u.bf16.f32 v22  }
0xf7: {  	v15 =	vadd.f32 v18, v15;
	v16 =	vadd.f32 v10, v16;
	v18 =	vunpack.i.l.bf16.f32 v22;
	v10 =	vld [tilespmem:s1+$0x0];
	s1 =	sadd.s32 $0x80, s1  }
0xf8: {  	s1 =	sadd.s32 @!p0 $0x2C0, s12;
	s13 =	simm.s32 @!p0 $0x1A;
	s14 =	simm.s32 @!p0 $0xA700  }
0xf9: {  	[tilespmem:s14], [sflag:$0x7] =	stream.indirect.gather @!p0 [hbm4b:s3+s13], $0x40, s1, s13, $0xb8;
	[tilespmem:$0x12800] =	vst v63  }
0xfa: {  	_ =	swait.ge [sflag:s23], $0x680  }
0xfb: {  	[sflag:s23] =	ssyncset.done $0x0  }
0xfc: {  	v4 =	vadd.f32 v18, v4;
	v17 =	vadd.f32 v17, v5;
	s14 =	simm.s32 $0xADF0;
	[sflag:s23] =	ssyncadd.s32 $0xFFFFF980  }
0xfd: {  	v18 =	vunpack.i.u.bf16.f32 v13;
	v13 =	vunpack.i.l.bf16.f32 v13;
	v20 =	vadd.f32 v11, v16;
	v19 =	vld [tilespmem:s14+$0xFFFFFFD0]  }
0xfe: {  	v2 =	vadd.f32 v13, v2;
	v5 =	vadd.f32 v12, v4;
	v16 =	vld [tilespmem:s14+$0xFFFFFFE0]  }
0xff: {  	v4 =	vadd.f32 v9, v17;
	v9 =	vadd.f32 v18, v3;
	v3 =	vunpack.i.l.bf16.f32 v8;
	v17 =	vld [tilespmem:s14+$0xFFFFFFF0]  }
0x100: {  	v15 =	vadd.f32 v14, v15;
	v11 =	vunpack.i.u.bf16.f32 v8;
	v0 =	vadd.f32 v3, v0;
	v18 =	vld [tilespmem:s14+$0xFFFFFF90]  }
0x101: {  	v8 =	vadd.f32 v11, v1;
	v3 =	vadd.f32 v7, v2;
	v21 =	vld [tilespmem:s14+$0xFFFFFFA0]  }
0x102: {  	v11 =	vunpack.i.u.bf16.f32 v10;
	v2 =	vadd.f32 v6, v9;
	v1 =	vunpack.i.l.bf16.f32 v10  }
0x103: {  	v1 =	vadd.f32 v1, v0;
	v0 =	vadd.f32 v11, v8;
	v11 =	vld [tilespmem:s14+$0xFFFFFFB0]  }
0x104: {  	v12 =	vunpack.i.u.bf16.f32 v19;
	v14 =	vunpack.i.l.bf16.f32 v19;
	v9 =	vunpack.i.u.bf16.f32 v16  }
0x105: {  	v8 =	vld [tilespmem:s14+$0xFFFFFFC0];
	v13 =	vunpack.i.l.bf16.f32 v16;
	v6 =	vunpack.i.u.bf16.f32 v17;
	v7 =	vunpack.i.l.bf16.f32 v17  }
0x106: {  	v10 =	vunpack.i.u.bf16.f32 v18;
	v17 =	vunpack.i.l.bf16.f32 v18;
	v16 =	vunpack.i.u.bf16.f32 v21  }
0x107: {  	s13 =	simm.s32 $0x0;
	s1 =	simm.s32 $0xAE70;
	v18 =	vunpack.i.l.bf16.f32 v21;
	v17 =	vadd.f32 v17, v15;
	v15 =	vadd.f32 v10, v20;
	v10 =	vld [tilespmem:s14+$0x0]  }
.LBB2_17:
0x108: {  	v19 =	vld [tilespmem:s1+$0xFFFFFFD0];
	v5 =	vadd.f32 v18, v5;
	v4 =	vadd.f32 v16, v4;
	v16 =	vunpack.i.u.bf16.f32 v11  }
0x109: {  	v11 =	vunpack.i.l.bf16.f32 v11;
	v18 =	vld [tilespmem:s1+$0xFFFFFFE0];
	v17 =	vadd.f32 v14, v17;
	v15 =	vadd.f32 v12, v15  }
0x10a: {  	v20 =	vld [tilespmem:s1+$0xFFFFFFF0];
	v12 =	vunpack.i.u.bf16.f32 v8;
	v5 =	vadd.f32 v13, v5;
	v4 =	vadd.f32 v9, v4  }
0x10b: {  	v3 =	vadd.f32 v11, v3;
	v2 =	vadd.f32 v16, v2;
	v8 =	vunpack.i.l.bf16.f32 v8;
	v21 =	vld [tilespmem:s1+$0xFFFFFF90]  }
0x10c: {  	s13 =	sadd.s32 $0x2, s13;
	v1 =	vadd.f32 v8, v1;
	v0 =	vadd.f32 v12, v0;
	v22 =	vld [tilespmem:s1+$0xFFFFFFA0];
	v8 =	vunpack.i.u.bf16.f32 v10  }
0x10d: {  	p1 =	slt.u32 s13, $0x18;
	v3 =	vadd.f32 v7, v3;
	v2 =	vadd.f32 v6, v2;
	v6 =	vunpack.i.l.bf16.f32 v10  }
.Ltmp9:
0x10e: {  	v1 =	vadd.f32 v6, v1;
	v0 =	vadd.f32 v8, v0;
	v11 =	vld [tilespmem:s1+$0xFFFFFFB0];
	(pc) =	sbr.rel @p1 .LBB2_17-.Ltmp9, $4  }
0x10f: {  	v12 =	vunpack.i.u.bf16.f32 v19;
	v14 =	vunpack.i.l.bf16.f32 v19;
	v9 =	vunpack.i.u.bf16.f32 v18  }
0x110: {  	v13 =	vunpack.i.l.bf16.f32 v18;
	v6 =	vunpack.i.u.bf16.f32 v20;
	v7 =	vunpack.i.l.bf16.f32 v20;
	v8 =	vld [tilespmem:s1+$0xFFFFFFC0]  }
0x111: {  	v10 =	vunpack.i.u.bf16.f32 v21;
	v18 =	vunpack.i.l.bf16.f32 v21;
	v16 =	vunpack.i.u.bf16.f32 v22  }
0x112: {  	v17 =	vadd.f32 v18, v17;
	v15 =	vadd.f32 v10, v15;
	v18 =	vunpack.i.l.bf16.f32 v22;
	v10 =	vld [tilespmem:s1+$0x0];
	s1 =	sadd.s32 $0x80, s1  }
0x113: {  	_ = 	snop  }
0x114: {  	v5 =	vadd.f32 v18, v5;
	s1 =	sshll.u32 s10, $0x8;
	v14 =	vadd.f32 v14, v17  }
0x115: {  	v4 =	vadd.f32 v16, v4;
	v16 =	vunpack.i.l.bf16.f32 v11;
	v12 =	vadd.f32 v12, v15;
	s13 =	sand.u32 $0x3FFFFF00, s1  }
0x116: {  	v11 =	vunpack.i.u.bf16.f32 v11;
	v3 =	vadd.f32 v16, v3;
	v5 =	vadd.f32 v13, v5;
	[tilespmem:s13+$0xE800] =	vst v14  }
0x117: {  	v2 =	vadd.f32 v11, v2;
	v4 =	vadd.f32 v9, v4;
	v9 =	vunpack.i.l.bf16.f32 v8;
	[tilespmem:s13+$0xE810] =	vst v12  }
0x118: {  	v8 =	vunpack.i.u.bf16.f32 v8;
	v1 =	vadd.f32 v9, v1;
	v3 =	vadd.f32 v7, v3;
	[tilespmem:s13+$0xE820] =	vst v5  }
0x119: {  	v0 =	vadd.f32 v8, v0;
	v2 =	vadd.f32 v6, v2;
	v5 =	vunpack.i.l.bf16.f32 v10;
	[tilespmem:s13+$0xE830] =	vst v4  }
0x11a: {  	v4 =	vunpack.i.u.bf16.f32 v10;
	v1 =	vadd.f32 v5, v1;
	[tilespmem:s13+$0xE840] =	vst v3  }
0x11b: {  	v0 =	vadd.f32 v4, v0;
	[tilespmem:s13+$0xE850] =	vst v2  }
0x11c: {  	[tilespmem:s13+$0xE860] =	vst v1  }
0x11d: {  	s14 =	simm.s32 @!p0 $0x1A;
	s4 =	simm.s32 @!p0 $0xAD80;
	s1 =	sadd.s32 @!p0 $0x2E0, s12;
	[tilespmem:s13+$0xE870] =	vst v0  }
0x11e: {  	[tilespmem:s4], [sflag:$0x8] =	stream.indirect.gather @!p0 [hbm4b:s3+s14], $0x40, s1, s14, $0xb8;
	[tilespmem:$0x12800] =	vst v63  }
0x11f: {  	_ =	swait.ge [sflag:s24], $0x680  }
0x120: {  	[sflag:s24] =	ssyncset.done $0x0  }
0x121: {  	s4 =	simm.s32 $0xB470;
	[sflag:s24] =	ssyncadd.s32 $0xFFFFF980  }
0x122: {  	v0 =	vld [tilespmem:s4+$0xFFFFFFD0]  }
0x123: {  	v1 =	vld [tilespmem:s4+$0xFFFFFFE0]  }
0x124: {  	v3 =	vld [tilespmem:s4+$0xFFFFFFF0]  }
0x125: {  	v6 =	vld [tilespmem:s4+$0xFFFFFF90]  }
0x126: {  	v7 =	vld [tilespmem:s4+$0xFFFFFFA0];
	_ =	sdelay $0x1  }
0x127: {  	v13 =	vimm.f32 $0.0e+00;
	v8 =	vimm.f32 $0.0e+00;
	v2 =	vimm.f32 $0.0e+00  }
0x128: {  	v14 =	vld [tilespmem:s4+$0xFFFFFFB0];
	v4 =	vunpack.i.u.bf16.f32 v0;
	v12 =	vunpack.i.l.bf16.f32 v0;
	v5 =	vunpack.i.u.bf16.f32 v1  }
0x129: {  	v11 =	vunpack.i.l.bf16.f32 v1;
	v0 =	vunpack.i.u.bf16.f32 v3;
	v1 =	vunpack.i.l.bf16.f32 v3  }
0x12a: {  	v9 =	vld [tilespmem:s4+$0xFFFFFFC0];
	v3 =	vunpack.i.u.bf16.f32 v6;
	v6 =	vunpack.i.l.bf16.f32 v6;
	v17 =	vunpack.i.u.bf16.f32 v7  }
0x12b: {  	v18 =	vunpack.i.l.bf16.f32 v7;
	v7 =	vimm.f32 $0.0e+00;
	v15 =	vadd.f32 v6, v2  }
0x12c: {  	s14 =	simm.s32 $0x0;
	s1 =	simm.s32 $0xB4F0;
	v10 =	vld [tilespmem:s4+$0x0];
	v16 =	vadd.f32 v3, v2;
	v3 =	vimm.f32 $0.0e+00;
	v6 =	vimm.f32 $0.0e+00  }
.LBB2_19:
0x12d: {  	v19 =	vld [tilespmem:s1+$0xFFFFFFD0];
	v2 =	vadd.f32 v18, v2;
	v13 =	vadd.f32 v17, v13;
	v17 =	vunpack.i.u.bf16.f32 v14  }
0x12e: {  	v14 =	vunpack.i.l.bf16.f32 v14;
	v18 =	vld [tilespmem:s1+$0xFFFFFFE0];
	v15 =	vadd.f32 v12, v15;
	v16 =	vadd.f32 v4, v16  }
0x12f: {  	v20 =	vld [tilespmem:s1+$0xFFFFFFF0];
	v4 =	vunpack.i.u.bf16.f32 v9;
	v2 =	vadd.f32 v11, v2;
	v13 =	vadd.f32 v5, v13  }
0x130: {  	v3 =	vadd.f32 v14, v3;
	v5 =	vadd.f32 v17, v8;
	v8 =	vunpack.i.l.bf16.f32 v9;
	v21 =	vld [tilespmem:s1+$0xFFFFFF90]  }
0x131: {  	s14 =	sadd.s32 $0x2, s14;
	v6 =	vadd.f32 v8, v6;
	v4 =	vadd.f32 v4, v7;
	v22 =	vld [tilespmem:s1+$0xFFFFFFA0];
	v7 =	vunpack.i.u.bf16.f32 v10  }
0x132: {  	p1 =	slt.u32 s14, $0x18;
	v3 =	vadd.f32 v1, v3;
	v8 =	vadd.f32 v0, v5;
	v0 =	vunpack.i.l.bf16.f32 v10  }
.Ltmp10:
0x133: {  	v6 =	vadd.f32 v0, v6;
	v7 =	vadd.f32 v7, v4;
	v14 =	vld [tilespmem:s1+$0xFFFFFFB0];
	(pc) =	sbr.rel @p1 .LBB2_19-.Ltmp10, $4  }
0x134: {  	v4 =	vunpack.i.u.bf16.f32 v19;
	v12 =	vunpack.i.l.bf16.f32 v19;
	v5 =	vunpack.i.u.bf16.f32 v18  }
0x135: {  	v11 =	vunpack.i.l.bf16.f32 v18;
	v0 =	vunpack.i.u.bf16.f32 v20;
	v1 =	vunpack.i.l.bf16.f32 v20;
	v9 =	vld [tilespmem:s1+$0xFFFFFFC0]  }
0x136: {  	v10 =	vunpack.i.u.bf16.f32 v21;
	v18 =	vunpack.i.l.bf16.f32 v21;
	v17 =	vunpack.i.u.bf16.f32 v22  }
0x137: {  	v15 =	vadd.f32 v18, v15;
	v16 =	vadd.f32 v10, v16;
	v18 =	vunpack.i.l.bf16.f32 v22;
	v10 =	vld [tilespmem:s1+$0x0];
	s1 =	sadd.s32 $0x80, s1  }
0x138: {  	s1 =	sadd.s32 @!p0 $0x300, s12;
	s4 =	simm.s32 @!p0 $0x1A;
	s14 =	simm.s32 @!p0 $0xB400  }
0x139: {  	[tilespmem:s14], [sflag:$0x9] =	stream.indirect.gather @!p0 [hbm4b:s3+s4], $0x40, s1, s4, $0xb8;
	[tilespmem:$0x12800] =	vst v63  }
0x13a: {  	_ =	swait.ge [sflag:s25], $0x680  }
0x13b: {  	[sflag:s25] =	ssyncset.done $0x0  }
0x13c: {  	s4 =	simm.s32 $0xBAF0;
	[sflag:s25] =	ssyncadd.s32 $0xFFFFF980  }
0x13d: {  	v2 =	vadd.f32 v18, v2;
	v13 =	vadd.f32 v17, v13;
	v17 =	vunpack.i.u.bf16.f32 v14;
	v18 =	vld [tilespmem:s4+$0xFFFFFFD0]  }
0x13e: {  	v14 =	vunpack.i.l.bf16.f32 v14;
	v15 =	vadd.f32 v12, v15;
	v16 =	vadd.f32 v4, v16;
	v12 =	vld [tilespmem:s4+$0xFFFFFFE0]  }
0x13f: {  	v19 =	vunpack.i.u.bf16.f32 v9;
	v4 =	vadd.f32 v11, v2;
	v5 =	vadd.f32 v5, v13;
	v20 =	vld [tilespmem:s4+$0xFFFFFFF0]  }
0x140: {  	v2 =	vadd.f32 v14, v3;
	v3 =	vadd.f32 v17, v8;
	v8 =	vunpack.i.l.bf16.f32 v9;
	v17 =	vld [tilespmem:s4+$0xFFFFFF90]  }
0x141: {  	v6 =	vadd.f32 v8, v6;
	v7 =	vadd.f32 v19, v7;
	v8 =	vunpack.i.u.bf16.f32 v10;
	v19 =	vld [tilespmem:s4+$0xFFFFFFA0]  }
0x142: {  	v2 =	vadd.f32 v1, v2;
	v3 =	vadd.f32 v0, v3;
	v0 =	vunpack.i.l.bf16.f32 v10  }
0x143: {  	v0 =	vadd.f32 v0, v6;
	v1 =	vadd.f32 v8, v7;
	v13 =	vld [tilespmem:s4+$0xFFFFFFB0]  }
0x144: {  	v11 =	vunpack.i.u.bf16.f32 v18;
	v14 =	vunpack.i.l.bf16.f32 v18;
	v9 =	vunpack.i.u.bf16.f32 v12  }
0x145: {  	v8 =	vld [tilespmem:s4+$0xFFFFFFC0];
	v12 =	vunpack.i.l.bf16.f32 v12;
	v6 =	vunpack.i.u.bf16.f32 v20;
	v7 =	vunpack.i.l.bf16.f32 v20  }
0x146: {  	v10 =	vunpack.i.u.bf16.f32 v17;
	v18 =	vunpack.i.l.bf16.f32 v17;
	v17 =	vunpack.i.u.bf16.f32 v19  }
0x147: {  	s14 =	simm.s32 $0x0;
	s1 =	simm.s32 $0xBB70;
	v15 =	vadd.f32 v18, v15;
	v16 =	vadd.f32 v10, v16;
	v18 =	vunpack.i.l.bf16.f32 v19;
	v10 =	vld [tilespmem:s4+$0x0]  }
.LBB2_21:
0x148: {  	v19 =	vld [tilespmem:s1+$0xFFFFFFD0];
	v4 =	vadd.f32 v18, v4;
	v5 =	vadd.f32 v17, v5;
	v17 =	vunpack.i.u.bf16.f32 v13  }
0x149: {  	v13 =	vunpack.i.l.bf16.f32 v13;
	v18 =	vld [tilespmem:s1+$0xFFFFFFE0];
	v15 =	vadd.f32 v14, v15;
	v16 =	vadd.f32 v11, v16  }
0x14a: {  	v20 =	vld [tilespmem:s1+$0xFFFFFFF0];
	v11 =	vunpack.i.u.bf16.f32 v8;
	v4 =	vadd.f32 v12, v4;
	v5 =	vadd.f32 v9, v5  }
0x14b: {  	v2 =	vadd.f32 v13, v2;
	v3 =	vadd.f32 v17, v3;
	v8 =	vunpack.i.l.bf16.f32 v8;
	v21 =	vld [tilespmem:s1+$0xFFFFFF90]  }
0x14c: {  	s14 =	sadd.s32 $0x2, s14;
	v0 =	vadd.f32 v8, v0;
	v1 =	vadd.f32 v11, v1;
	v22 =	vld [tilespmem:s1+$0xFFFFFFA0];
	v8 =	vunpack.i.u.bf16.f32 v10  }
0x14d: {  	p1 =	slt.u32 s14, $0x18;
	v2 =	vadd.f32 v7, v2;
	v3 =	vadd.f32 v6, v3;
	v6 =	vunpack.i.l.bf16.f32 v10  }
.Ltmp11:
0x14e: {  	v0 =	vadd.f32 v6, v0;
	v1 =	vadd.f32 v8, v1;
	v13 =	vld [tilespmem:s1+$0xFFFFFFB0];
	(pc) =	sbr.rel @p1 .LBB2_21-.Ltmp11, $4  }
0x14f: {  	v11 =	vunpack.i.u.bf16.f32 v19;
	v14 =	vunpack.i.l.bf16.f32 v19;
	v9 =	vunpack.i.u.bf16.f32 v18  }
0x150: {  	v12 =	vunpack.i.l.bf16.f32 v18;
	v6 =	vunpack.i.u.bf16.f32 v20;
	v7 =	vunpack.i.l.bf16.f32 v20;
	v8 =	vld [tilespmem:s1+$0xFFFFFFC0]  }
0x151: {  	v10 =	vunpack.i.u.bf16.f32 v21;
	v18 =	vunpack.i.l.bf16.f32 v21;
	v17 =	vunpack.i.u.bf16.f32 v22  }
0x152: {  	v15 =	vadd.f32 v18, v15;
	v16 =	vadd.f32 v10, v16;
	v18 =	vunpack.i.l.bf16.f32 v22;
	v10 =	vld [tilespmem:s1+$0x0];
	s1 =	sadd.s32 $0x80, s1  }
0x153: {  	s1 =	sadd.s32 @!p0 $0x320, s12;
	s4 =	simm.s32 @!p0 $0x1A;
	s14 =	simm.s32 @!p0 $0xBA80  }
0x154: {  	[tilespmem:s14], [sflag:$0xA] =	stream.indirect.gather @!p0 [hbm4b:s3+s4], $0x40, s1, s4, $0xb8;
	[tilespmem:$0x12800] =	vst v63  }
0x155: {  	_ =	swait.ge [sflag:s26], $0x680  }
0x156: {  	[sflag:s26] =	ssyncset.done $0x0  }
0x157: {  	v4 =	vadd.f32 v18, v4;
	v5 =	vadd.f32 v17, v5;
	v17 =	vunpack.i.u.bf16.f32 v13;
	s4 =	simm.s32 $0xC100;
	[sflag:s26] =	ssyncadd.s32 $0xFFFFF980  }
0x158: {  	v13 =	vunpack.i.l.bf16.f32 v13;
	v15 =	vadd.f32 v14, v15;
	v16 =	vadd.f32 v11, v16;
	v18 =	vld [tilespmem:s4+$0x40]  }
0x159: {  	v2 =	vadd.f32 v13, v2;
	v3 =	vadd.f32 v17, v3;
	v19 =	vld [tilespmem:s4+$0x50]  }
0x15a: {  	v11 =	vunpack.i.u.bf16.f32 v8;
	v4 =	vadd.f32 v12, v4;
	v8 =	vunpack.i.l.bf16.f32 v8;
	v20 =	vld [tilespmem:s4+$0x60]  }
0x15b: {  	v5 =	vadd.f32 v9, v5;
	v0 =	vadd.f32 v8, v0;
	v17 =	vld [tilespmem:s4+$0x0]  }
0x15c: {  	v1 =	vadd.f32 v11, v1;
	v2 =	vadd.f32 v7, v2;
	v21 =	vld [tilespmem:s4+$0x10]  }
0x15d: {  	v3 =	vadd.f32 v6, v3;
	v8 =	vunpack.i.u.bf16.f32 v10;
	v6 =	vunpack.i.l.bf16.f32 v10  }
0x15e: {  	v0 =	vadd.f32 v6, v0;
	v1 =	vadd.f32 v8, v1;
	v13 =	vld [tilespmem:s4+$0x20]  }
0x15f: {  	v11 =	vunpack.i.u.bf16.f32 v18;
	v14 =	vunpack.i.l.bf16.f32 v18;
	v9 =	vunpack.i.u.bf16.f32 v19  }
0x160: {  	v8 =	vld [tilespmem:s4+$0x30];
	v12 =	vunpack.i.l.bf16.f32 v19;
	v6 =	vunpack.i.u.bf16.f32 v20;
	v7 =	vunpack.i.l.bf16.f32 v20  }
0x161: {  	v10 =	vunpack.i.u.bf16.f32 v17;
	v18 =	vunpack.i.l.bf16.f32 v17;
	v17 =	vunpack.i.u.bf16.f32 v21  }
0x162: {  	s14 =	simm.s32 $0x0;
	s1 =	simm.s32 $0xC180;
	v15 =	vadd.f32 v18, v15;
	v16 =	vadd.f32 v10, v16;
	v18 =	vunpack.i.l.bf16.f32 v21;
	v10 =	vld [tilespmem:s4+$0x70]  }
.LBB2_23:
0x163: {  	v19 =	vld [tilespmem:s1+$0x40];
	v4 =	vadd.f32 v18, v4;
	v5 =	vadd.f32 v17, v5;
	v17 =	vunpack.i.u.bf16.f32 v13  }
0x164: {  	v13 =	vunpack.i.l.bf16.f32 v13;
	v18 =	vld [tilespmem:s1+$0x50];
	v15 =	vadd.f32 v14, v15;
	v16 =	vadd.f32 v11, v16  }
0x165: {  	v20 =	vld [tilespmem:s1+$0x60];
	v11 =	vunpack.i.u.bf16.f32 v8;
	v4 =	vadd.f32 v12, v4;
	v5 =	vadd.f32 v9, v5  }
0x166: {  	v2 =	vadd.f32 v13, v2;
	v3 =	vadd.f32 v17, v3;
	v8 =	vunpack.i.l.bf16.f32 v8;
	v21 =	vld [tilespmem:s1+$0x0]  }
0x167: {  	s14 =	sadd.s32 $0x2, s14;
	v0 =	vadd.f32 v8, v0;
	v1 =	vadd.f32 v11, v1;
	v22 =	vld [tilespmem:s1+$0x10];
	v8 =	vunpack.i.u.bf16.f32 v10  }
0x168: {  	p1 =	slt.u32 s14, $0x18;
	v2 =	vadd.f32 v7, v2;
	v3 =	vadd.f32 v6, v3;
	v6 =	vunpack.i.l.bf16.f32 v10  }
.Ltmp12:
0x169: {  	v0 =	vadd.f32 v6, v0;
	v1 =	vadd.f32 v8, v1;
	v13 =	vld [tilespmem:s1+$0x20];
	(pc) =	sbr.rel @p1 .LBB2_23-.Ltmp12, $4  }
0x16a: {  	v11 =	vunpack.i.u.bf16.f32 v19;
	v14 =	vunpack.i.l.bf16.f32 v19;
	v9 =	vunpack.i.u.bf16.f32 v18  }
0x16b: {  	v12 =	vunpack.i.l.bf16.f32 v18;
	v6 =	vunpack.i.u.bf16.f32 v20;
	v7 =	vunpack.i.l.bf16.f32 v20;
	v8 =	vld [tilespmem:s1+$0x30]  }
0x16c: {  	v10 =	vunpack.i.u.bf16.f32 v21;
	v18 =	vunpack.i.l.bf16.f32 v21;
	v17 =	vunpack.i.u.bf16.f32 v22  }
0x16d: {  	v15 =	vadd.f32 v18, v15;
	v16 =	vadd.f32 v10, v16;
	v18 =	vunpack.i.l.bf16.f32 v22;
	v10 =	vld [tilespmem:s1+$0x70];
	s1 =	sadd.s32 $0x80, s1  }
0x16e: {  	s1 =	sadd.s32 @!p0 $0x340, s12;
	s4 =	simm.s32 @!p0 $0x1A;
	s14 =	simm.s32 @!p0 $0xC100  }
0x16f: {  	[tilespmem:s14], [sflag:$0xB] =	stream.indirect.gather @!p0 [hbm4b:s3+s4], $0x40, s1, s4, $0xb8;
	[tilespmem:$0x12800] =	vst v63  }
0x170: {  	_ =	swait.ge [sflag:s28], $0x680  }
0x171: {  	[sflag:s28] =	ssyncset.done $0x0  }
0x172: {  	v4 =	vadd.f32 v18, v4;
	v5 =	vadd.f32 v17, v5;
	v17 =	vunpack.i.u.bf16.f32 v13;
	s4 =	simm.s32 $0xC780;
	[sflag:s28] =	ssyncadd.s32 $0xFFFFF980  }
0x173: {  	v13 =	vunpack.i.l.bf16.f32 v13;
	v15 =	vadd.f32 v14, v15;
	v16 =	vadd.f32 v11, v16;
	v18 =	vld [tilespmem:s4+$0x40]  }
0x174: {  	v2 =	vadd.f32 v13, v2;
	v3 =	vadd.f32 v17, v3;
	v19 =	vld [tilespmem:s4+$0x50]  }
0x175: {  	v11 =	vunpack.i.u.bf16.f32 v8;
	v4 =	vadd.f32 v12, v4;
	v8 =	vunpack.i.l.bf16.f32 v8;
	v20 =	vld [tilespmem:s4+$0x60]  }
0x176: {  	v5 =	vadd.f32 v9, v5;
	v0 =	vadd.f32 v8, v0;
	v17 =	vld [tilespmem:s4+$0x0]  }
0x177: {  	v1 =	vadd.f32 v11, v1;
	v2 =	vadd.f32 v7, v2;
	v21 =	vld [tilespmem:s4+$0x10]  }
0x178: {  	v3 =	vadd.f32 v6, v3;
	v8 =	vunpack.i.u.bf16.f32 v10;
	v6 =	vunpack.i.l.bf16.f32 v10  }
0x179: {  	v0 =	vadd.f32 v6, v0;
	v1 =	vadd.f32 v8, v1;
	v13 =	vld [tilespmem:s4+$0x20]  }
0x17a: {  	v11 =	vunpack.i.u.bf16.f32 v18;
	v14 =	vunpack.i.l.bf16.f32 v18;
	v9 =	vunpack.i.u.bf16.f32 v19  }
0x17b: {  	v8 =	vld [tilespmem:s4+$0x30];
	v12 =	vunpack.i.l.bf16.f32 v19;
	v6 =	vunpack.i.u.bf16.f32 v20;
	v7 =	vunpack.i.l.bf16.f32 v20  }
0x17c: {  	v10 =	vunpack.i.u.bf16.f32 v17;
	v18 =	vunpack.i.l.bf16.f32 v17;
	v17 =	vunpack.i.u.bf16.f32 v21  }
0x17d: {  	s14 =	simm.s32 $0x0;
	s1 =	simm.s32 $0xC800;
	v15 =	vadd.f32 v18, v15;
	v16 =	vadd.f32 v10, v16;
	v18 =	vunpack.i.l.bf16.f32 v21;
	v10 =	vld [tilespmem:s4+$0x70]  }
.LBB2_25:
0x17e: {  	v19 =	vld [tilespmem:s1+$0x40];
	v4 =	vadd.f32 v18, v4;
	v5 =	vadd.f32 v17, v5;
	v17 =	vunpack.i.u.bf16.f32 v13  }
0x17f: {  	v13 =	vunpack.i.l.bf16.f32 v13;
	v18 =	vld [tilespmem:s1+$0x50];
	v15 =	vadd.f32 v14, v15;
	v16 =	vadd.f32 v11, v16  }
0x180: {  	v20 =	vld [tilespmem:s1+$0x60];
	v11 =	vunpack.i.u.bf16.f32 v8;
	v4 =	vadd.f32 v12, v4;
	v5 =	vadd.f32 v9, v5  }
0x181: {  	v2 =	vadd.f32 v13, v2;
	v3 =	vadd.f32 v17, v3;
	v8 =	vunpack.i.l.bf16.f32 v8;
	v21 =	vld [tilespmem:s1+$0x0]  }
0x182: {  	s14 =	sadd.s32 $0x2, s14;
	v0 =	vadd.f32 v8, v0;
	v1 =	vadd.f32 v11, v1;
	v22 =	vld [tilespmem:s1+$0x10];
	v8 =	vunpack.i.u.bf16.f32 v10  }
0x183: {  	p1 =	slt.u32 s14, $0x18;
	v2 =	vadd.f32 v7, v2;
	v3 =	vadd.f32 v6, v3;
	v6 =	vunpack.i.l.bf16.f32 v10  }
.Ltmp13:
0x184: {  	v0 =	vadd.f32 v6, v0;
	v1 =	vadd.f32 v8, v1;
	v13 =	vld [tilespmem:s1+$0x20];
	(pc) =	sbr.rel @p1 .LBB2_25-.Ltmp13, $4  }
0x185: {  	v11 =	vunpack.i.u.bf16.f32 v19;
	v14 =	vunpack.i.l.bf16.f32 v19;
	v9 =	vunpack.i.u.bf16.f32 v18  }
0x186: {  	v12 =	vunpack.i.l.bf16.f32 v18;
	v6 =	vunpack.i.u.bf16.f32 v20;
	v7 =	vunpack.i.l.bf16.f32 v20;
	v8 =	vld [tilespmem:s1+$0x30]  }
0x187: {  	v10 =	vunpack.i.u.bf16.f32 v21;
	v18 =	vunpack.i.l.bf16.f32 v21;
	v17 =	vunpack.i.u.bf16.f32 v22  }
0x188: {  	v15 =	vadd.f32 v18, v15;
	v16 =	vadd.f32 v10, v16;
	v18 =	vunpack.i.l.bf16.f32 v22;
	v10 =	vld [tilespmem:s1+$0x70];
	s1 =	sadd.s32 $0x80, s1  }
0x189: {  	s1 =	sadd.s32 @!p0 $0x360, s12;
	s4 =	simm.s32 @!p0 $0x1A;
	s14 =	simm.s32 @!p0 $0xC780  }
0x18a: {  	[tilespmem:s14], [sflag:$0xC] =	stream.indirect.gather @!p0 [hbm4b:s3+s4], $0x40, s1, s4, $0xb8;
	[tilespmem:$0x12800] =	vst v63  }
0x18b: {  	_ =	swait.ge [sflag:s29], $0x680  }
0x18c: {  	[sflag:s29] =	ssyncset.done $0x0  }
0x18d: {  	v4 =	vadd.f32 v18, v4;
	v5 =	vadd.f32 v17, v5;
	v17 =	vunpack.i.u.bf16.f32 v13;
	s4 =	simm.s32 $0xCE00;
	[sflag:s29] =	ssyncadd.s32 $0xFFFFF980  }
0x18e: {  	v13 =	vunpack.i.l.bf16.f32 v13;
	v15 =	vadd.f32 v14, v15;
	v16 =	vadd.f32 v11, v16;
	v18 =	vld [tilespmem:s4+$0x40]  }
0x18f: {  	v2 =	vadd.f32 v13, v2;
	v3 =	vadd.f32 v17, v3;
	v19 =	vld [tilespmem:s4+$0x50]  }
0x190: {  	v11 =	vunpack.i.u.bf16.f32 v8;
	v4 =	vadd.f32 v12, v4;
	v8 =	vunpack.i.l.bf16.f32 v8;
	v20 =	vld [tilespmem:s4+$0x60]  }
0x191: {  	v5 =	vadd.f32 v9, v5;
	v0 =	vadd.f32 v8, v0;
	v17 =	vld [tilespmem:s4+$0x0]  }
0x192: {  	v1 =	vadd.f32 v11, v1;
	v2 =	vadd.f32 v7, v2;
	v21 =	vld [tilespmem:s4+$0x10]  }
0x193: {  	v3 =	vadd.f32 v6, v3;
	v8 =	vunpack.i.u.bf16.f32 v10;
	v6 =	vunpack.i.l.bf16.f32 v10  }
0x194: {  	v0 =	vadd.f32 v6, v0;
	v1 =	vadd.f32 v8, v1;
	v13 =	vld [tilespmem:s4+$0x20]  }
0x195: {  	v11 =	vunpack.i.u.bf16.f32 v18;
	v14 =	vunpack.i.l.bf16.f32 v18;
	v9 =	vunpack.i.u.bf16.f32 v19  }
0x196: {  	v8 =	vld [tilespmem:s4+$0x30];
	v12 =	vunpack.i.l.bf16.f32 v19;
	v6 =	vunpack.i.u.bf16.f32 v20;
	v7 =	vunpack.i.l.bf16.f32 v20  }
0x197: {  	v10 =	vunpack.i.u.bf16.f32 v17;
	v18 =	vunpack.i.l.bf16.f32 v17;
	v17 =	vunpack.i.u.bf16.f32 v21  }
0x198: {  	s14 =	simm.s32 $0x0;
	s1 =	simm.s32 $0xCE80;
	v15 =	vadd.f32 v18, v15;
	v16 =	vadd.f32 v10, v16;
	v18 =	vunpack.i.l.bf16.f32 v21;
	v10 =	vld [tilespmem:s4+$0x70]  }
.LBB2_27:
0x199: {  	v19 =	vld [tilespmem:s1+$0x40];
	v4 =	vadd.f32 v18, v4;
	v5 =	vadd.f32 v17, v5;
	v17 =	vunpack.i.u.bf16.f32 v13  }
0x19a: {  	v13 =	vunpack.i.l.bf16.f32 v13;
	v18 =	vld [tilespmem:s1+$0x50];
	v15 =	vadd.f32 v14, v15;
	v16 =	vadd.f32 v11, v16  }
0x19b: {  	v20 =	vld [tilespmem:s1+$0x60];
	v11 =	vunpack.i.u.bf16.f32 v8;
	v4 =	vadd.f32 v12, v4;
	v5 =	vadd.f32 v9, v5  }
0x19c: {  	v2 =	vadd.f32 v13, v2;
	v3 =	vadd.f32 v17, v3;
	v8 =	vunpack.i.l.bf16.f32 v8;
	v21 =	vld [tilespmem:s1+$0x0]  }
0x19d: {  	s14 =	sadd.s32 $0x2, s14;
	v0 =	vadd.f32 v8, v0;
	v1 =	vadd.f32 v11, v1;
	v22 =	vld [tilespmem:s1+$0x10];
	v8 =	vunpack.i.u.bf16.f32 v10  }
0x19e: {  	p1 =	slt.u32 s14, $0x18;
	v2 =	vadd.f32 v7, v2;
	v3 =	vadd.f32 v6, v3;
	v6 =	vunpack.i.l.bf16.f32 v10  }
.Ltmp14:
0x19f: {  	v0 =	vadd.f32 v6, v0;
	v1 =	vadd.f32 v8, v1;
	v13 =	vld [tilespmem:s1+$0x20];
	(pc) =	sbr.rel @p1 .LBB2_27-.Ltmp14, $4  }
0x1a0: {  	v11 =	vunpack.i.u.bf16.f32 v19;
	v14 =	vunpack.i.l.bf16.f32 v19;
	v9 =	vunpack.i.u.bf16.f32 v18  }
0x1a1: {  	v12 =	vunpack.i.l.bf16.f32 v18;
	v6 =	vunpack.i.u.bf16.f32 v20;
	v7 =	vunpack.i.l.bf16.f32 v20;
	v8 =	vld [tilespmem:s1+$0x30]  }
0x1a2: {  	v10 =	vunpack.i.u.bf16.f32 v21;
	v18 =	vunpack.i.l.bf16.f32 v21;
	v17 =	vunpack.i.u.bf16.f32 v22  }
0x1a3: {  	v15 =	vadd.f32 v18, v15;
	v16 =	vadd.f32 v10, v16;
	v18 =	vunpack.i.l.bf16.f32 v22;
	v10 =	vld [tilespmem:s1+$0x70];
	s1 =	sadd.s32 $0x80, s1  }
0x1a4: {  	s1 =	sadd.s32 @!p0 $0x380, s12;
	s4 =	simm.s32 @!p0 $0x1A;
	s14 =	simm.s32 @!p0 $0xCE00  }
0x1a5: {  	[tilespmem:s14], [sflag:$0xD] =	stream.indirect.gather @!p0 [hbm4b:s3+s4], $0x40, s1, s4, $0xb8;
	[tilespmem:$0x12800] =	vst v63  }
0x1a6: {  	_ =	swait.ge [sflag:s30], $0x680  }
0x1a7: {  	[sflag:s30] =	ssyncset.done $0x0  }
0x1a8: {  	v4 =	vadd.f32 v18, v4;
	v5 =	vadd.f32 v17, v5;
	v17 =	vunpack.i.u.bf16.f32 v13;
	s4 =	simm.s32 $0xD480;
	[sflag:s30] =	ssyncadd.s32 $0xFFFFF980  }
0x1a9: {  	v13 =	vunpack.i.l.bf16.f32 v13;
	v15 =	vadd.f32 v14, v15;
	v16 =	vadd.f32 v11, v16;
	v18 =	vld [tilespmem:s4+$0x40]  }
0x1aa: {  	v2 =	vadd.f32 v13, v2;
	v3 =	vadd.f32 v17, v3;
	v19 =	vld [tilespmem:s4+$0x50]  }
0x1ab: {  	v11 =	vunpack.i.u.bf16.f32 v8;
	v4 =	vadd.f32 v12, v4;
	v8 =	vunpack.i.l.bf16.f32 v8;
	v20 =	vld [tilespmem:s4+$0x60]  }
0x1ac: {  	v5 =	vadd.f32 v9, v5;
	v0 =	vadd.f32 v8, v0;
	v17 =	vld [tilespmem:s4+$0x0]  }
0x1ad: {  	v1 =	vadd.f32 v11, v1;
	v2 =	vadd.f32 v7, v2;
	v21 =	vld [tilespmem:s4+$0x10]  }
0x1ae: {  	v3 =	vadd.f32 v6, v3;
	v8 =	vunpack.i.u.bf16.f32 v10;
	v6 =	vunpack.i.l.bf16.f32 v10  }
0x1af: {  	v0 =	vadd.f32 v6, v0;
	v1 =	vadd.f32 v8, v1;
	v13 =	vld [tilespmem:s4+$0x20]  }
0x1b0: {  	v11 =	vunpack.i.u.bf16.f32 v18;
	v14 =	vunpack.i.l.bf16.f32 v18;
	v9 =	vunpack.i.u.bf16.f32 v19  }
0x1b1: {  	v8 =	vld [tilespmem:s4+$0x30];
	v12 =	vunpack.i.l.bf16.f32 v19;
	v6 =	vunpack.i.u.bf16.f32 v20;
	v7 =	vunpack.i.l.bf16.f32 v20  }
0x1b2: {  	v10 =	vunpack.i.u.bf16.f32 v17;
	v18 =	vunpack.i.l.bf16.f32 v17;
	v17 =	vunpack.i.u.bf16.f32 v21  }
0x1b3: {  	s14 =	simm.s32 $0x0;
	s1 =	simm.s32 $0xD500;
	v15 =	vadd.f32 v18, v15;
	v16 =	vadd.f32 v10, v16;
	v18 =	vunpack.i.l.bf16.f32 v21;
	v10 =	vld [tilespmem:s4+$0x70]  }
.LBB2_29:
0x1b4: {  	v19 =	vld [tilespmem:s1+$0x40];
	v4 =	vadd.f32 v18, v4;
	v5 =	vadd.f32 v17, v5;
	v17 =	vunpack.i.u.bf16.f32 v13  }
0x1b5: {  	v13 =	vunpack.i.l.bf16.f32 v13;
	v18 =	vld [tilespmem:s1+$0x50];
	v15 =	vadd.f32 v14, v15;
	v16 =	vadd.f32 v11, v16  }
0x1b6: {  	v20 =	vld [tilespmem:s1+$0x60];
	v11 =	vunpack.i.u.bf16.f32 v8;
	v4 =	vadd.f32 v12, v4;
	v5 =	vadd.f32 v9, v5  }
0x1b7: {  	v2 =	vadd.f32 v13, v2;
	v3 =	vadd.f32 v17, v3;
	v8 =	vunpack.i.l.bf16.f32 v8;
	v21 =	vld [tilespmem:s1+$0x0]  }
0x1b8: {  	s14 =	sadd.s32 $0x2, s14;
	v0 =	vadd.f32 v8, v0;
	v1 =	vadd.f32 v11, v1;
	v22 =	vld [tilespmem:s1+$0x10];
	v8 =	vunpack.i.u.bf16.f32 v10  }
0x1b9: {  	p1 =	slt.u32 s14, $0x18;
	v2 =	vadd.f32 v7, v2;
	v3 =	vadd.f32 v6, v3;
	v6 =	vunpack.i.l.bf16.f32 v10  }
.Ltmp15:
0x1ba: {  	v0 =	vadd.f32 v6, v0;
	v1 =	vadd.f32 v8, v1;
	v13 =	vld [tilespmem:s1+$0x20];
	(pc) =	sbr.rel @p1 .LBB2_29-.Ltmp15, $4  }
0x1bb: {  	v11 =	vunpack.i.u.bf16.f32 v19;
	v14 =	vunpack.i.l.bf16.f32 v19;
	v9 =	vunpack.i.u.bf16.f32 v18  }
0x1bc: {  	v12 =	vunpack.i.l.bf16.f32 v18;
	v6 =	vunpack.i.u.bf16.f32 v20;
	v7 =	vunpack.i.l.bf16.f32 v20;
	v8 =	vld [tilespmem:s1+$0x30]  }
0x1bd: {  	v10 =	vunpack.i.u.bf16.f32 v21;
	v18 =	vunpack.i.l.bf16.f32 v21;
	v17 =	vunpack.i.u.bf16.f32 v22  }
0x1be: {  	v15 =	vadd.f32 v18, v15;
	v16 =	vadd.f32 v10, v16;
	v18 =	vunpack.i.l.bf16.f32 v22;
	v10 =	vld [tilespmem:s1+$0x70];
	s1 =	sadd.s32 $0x80, s1  }
0x1bf: {  	s1 =	sadd.s32 @!p0 $0x3A0, s12;
	s4 =	simm.s32 @!p0 $0x1A;
	s14 =	simm.s32 @!p0 $0xD480  }
0x1c0: {  	[tilespmem:s14], [sflag:$0xE] =	stream.indirect.gather @!p0 [hbm4b:s3+s4], $0x40, s1, s4, $0xb8;
	[tilespmem:$0x12800] =	vst v63  }
0x1c1: {  	_ =	swait.ge [sflag:s31], $0x680  }
0x1c2: {  	[sflag:s31] =	ssyncset.done $0x0  }
0x1c3: {  	v4 =	vadd.f32 v18, v4;
	v5 =	vadd.f32 v17, v5;
	v17 =	vunpack.i.u.bf16.f32 v13;
	s4 =	simm.s32 $0xDB00;
	[sflag:s31] =	ssyncadd.s32 $0xFFFFF980  }
0x1c4: {  	v13 =	vunpack.i.l.bf16.f32 v13;
	v15 =	vadd.f32 v14, v15;
	v16 =	vadd.f32 v11, v16;
	v18 =	vld [tilespmem:s4+$0x40]  }
0x1c5: {  	v2 =	vadd.f32 v13, v2;
	v3 =	vadd.f32 v17, v3;
	v19 =	vld [tilespmem:s4+$0x50]  }
0x1c6: {  	v11 =	vunpack.i.u.bf16.f32 v8;
	v4 =	vadd.f32 v12, v4;
	v8 =	vunpack.i.l.bf16.f32 v8;
	v20 =	vld [tilespmem:s4+$0x60]  }
0x1c7: {  	v5 =	vadd.f32 v9, v5;
	v0 =	vadd.f32 v8, v0;
	v17 =	vld [tilespmem:s4+$0x0]  }
0x1c8: {  	v1 =	vadd.f32 v11, v1;
	v2 =	vadd.f32 v7, v2;
	v21 =	vld [tilespmem:s4+$0x10]  }
0x1c9: {  	v3 =	vadd.f32 v6, v3;
	v8 =	vunpack.i.u.bf16.f32 v10;
	v6 =	vunpack.i.l.bf16.f32 v10  }
0x1ca: {  	v0 =	vadd.f32 v6, v0;
	v1 =	vadd.f32 v8, v1;
	v13 =	vld [tilespmem:s4+$0x20]  }
0x1cb: {  	v11 =	vunpack.i.u.bf16.f32 v18;
	v14 =	vunpack.i.l.bf16.f32 v18;
	v9 =	vunpack.i.u.bf16.f32 v19  }
0x1cc: {  	v8 =	vld [tilespmem:s4+$0x30];
	v12 =	vunpack.i.l.bf16.f32 v19;
	v6 =	vunpack.i.u.bf16.f32 v20;
	v7 =	vunpack.i.l.bf16.f32 v20  }
0x1cd: {  	v10 =	vunpack.i.u.bf16.f32 v17;
	v18 =	vunpack.i.l.bf16.f32 v17;
	v17 =	vunpack.i.u.bf16.f32 v21  }
0x1ce: {  	s14 =	simm.s32 $0x0;
	s1 =	simm.s32 $0xDB80;
	v15 =	vadd.f32 v18, v15;
	v16 =	vadd.f32 v10, v16;
	v18 =	vunpack.i.l.bf16.f32 v21;
	v10 =	vld [tilespmem:s4+$0x70]  }
.LBB2_31:
0x1cf: {  	v19 =	vld [tilespmem:s1+$0x40];
	v4 =	vadd.f32 v18, v4;
	v5 =	vadd.f32 v17, v5;
	v17 =	vunpack.i.u.bf16.f32 v13  }
0x1d0: {  	v13 =	vunpack.i.l.bf16.f32 v13;
	v18 =	vld [tilespmem:s1+$0x50];
	v15 =	vadd.f32 v14, v15;
	v16 =	vadd.f32 v11, v16  }
0x1d1: {  	v20 =	vld [tilespmem:s1+$0x60];
	v11 =	vunpack.i.u.bf16.f32 v8;
	v4 =	vadd.f32 v12, v4;
	v5 =	vadd.f32 v9, v5  }
0x1d2: {  	v2 =	vadd.f32 v13, v2;
	v3 =	vadd.f32 v17, v3;
	v8 =	vunpack.i.l.bf16.f32 v8;
	v21 =	vld [tilespmem:s1+$0x0]  }
0x1d3: {  	s14 =	sadd.s32 $0x2, s14;
	v0 =	vadd.f32 v8, v0;
	v1 =	vadd.f32 v11, v1;
	v22 =	vld [tilespmem:s1+$0x10];
	v8 =	vunpack.i.u.bf16.f32 v10  }
0x1d4: {  	p1 =	slt.u32 s14, $0x18;
	v2 =	vadd.f32 v7, v2;
	v3 =	vadd.f32 v6, v3;
	v6 =	vunpack.i.l.bf16.f32 v10  }
.Ltmp16:
0x1d5: {  	v0 =	vadd.f32 v6, v0;
	v1 =	vadd.f32 v8, v1;
	v13 =	vld [tilespmem:s1+$0x20];
	(pc) =	sbr.rel @p1 .LBB2_31-.Ltmp16, $4  }
0x1d6: {  	v11 =	vunpack.i.u.bf16.f32 v19;
	v14 =	vunpack.i.l.bf16.f32 v19;
	v9 =	vunpack.i.u.bf16.f32 v18  }
0x1d7: {  	v12 =	vunpack.i.l.bf16.f32 v18;
	v6 =	vunpack.i.u.bf16.f32 v20;
	v7 =	vunpack.i.l.bf16.f32 v20;
	v8 =	vld [tilespmem:s1+$0x30]  }
0x1d8: {  	v10 =	vunpack.i.u.bf16.f32 v21;
	v18 =	vunpack.i.l.bf16.f32 v21;
	v17 =	vunpack.i.u.bf16.f32 v22  }
0x1d9: {  	v15 =	vadd.f32 v18, v15;
	v16 =	vadd.f32 v10, v16;
	v18 =	vunpack.i.l.bf16.f32 v22;
	v10 =	vld [tilespmem:s1+$0x70];
	s1 =	sadd.s32 $0x80, s1  }
0x1da: {  	s1 =	sadd.s32 @!p0 $0x3C0, s12;
	s4 =	simm.s32 @!p0 $0x1A;
	s12 =	simm.s32 @!p0 $0xDB00  }
0x1db: {  	[tilespmem:s12], [sflag:$0xF] =	stream.indirect.gather @!p0 [hbm4b:s3+s4], $0x40, s1, s4, $0xb8;
	[tilespmem:$0x12800] =	vst v63  }
0x1dc: {  	_ =	swait.ge [sflag:s0], $0x680  }
0x1dd: {  	[sflag:s0] =	ssyncset.done $0x0  }
0x1de: {  	s14 =	simm.s32 $0xE180;
	v4 =	vadd.f32 v18, v4;
	v17 =	vadd.f32 v17, v5;
	[sflag:s0] =	ssyncadd.s32 $0xFFFFF980  }
0x1df: {  	v18 =	vunpack.i.u.bf16.f32 v13;
	v13 =	vunpack.i.l.bf16.f32 v13;
	v20 =	vadd.f32 v11, v16;
	v19 =	vld [tilespmem:s14+$0x40]  }
0x1e0: {  	v2 =	vadd.f32 v13, v2;
	v5 =	vadd.f32 v12, v4;
	v16 =	vld [tilespmem:s14+$0x50]  }
0x1e1: {  	v4 =	vadd.f32 v9, v17;
	v9 =	vadd.f32 v18, v3;
	v3 =	vunpack.i.l.bf16.f32 v8;
	v17 =	vld [tilespmem:s14+$0x60]  }
0x1e2: {  	v15 =	vadd.f32 v14, v15;
	v11 =	vunpack.i.u.bf16.f32 v8;
	v0 =	vadd.f32 v3, v0;
	v18 =	vld [tilespmem:s14+$0x0]  }
0x1e3: {  	v8 =	vadd.f32 v11, v1;
	v3 =	vadd.f32 v7, v2;
	v21 =	vld [tilespmem:s14+$0x10]  }
0x1e4: {  	v11 =	vunpack.i.u.bf16.f32 v10;
	v2 =	vadd.f32 v6, v9;
	v1 =	vunpack.i.l.bf16.f32 v10  }
0x1e5: {  	v1 =	vadd.f32 v1, v0;
	v0 =	vadd.f32 v11, v8;
	v11 =	vld [tilespmem:s14+$0x20]  }
0x1e6: {  	v12 =	vunpack.i.u.bf16.f32 v19;
	v14 =	vunpack.i.l.bf16.f32 v19;
	v9 =	vunpack.i.u.bf16.f32 v16  }
0x1e7: {  	v8 =	vld [tilespmem:s14+$0x30];
	v13 =	vunpack.i.l.bf16.f32 v16;
	v6 =	vunpack.i.u.bf16.f32 v17;
	v7 =	vunpack.i.l.bf16.f32 v17  }
0x1e8: {  	v10 =	vunpack.i.u.bf16.f32 v18;
	v17 =	vunpack.i.l.bf16.f32 v18;
	v16 =	vunpack.i.u.bf16.f32 v21  }
0x1e9: {  	s12 =	simm.s32 $0x0;
	s1 =	simm.s32 $0xE200;
	v18 =	vunpack.i.l.bf16.f32 v21;
	v17 =	vadd.f32 v17, v15;
	v15 =	vadd.f32 v10, v20;
	v10 =	vld [tilespmem:s14+$0x70]  }
.LBB2_33:
0x1ea: {  	v19 =	vld [tilespmem:s1+$0x40];
	v5 =	vadd.f32 v18, v5;
	v4 =	vadd.f32 v16, v4;
	v16 =	vunpack.i.u.bf16.f32 v11  }
0x1eb: {  	v11 =	vunpack.i.l.bf16.f32 v11;
	v18 =	vld [tilespmem:s1+$0x50];
	v17 =	vadd.f32 v14, v17;
	v15 =	vadd.f32 v12, v15  }
0x1ec: {  	v20 =	vld [tilespmem:s1+$0x60];
	v12 =	vunpack.i.u.bf16.f32 v8;
	v5 =	vadd.f32 v13, v5;
	v4 =	vadd.f32 v9, v4  }
0x1ed: {  	v3 =	vadd.f32 v11, v3;
	v2 =	vadd.f32 v16, v2;
	v8 =	vunpack.i.l.bf16.f32 v8;
	v21 =	vld [tilespmem:s1+$0x0]  }
0x1ee: {  	s12 =	sadd.s32 $0x2, s12;
	v1 =	vadd.f32 v8, v1;
	v0 =	vadd.f32 v12, v0;
	v22 =	vld [tilespmem:s1+$0x10];
	v8 =	vunpack.i.u.bf16.f32 v10  }
0x1ef: {  	p1 =	slt.u32 s12, $0x18;
	v3 =	vadd.f32 v7, v3;
	v2 =	vadd.f32 v6, v2;
	v6 =	vunpack.i.l.bf16.f32 v10  }
.Ltmp17:
0x1f0: {  	v1 =	vadd.f32 v6, v1;
	v0 =	vadd.f32 v8, v0;
	v11 =	vld [tilespmem:s1+$0x20];
	(pc) =	sbr.rel @p1 .LBB2_33-.Ltmp17, $4  }
0x1f1: {  	v12 =	vunpack.i.u.bf16.f32 v19;
	v14 =	vunpack.i.l.bf16.f32 v19;
	v9 =	vunpack.i.u.bf16.f32 v18  }
0x1f2: {  	v13 =	vunpack.i.l.bf16.f32 v18;
	v6 =	vunpack.i.u.bf16.f32 v20;
	v7 =	vunpack.i.l.bf16.f32 v20;
	v8 =	vld [tilespmem:s1+$0x30]  }
0x1f3: {  	v10 =	vunpack.i.u.bf16.f32 v21;
	v18 =	vunpack.i.l.bf16.f32 v21;
	v16 =	vunpack.i.u.bf16.f32 v22  }
0x1f4: {  	v17 =	vadd.f32 v18, v17;
	v15 =	vadd.f32 v10, v15;
	v18 =	vunpack.i.l.bf16.f32 v22;
	v10 =	vld [tilespmem:s1+$0x70];
	s1 =	sadd.s32 $0x80, s1  }
0x1f5: {  	_ = 	snop  }
0x1f6: {  	v5 =	vadd.f32 v18, v5;
	v14 =	vadd.f32 v14, v17  }
0x1f7: {  	v4 =	vadd.f32 v16, v4;
	v58 =	vunpack.i.l.bf16.f32 v11;
	v12 =	vadd.f32 v12, v15  }
0x1f8: {  	v59 =	vunpack.i.u.bf16.f32 v11;
	v3 =	vadd.f32 v58, v3;
	v5 =	vadd.f32 v13, v5;
	[tilespmem:s13+$0xE880] =	vst v14  }
0x1f9: {  	v2 =	vadd.f32 v59, v2;
	v4 =	vadd.f32 v9, v4;
	v60 =	vunpack.i.l.bf16.f32 v8;
	[tilespmem:s13+$0xE890] =	vst v12  }
0x1fa: {  	v61 =	vunpack.i.u.bf16.f32 v8;
	v1 =	vadd.f32 v60, v1;
	v3 =	vadd.f32 v7, v3;
	[tilespmem:s13+$0xE8A0] =	vst v5  }
.Ltmp18:
0x1fb: {  	v0 =	vadd.f32 v61, v0;
	v2 =	vadd.f32 v6, v2;
	v62 =	vunpack.i.l.bf16.f32 v10;
	[tilespmem:s13+$0xE8B0] =	vst v4;
	(pc) =	sbr.rel @p0 .LBB2_36-.Ltmp18, $4  }
0x1fc: {  	v63 =	vunpack.i.u.bf16.f32 v10;
	v1 =	vadd.f32 v62, v1;
	[tilespmem:s13+$0xE8C0] =	vst v3  }
0x1fd: {  	v0 =	vadd.f32 v63, v0;
	[tilespmem:s13+$0xE8D0] =	vst v2  }
0x1fe: {  	[tilespmem:s13+$0xE8E0] =	vst v1  }
0x1ff: {  	[tilespmem:s13+$0xE8F0] =	vst v0  }
.Ltmp19:
0x200: {  	(pc) =	sbr.rel .LBB2_2-.Ltmp19, $4  }
0x201: {  	_ = 	snop  }
0x202: {  	s1 =	sshrl.u32 s11, $0x2  }
0x203: {  	s10 =	sadd.s32 $0x1, s10;
	s1 =	sadd.s32 $0x3E0, s1  }
0x204: {  	[tilespmem:s15], [sflag:$0x10] =	stream.indirect.gather [hbm4b:s3+s8], $0x40, s1, s8, $0xb8;
	[tilespmem:$0x12800] =	vst v63  }
.LBB2_37:
0x205: {  	_ =	sfence.sel $0x180000  }
0x206: {  	[bflag:$0x0] =	sbarrier.arrive $0xFFFF  }
0x207: {  	_ =	strace $0x90000047  }
0x208: {  	s0 =	stileid.u32;
	[bflag:$0x2] =	sbarrier.arrive $0xFFFF  }
0x209: {  	p0 =	sne.s32 s0, $0x0;
	s0 =	rddreg [dreg:$0x1]  }
0x20a: {  	s0 =	sadd.s32 @!p0 $0x100000, s0  }
0x20b: {  	[sflag:s0] =	ssyncadd.tile.s32 @!p0 $0x1;
	_ =	shalt  }
.Lfunc_end2:
_tile_overlayer_lowered:
.L_overlay_start_2:
0x20c: {  	(tag) =	ssettag $0x2  }
0x20d: {  	s0 =	rddreg [dreg:$0x0];
	s2 =	stileid.u32  }
0x20e: {  	s1 =	rddreg [dreg:$0x1];
	p0 =	sne.s32 s2, $0x0  }
0x20f: {  	s3 =	rddreg [dreg:$0x2];
	[bflag:$0x3] =	sbarrier.arrive $0xFFFF;
	s2 =	simm.s32 @!p0 $0x1C11  }
0x210: {  	[timem:s3], [sflag:s2] =	dma.local @!p0 [hbm:s0], s1  }
0x211: {  	s0 =	simm.s32 @!p0 $0x11  }
0x212: {  	_ =	swait.ge @!p0 [sflag:s0], s1  }
0x213: {  	s1 =	ssub.s32 @!p0 $0x0, s1;
	[sflag:s0] =	ssyncset.done @!p0 $0x0  }
0x214: {  	[sflag:s0] =	ssyncadd.s32 @!p0 s1  }
0x215: {  	[bflag:$0x3] =	sbarrier.arrive $0xFFFF  }
0x216: {  	_ =	shalt  }

</sc_bundles>
